<compile_context>
chip_gen: v7x
topology: tpu7x:2x2x1
jax: 0.10.2.dev20260603
libtpu: 0.0.44.dev20260713+nightly
codegen_flags: <defaults>
</compile_context>

<pallas_src>
import functools

import jax
import jax.numpy as jnp
from jax import lax
from jax.experimental import pallas as pl
from jax.experimental.pallas import tpu as pltpu
from jax.experimental.pallas import tpu_sc as plsc

B = 16384
CTX = 20
D = 64
L = 16
NC = 2
NS = 16
NW = NC * NS
ROWS_PER_W = B // NW
CHUNK = 32
N_CHUNKS = ROWS_PER_W // CHUNK
IDX_PER_CHUNK = CHUNK * CTX
G = 128
NG = IDX_PER_CHUNK // G


def _make_kernel():
    mesh = plsc.VectorSubcoreMesh(
        core_axis_name="c", subcore_axis_name="s", num_cores=NC, num_subcores=NS
    )

    @functools.partial(
        pl.kernel,
        out_type=jax.ShapeDtypeStruct((B, D), jnp.float32),
        mesh=mesh,
        compiler_params=pltpu.CompilerParams(use_tc_tiling_on_sc=False),
        scratch_types=[
            pltpu.VMEM((IDX_PER_CHUNK,), jnp.int32),
            pltpu.VMEM((IDX_PER_CHUNK,), jnp.int32),
            pltpu.VMEM((IDX_PER_CHUNK, D), jnp.float32),
            pltpu.VMEM((IDX_PER_CHUNK, D), jnp.float32),
            pltpu.VMEM((CHUNK, D), jnp.float32),
            pltpu.SemaphoreType.DMA,
            pltpu.SemaphoreType.DMA,
        ],
    )
    def cbow_kernel(x_hbm, table_hbm, out_hbm, idx0, idx1, rows0, rows1,
                    out_v, sem0, sem1):
        wid = lax.axis_index("s") * NC + lax.axis_index("c")
        base = wid * ROWS_PER_W
        idxs, rows, sems = (idx0, idx1), (rows0, rows1), (sem0, sem1)

        def stage_and_fire(ci, par):
            cbase = base + ci * CHUNK
            pltpu.sync_copy(x_hbm.at[pl.ds(cbase * CTX, IDX_PER_CHUNK)],
                            idxs[par])
            for g in range(NG):
                pltpu.async_copy(
                    table_hbm.at[idxs[par].at[pl.ds(g * G, G)]],
                    rows[par].at[pl.ds(g * G, G)],
                    sems[par],
                )

        def drain(par):
            for g in range(NG):
                pltpu.make_async_copy(
                    table_hbm.at[idxs[par].at[pl.ds(g * G, G)]],
                    rows[par].at[pl.ds(g * G, G)],
                    sems[par],
                ).wait()

        stage_and_fire(0, 0)
        stage_and_fire(1, 1)

        def chunk_pair(gi, carry):
            for par in range(2):
                ci = 2 * gi + par
                cbase = base + ci * CHUNK
                drain(par)
                rows_v = rows[par]

                @plsc.parallel_loop(0, CHUNK, step=1, unroll=2)
                def _red(b):
                    r0 = b * CTX
                    for k in range(D // L):
                        acc = rows_v[r0, pl.ds(k * L, L)]
                        for j in range(1, CTX):
                            acc = acc + rows_v[r0 + j, pl.ds(k * L, L)]
                        out_v[b, pl.ds(k * L, L)] = acc * jnp.float32(1.0 / CTX)

                pltpu.sync_copy(out_v, out_hbm.at[pl.ds(cbase, CHUNK)])

                @pl.when(ci + 2 < N_CHUNKS)
                def _prefetch():
                    stage_and_fire(ci + 2, par)
            return carry

        lax.fori_loop(0, N_CHUNKS // 2, chunk_pair, 0)

    return cbow_kernel


_cbow = _make_kernel()


@jax.jit
def kernel(x, y, table):
    del y
    x_flat = x.astype(jnp.int32).reshape(B * CTX)
    return _cbow(x_flat, table)

# --- scband reference (transcript-rebuilt; emitter-appended) ---
"""Pipeline reference for scband-cbow-ngs-6803228197029 (READ-ONLY COPY).

The authoritative reference and input builder live on the scoring server;
editing this copy changes nothing except your own understanding.
"""

import jax, jax.numpy as jnp
import numpy as np

VOCAB = 1000000
N_EMBED = 64
BATCH = 16384
CTX = 20

def setup_inputs(seed: int = 0) -> dict:
    key = jax.random.key(seed)
    k1, k2, k3 = jax.random.split(key, 3)
    x = jax.random.randint(k1, (BATCH, CTX), 0, VOCAB, dtype=jnp.int64 if jax.config.jax_enable_x64 else jnp.int32)
    y = jax.random.randint(k2, (BATCH,), 0, VOCAB, dtype=jnp.int64 if jax.config.jax_enable_x64 else jnp.int32)
    table = jax.random.normal(k3, (VOCAB, N_EMBED), dtype=jnp.float32)
    return {"x": x, "y": y, "table": table}

def reference(x, y, table):
    # x = self.embedding(x)
    xe = jnp.take(table, x, axis=0)  # [B, CTX, D]
    # x = x.mean(dim=1)
    out = xe.mean(axis=1)            # [B, D]
    # y = self.embedding(y) -- computed in the original forward but unused in the return
    ye = jnp.take(table, y, axis=0)  # [B, D]
    _ = ye
    return out

if __name__ == "__main__":
    import jax
    _d = setup_inputs()
    print(jax.jit(kernel)(*tuple(_d.values())))

</pallas_src>

<mosaic_0001>
#map = affine_map<(d0, d1) -> (0)>
#map1 = affine_map<(d0, d1) -> (0, 0)>
module attributes {stable_mosaic.version = 14 : i64} {
  func.func @cbow_kernel(%arg0: i32, %arg1: i32, %arg2: memref<327680xi32, #tpu.memory_space<hbm>>, %arg3: memref<1000000x64xf32, #tpu.memory_space<hbm>>, %arg4: memref<16384x64xf32, #tpu.memory_space<hbm>>, %arg5: memref<640xi32, #tpu.memory_space<vmem>>, %arg6: memref<640xi32, #tpu.memory_space<vmem>>, %arg7: memref<640x64xf32, #tpu.memory_space<vmem>>, %arg8: memref<640x64xf32, #tpu.memory_space<vmem>>, %arg9: memref<32x64xf32, #tpu.memory_space<vmem>>, %arg10: memref<!tpu.dma_semaphore, #tpu.memory_space<semaphore_mem>>, %arg11: memref<!tpu.dma_semaphore, #tpu.memory_space<semaphore_mem>>) attributes {dimension_semantics = [#tpu.dimension_semantics<core_parallel>, #tpu.dimension_semantics<subcore_parallel>], iteration_bounds = array<i64: 2, 16>, scalar_prefetch = 0 : i64, scratch_operands = 7 : i64, tpu.core_type = #tpu.core_type<sc_vector_subcore>, window_params = [{transform_indices = #map}, {transform_indices = #map1}, {transform_indices = #map1}]} {
    %mul3A = arith.constant 2 : i32
    %mul3A_0 = arith.muli %arg1, %mul3A : i32
    %add3A = arith.addi %mul3A_0, %arg0 : i32
    %mul3A_1 = arith.constant 512 : i32
    %mul3A_2 = arith.muli %add3A, %mul3A_1 : i32
    %add3A_3 = arith.constant 0 : i32
    %add3A_4 = arith.addi %mul3A_2, %add3A_3 : i32
    %mul3A_5 = arith.constant 20 : i32
    %mul3A_6 = arith.muli %add3A_4, %mul3A_5 : i32
    "tpu.region"() ({
      %run_scoped3A = tpu.sem_alloc : memref<!tpu.dma_semaphore, #tpu.memory_space<semaphore_mem>>
      %dma_start3A_95 = tpu.memref_slice %arg2[%mul3A_6] : memref<327680xi32, #tpu.memory_space<hbm>> -> memref<640xi32, #tpu.memory_space<hbm>>
      %dma_start3A_96 = tpu.memref_slice %arg2[%mul3A_6] : memref<327680xi32, #tpu.memory_space<hbm>> -> memref<640xi32, #tpu.memory_space<hbm>>
      tpu.enqueue_dma source(%dma_start3A_96 : memref<640xi32, #tpu.memory_space<hbm>>) target(%arg5 : memref<640xi32, #tpu.memory_space<vmem>>) target_semaphore(%run_scoped3A : memref<!tpu.dma_semaphore, #tpu.memory_space<semaphore_mem>>)
      %dma_wait3A = tpu.memref_slice %arg2[%mul3A_6] : memref<327680xi32, #tpu.memory_space<hbm>> -> memref<640xi32, #tpu.memory_space<hbm>>
      %dma_wait3A_97 = tpu.memref_slice %arg2[%mul3A_6] : memref<327680xi32, #tpu.memory_space<hbm>> -> memref<640xi32, #tpu.memory_space<hbm>>
      tpu.wait_dma2 semaphore(%run_scoped3A : memref<!tpu.dma_semaphore, #tpu.memory_space<semaphore_mem>>) src(%dma_wait3A_97 : memref<640xi32, #tpu.memory_space<hbm>>) dst(%arg5 : memref<640xi32, #tpu.memory_space<vmem>>)
      tpu.yield
    }) : () -> ()
    %dma_start3A = arith.constant 0 : i32
    %dma_start3A_7 = arith.constant 0 : i32
    %dma_start3A_8 = tpu.memref_slice %arg7[%dma_start3A, %dma_start3A_7] : memref<640x64xf32, #tpu.memory_space<vmem>> -> memref<128x64xf32, #tpu.memory_space<vmem>>
    %dma_start3A_9 = arith.constant 0 : i32
    %dma_start3A_10 = tpu.memref_slice %arg5[%dma_start3A_9] : memref<640xi32, #tpu.memory_space<vmem>> -> memref<128xi32, #tpu.memory_space<vmem>>
    %dma_start3A_11 = arith.constant 0 : i32
    %dma_start3A_12 = arith.constant 0 : i32
    %dma_start3A_13 = tpu.memref_slice %arg3[%dma_start3A_11, %dma_start3A_12] : memref<1000000x64xf32, #tpu.memory_space<hbm>> -> memref<1000000x64xf32, #tpu.memory_space<hbm>>
    tpu.enqueue_indirect_dma source(%dma_start3A_13 : memref<1000000x64xf32, #tpu.memory_space<hbm>>) target(%dma_start3A_8 : memref<128x64xf32, #tpu.memory_space<vmem>>) offsets(%dma_start3A_10 : memref<128xi32, #tpu.memory_space<vmem>>) semaphore(%arg10 : memref<!tpu.dma_semaphore, #tpu.memory_space<semaphore_mem>>)
    %dma_start3A_14 = arith.constant 128 : i32
    %dma_start3A_15 = arith.constant 0 : i32
    %dma_start3A_16 = tpu.memref_slice %arg7[%dma_start3A_14, %dma_start3A_15] : memref<640x64xf32, #tpu.memory_space<vmem>> -> memref<128x64xf32, #tpu.memory_space<vmem>>
    %dma_start3A_17 = arith.constant 128 : i32
    %dma_start3A_18 = tpu.memref_slice %arg5[%dma_start3A_17] : memref<640xi32, #tpu.memory_space<vmem>> -> memref<128xi32, #tpu.memory_space<vmem>>
    %dma_start3A_19 = arith.constant 0 : i32
    %dma_start3A_20 = arith.constant 0 : i32
    %dma_start3A_21 = tpu.memref_slice %arg3[%dma_start3A_19, %dma_start3A_20] : memref<1000000x64xf32, #tpu.memory_space<hbm>> -> memref<1000000x64xf32, #tpu.memory_space<hbm>>
    tpu.enqueue_indirect_dma source(%dma_start3A_21 : memref<1000000x64xf32, #tpu.memory_space<hbm>>) target(%dma_start3A_16 : memref<128x64xf32, #tpu.memory_space<vmem>>) offsets(%dma_start3A_18 : memref<128xi32, #tpu.memory_space<vmem>>) semaphore(%arg10 : memref<!tpu.dma_semaphore, #tpu.memory_space<semaphore_mem>>)
    %dma_start3A_22 = arith.constant 256 : i32
    %dma_start3A_23 = arith.constant 0 : i32
    %dma_start3A_24 = tpu.memref_slice %arg7[%dma_start3A_22, %dma_start3A_23] : memref<640x64xf32, #tpu.memory_space<vmem>> -> memref<128x64xf32, #tpu.memory_space<vmem>>
    %dma_start3A_25 = arith.constant 256 : i32
    %dma_start3A_26 = tpu.memref_slice %arg5[%dma_start3A_25] : memref<640xi32, #tpu.memory_space<vmem>> -> memref<128xi32, #tpu.memory_space<vmem>>
    %dma_start3A_27 = arith.constant 0 : i32
    %dma_start3A_28 = arith.constant 0 : i32
    %dma_start3A_29 = tpu.memref_slice %arg3[%dma_start3A_27, %dma_start3A_28] : memref<1000000x64xf32, #tpu.memory_space<hbm>> -> memref<1000000x64xf32, #tpu.memory_space<hbm>>
    tpu.enqueue_indirect_dma source(%dma_start3A_29 : memref<1000000x64xf32, #tpu.memory_space<hbm>>) target(%dma_start3A_24 : memref<128x64xf32, #tpu.memory_space<vmem>>) offsets(%dma_start3A_26 : memref<128xi32, #tpu.memory_space<vmem>>) semaphore(%arg10 : memref<!tpu.dma_semaphore, #tpu.memory_space<semaphore_mem>>)
    %dma_start3A_30 = arith.constant 384 : i32
    %dma_start3A_31 = arith.constant 0 : i32
    %dma_start3A_32 = tpu.memref_slice %arg7[%dma_start3A_30, %dma_start3A_31] : memref<640x64xf32, #tpu.memory_space<vmem>> -> memref<128x64xf32, #tpu.memory_space<vmem>>
    %dma_start3A_33 = arith.constant 384 : i32
    %dma_start3A_34 = tpu.memref_slice %arg5[%dma_start3A_33] : memref<640xi32, #tpu.memory_space<vmem>> -> memref<128xi32, #tpu.memory_space<vmem>>
    %dma_start3A_35 = arith.constant 0 : i32
    %dma_start3A_36 = arith.constant 0 : i32
    %dma_start3A_37 = tpu.memref_slice %arg3[%dma_start3A_35, %dma_start3A_36] : memref<1000000x64xf32, #tpu.memory_space<hbm>> -> memref<1000000x64xf32, #tpu.memory_space<hbm>>
    tpu.enqueue_indirect_dma source(%dma_start3A_37 : memref<1000000x64xf32, #tpu.memory_space<hbm>>) target(%dma_start3A_32 : memref<128x64xf32, #tpu.memory_space<vmem>>) offsets(%dma_start3A_34 : memref<128xi32, #tpu.memory_space<vmem>>) semaphore(%arg10 : memref<!tpu.dma_semaphore, #tpu.memory_space<semaphore_mem>>)
    %dma_start3A_38 = arith.constant 512 : i32
    %dma_start3A_39 = arith.constant 0 : i32
    %dma_start3A_40 = tpu.memref_slice %arg7[%dma_start3A_38, %dma_start3A_39] : memref<640x64xf32, #tpu.memory_space<vmem>> -> memref<128x64xf32, #tpu.memory_space<vmem>>
    %dma_start3A_41 = arith.constant 512 : i32
    %dma_start3A_42 = tpu.memref_slice %arg5[%dma_start3A_41] : memref<640xi32, #tpu.memory_space<vmem>> -> memref<128xi32, #tpu.memory_space<vmem>>
    %dma_start3A_43 = arith.constant 0 : i32
    %dma_start3A_44 = arith.constant 0 : i32
    %dma_start3A_45 = tpu.memref_slice %arg3[%dma_start3A_43, %dma_start3A_44] : memref<1000000x64xf32, #tpu.memory_space<hbm>> -> memref<1000000x64xf32, #tpu.memory_space<hbm>>
    tpu.enqueue_indirect_dma source(%dma_start3A_45 : memref<1000000x64xf32, #tpu.memory_space<hbm>>) target(%dma_start3A_40 : memref<128x64xf32, #tpu.memory_space<vmem>>) offsets(%dma_start3A_42 : memref<128xi32, #tpu.memory_space<vmem>>) semaphore(%arg10 : memref<!tpu.dma_semaphore, #tpu.memory_space<semaphore_mem>>)
    %add3A_46 = arith.constant 32 : i32
    %add3A_47 = arith.addi %mul3A_2, %add3A_46 : i32
    %mul3A_48 = arith.constant 20 : i32
    %mul3A_49 = arith.muli %add3A_47, %mul3A_48 : i32
    "tpu.region"() ({
      %run_scoped3A = tpu.sem_alloc : memref<!tpu.dma_semaphore, #tpu.memory_space<semaphore_mem>>
      %dma_start3A_95 = tpu.memref_slice %arg2[%mul3A_49] : memref<327680xi32, #tpu.memory_space<hbm>> -> memref<640xi32, #tpu.memory_space<hbm>>
      %dma_start3A_96 = tpu.memref_slice %arg2[%mul3A_49] : memref<327680xi32, #tpu.memory_space<hbm>> -> memref<640xi32, #tpu.memory_space<hbm>>
      tpu.enqueue_dma source(%dma_start3A_96 : memref<640xi32, #tpu.memory_space<hbm>>) target(%arg6 : memref<640xi32, #tpu.memory_space<vmem>>) target_semaphore(%run_scoped3A : memref<!tpu.dma_semaphore, #tpu.memory_space<semaphore_mem>>)
      %dma_wait3A = tpu.memref_slice %arg2[%mul3A_49] : memref<327680xi32, #tpu.memory_space<hbm>> -> memref<640xi32, #tpu.memory_space<hbm>>
      %dma_wait3A_97 = tpu.memref_slice %arg2[%mul3A_49] : memref<327680xi32, #tpu.memory_space<hbm>> -> memref<640xi32, #tpu.memory_space<hbm>>
      tpu.wait_dma2 semaphore(%run_scoped3A : memref<!tpu.dma_semaphore, #tpu.memory_space<semaphore_mem>>) src(%dma_wait3A_97 : memref<640xi32, #tpu.memory_space<hbm>>) dst(%arg6 : memref<640xi32, #tpu.memory_space<vmem>>)
      tpu.yield
    }) : () -> ()
    %dma_start3A_50 = arith.constant 0 : i32
    %dma_start3A_51 = arith.constant 0 : i32
    %dma_start3A_52 = tpu.memref_slice %arg8[%dma_start3A_50, %dma_start3A_51] : memref<640x64xf32, #tpu.memory_space<vmem>> -> memref<128x64xf32, #tpu.memory_space<vmem>>
    %dma_start3A_53 = arith.constant 0 : i32
    %dma_start3A_54 = tpu.memref_slice %arg6[%dma_start3A_53] : memref<640xi32, #tpu.memory_space<vmem>> -> memref<128xi32, #tpu.memory_space<vmem>>
    %dma_start3A_55 = arith.constant 0 : i32
    %dma_start3A_56 = arith.constant 0 : i32
    %dma_start3A_57 = tpu.memref_slice %arg3[%dma_start3A_55, %dma_start3A_56] : memref<1000000x64xf32, #tpu.memory_space<hbm>> -> memref<1000000x64xf32, #tpu.memory_space<hbm>>
    tpu.enqueue_indirect_dma source(%dma_start3A_57 : memref<1000000x64xf32, #tpu.memory_space<hbm>>) target(%dma_start3A_52 : memref<128x64xf32, #tpu.memory_space<vmem>>) offsets(%dma_start3A_54 : memref<128xi32, #tpu.memory_space<vmem>>) semaphore(%arg11 : memref<!tpu.dma_semaphore, #tpu.memory_space<semaphore_mem>>)
    %dma_start3A_58 = arith.constant 128 : i32
    %dma_start3A_59 = arith.constant 0 : i32
    %dma_start3A_60 = tpu.memref_slice %arg8[%dma_start3A_58, %dma_start3A_59] : memref<640x64xf32, #tpu.memory_space<vmem>> -> memref<128x64xf32, #tpu.memory_space<vmem>>
    %dma_start3A_61 = arith.constant 128 : i32
    %dma_start3A_62 = tpu.memref_slice %arg6[%dma_start3A_61] : memref<640xi32, #tpu.memory_space<vmem>> -> memref<128xi32, #tpu.memory_space<vmem>>
    %dma_start3A_63 = arith.constant 0 : i32
    %dma_start3A_64 = arith.constant 0 : i32
    %dma_start3A_65 = tpu.memref_slice %arg3[%dma_start3A_63, %dma_start3A_64] : memref<1000000x64xf32, #tpu.memory_space<hbm>> -> memref<1000000x64xf32, #tpu.memory_space<hbm>>
    tpu.enqueue_indirect_dma source(%dma_start3A_65 : memref<1000000x64xf32, #tpu.memory_space<hbm>>) target(%dma_start3A_60 : memref<128x64xf32, #tpu.memory_space<vmem>>) offsets(%dma_start3A_62 : memref<128xi32, #tpu.memory_space<vmem>>) semaphore(%arg11 : memref<!tpu.dma_semaphore, #tpu.memory_space<semaphore_mem>>)
    %dma_start3A_66 = arith.constant 256 : i32
    %dma_start3A_67 = arith.constant 0 : i32
    %dma_start3A_68 = tpu.memref_slice %arg8[%dma_start3A_66, %dma_start3A_67] : memref<640x64xf32, #tpu.memory_space<vmem>> -> memref<128x64xf32, #tpu.memory_space<vmem>>
    %dma_start3A_69 = arith.constant 256 : i32
    %dma_start3A_70 = tpu.memref_slice %arg6[%dma_start3A_69] : memref<640xi32, #tpu.memory_space<vmem>> -> memref<128xi32, #tpu.memory_space<vmem>>
    %dma_start3A_71 = arith.constant 0 : i32
    %dma_start3A_72 = arith.constant 0 : i32
    %dma_start3A_73 = tpu.memref_slice %arg3[%dma_start3A_71, %dma_start3A_72] : memref<1000000x64xf32, #tpu.memory_space<hbm>> -> memref<1000000x64xf32, #tpu.memory_space<hbm>>
    tpu.enqueue_indirect_dma source(%dma_start3A_73 : memref<1000000x64xf32, #tpu.memory_space<hbm>>) target(%dma_start3A_68 : memref<128x64xf32, #tpu.memory_space<vmem>>) offsets(%dma_start3A_70 : memref<128xi32, #tpu.memory_space<vmem>>) semaphore(%arg11 : memref<!tpu.dma_semaphore, #tpu.memory_space<semaphore_mem>>)
    %dma_start3A_74 = arith.constant 384 : i32
    %dma_start3A_75 = arith.constant 0 : i32
    %dma_start3A_76 = tpu.memref_slice %arg8[%dma_start3A_74, %dma_start3A_75] : memref<640x64xf32, #tpu.memory_space<vmem>> -> memref<128x64xf32, #tpu.memory_space<vmem>>
    %dma_start3A_77 = arith.constant 384 : i32
    %dma_start3A_78 = tpu.memref_slice %arg6[%dma_start3A_77] : memref<640xi32, #tpu.memory_space<vmem>> -> memref<128xi32, #tpu.memory_space<vmem>>
    %dma_start3A_79 = arith.constant 0 : i32
    %dma_start3A_80 = arith.constant 0 : i32
    %dma_start3A_81 = tpu.memref_slice %arg3[%dma_start3A_79, %dma_start3A_80] : memref<1000000x64xf32, #tpu.memory_space<hbm>> -> memref<1000000x64xf32, #tpu.memory_space<hbm>>
    tpu.enqueue_indirect_dma source(%dma_start3A_81 : memref<1000000x64xf32, #tpu.memory_space<hbm>>) target(%dma_start3A_76 : memref<128x64xf32, #tpu.memory_space<vmem>>) offsets(%dma_start3A_78 : memref<128xi32, #tpu.memory_space<vmem>>) semaphore(%arg11 : memref<!tpu.dma_semaphore, #tpu.memory_space<semaphore_mem>>)
    %dma_start3A_82 = arith.constant 512 : i32
    %dma_start3A_83 = arith.constant 0 : i32
    %dma_start3A_84 = tpu.memref_slice %arg8[%dma_start3A_82, %dma_start3A_83] : memref<640x64xf32, #tpu.memory_space<vmem>> -> memref<128x64xf32, #tpu.memory_space<vmem>>
    %dma_start3A_85 = arith.constant 512 : i32
    %dma_start3A_86 = tpu.memref_slice %arg6[%dma_start3A_85] : memref<640xi32, #tpu.memory_space<vmem>> -> memref<128xi32, #tpu.memory_space<vmem>>
    %dma_start3A_87 = arith.constant 0 : i32
    %dma_start3A_88 = arith.constant 0 : i32
    %dma_start3A_89 = tpu.memref_slice %arg3[%dma_start3A_87, %dma_start3A_88] : memref<1000000x64xf32, #tpu.memory_space<hbm>> -> memref<1000000x64xf32, #tpu.memory_space<hbm>>
    tpu.enqueue_indirect_dma source(%dma_start3A_89 : memref<1000000x64xf32, #tpu.memory_space<hbm>>) target(%dma_start3A_84 : memref<128x64xf32, #tpu.memory_space<vmem>>) offsets(%dma_start3A_86 : memref<128xi32, #tpu.memory_space<vmem>>) semaphore(%arg11 : memref<!tpu.dma_semaphore, #tpu.memory_space<semaphore_mem>>)
    %scan3A = arith.constant 0 : i32
    %scan3A_90 = arith.constant 0 : i32
    %scan3A_91 = arith.constant 8 : i32
    %scan3A_92 = arith.addi %scan3A_90, %scan3A_91 : i32
    %scan3A_93 = arith.constant 1 : i32
    scf.for %scan3A_95 = %scan3A_90 to %scan3A_92 step %scan3A_93  : i32 {
      %mul3A_96 = arith.constant 2 : i32
      %mul3A_97 = arith.muli %mul3A_96, %scan3A_95 : i32
      %add3A_98 = arith.constant 0 : i32
      %add3A_99 = arith.addi %mul3A_97, %add3A_98 : i32
      %mul3A_100 = arith.constant 32 : i32
      %mul3A_101 = arith.muli %add3A_99, %mul3A_100 : i32
      %add3A_102 = arith.addi %mul3A_2, %mul3A_101 : i32
      %dma_wait3A = arith.constant 0 : i32
      %dma_wait3A_103 = arith.constant 0 : i32
      %dma_wait3A_104 = tpu.memref_slice %arg7[%dma_wait3A, %dma_wait3A_103] : memref<640x64xf32, #tpu.memory_space<vmem>> -> memref<128x64xf32, #tpu.memory_space<vmem>>
      %dma_wait3A_105 = arith.constant 0 : i32
      %dma_wait3A_106 = tpu.memref_slice %arg5[%dma_wait3A_105] : memref<640xi32, #tpu.memory_space<vmem>> -> memref<128xi32, #tpu.memory_space<vmem>>
      %dma_wait3A_107 = arith.constant 0 : i32
      %dma_wait3A_108 = arith.constant 0 : i32
      %dma_wait3A_109 = tpu.memref_slice %arg3[%dma_wait3A_107, %dma_wait3A_108] : memref<1000000x64xf32, #tpu.memory_space<hbm>> -> memref<1000000x64xf32, #tpu.memory_space<hbm>>
      tpu.wait_indirect_dma semaphore(%arg10 : memref<!tpu.dma_semaphore, #tpu.memory_space<semaphore_mem>>) src(%dma_wait3A_109 : memref<1000000x64xf32, #tpu.memory_space<hbm>>) dst(%dma_wait3A_104 : memref<128x64xf32, #tpu.memory_space<vmem>>)
      %dma_wait3A_110 = arith.constant 128 : i32
      %dma_wait3A_111 = arith.constant 0 : i32
      %dma_wait3A_112 = tpu.memref_slice %arg7[%dma_wait3A_110, %dma_wait3A_111] : memref<640x64xf32, #tpu.memory_space<vmem>> -> memref<128x64xf32, #tpu.memory_space<vmem>>
      %dma_wait3A_113 = arith.constant 128 : i32
      %dma_wait3A_114 = tpu.memref_slice %arg5[%dma_wait3A_113] : memref<640xi32, #tpu.memory_space<vmem>> -> memref<128xi32, #tpu.memory_space<vmem>>
      %dma_wait3A_115 = arith.constant 0 : i32
      %dma_wait3A_116 = arith.constant 0 : i32
      %dma_wait3A_117 = tpu.memref_slice %arg3[%dma_wait3A_115, %dma_wait3A_116] : memref<1000000x64xf32, #tpu.memory_space<hbm>> -> memref<1000000x64xf32, #tpu.memory_space<hbm>>
      tpu.wait_indirect_dma semaphore(%arg10 : memref<!tpu.dma_semaphore, #tpu.memory_space<semaphore_mem>>) src(%dma_wait3A_117 : memref<1000000x64xf32, #tpu.memory_space<hbm>>) dst(%dma_wait3A_112 : memref<128x64xf32, #tpu.memory_space<vmem>>)
      %dma_wait3A_118 = arith.constant 256 : i32
      %dma_wait3A_119 = arith.constant 0 : i32
      %dma_wait3A_120 = tpu.memref_slice %arg7[%dma_wait3A_118, %dma_wait3A_119] : memref<640x64xf32, #tpu.memory_space<vmem>> -> memref<128x64xf32, #tpu.memory_space<vmem>>
      %dma_wait3A_121 = arith.constant 256 : i32
      %dma_wait3A_122 = tpu.memref_slice %arg5[%dma_wait3A_121] : memref<640xi32, #tpu.memory_space<vmem>> -> memref<128xi32, #tpu.memory_space<vmem>>
      %dma_wait3A_123 = arith.constant 0 : i32
      %dma_wait3A_124 = arith.constant 0 : i32
      %dma_wait3A_125 = tpu.memref_slice %arg3[%dma_wait3A_123, %dma_wait3A_124] : memref<1000000x64xf32, #tpu.memory_space<hbm>> -> memref<1000000x64xf32, #tpu.memory_space<hbm>>
      tpu.wait_indirect_dma semaphore(%arg10 : memref<!tpu.dma_semaphore, #tpu.memory_space<semaphore_mem>>) src(%dma_wait3A_125 : memref<1000000x64xf32, #tpu.memory_space<hbm>>) dst(%dma_wait3A_120 : memref<128x64xf32, #tpu.memory_space<vmem>>)
      %dma_wait3A_126 = arith.constant 384 : i32
      %dma_wait3A_127 = arith.constant 0 : i32
      %dma_wait3A_128 = tpu.memref_slice %arg7[%dma_wait3A_126, %dma_wait3A_127] : memref<640x64xf32, #tpu.memory_space<vmem>> -> memref<128x64xf32, #tpu.memory_space<vmem>>
      %dma_wait3A_129 = arith.constant 384 : i32
      %dma_wait3A_130 = tpu.memref_slice %arg5[%dma_wait3A_129] : memref<640xi32, #tpu.memory_space<vmem>> -> memref<128xi32, #tpu.memory_space<vmem>>
      %dma_wait3A_131 = arith.constant 0 : i32
      %dma_wait3A_132 = arith.constant 0 : i32
      %dma_wait3A_133 = tpu.memref_slice %arg3[%dma_wait3A_131, %dma_wait3A_132] : memref<1000000x64xf32, #tpu.memory_space<hbm>> -> memref<1000000x64xf32, #tpu.memory_space<hbm>>
      tpu.wait_indirect_dma semaphore(%arg10 : memref<!tpu.dma_semaphore, #tpu.memory_space<semaphore_mem>>) src(%dma_wait3A_133 : memref<1000000x64xf32, #tpu.memory_space<hbm>>) dst(%dma_wait3A_128 : memref<128x64xf32, #tpu.memory_space<vmem>>)
      %dma_wait3A_134 = arith.constant 512 : i32
      %dma_wait3A_135 = arith.constant 0 : i32
      %dma_wait3A_136 = tpu.memref_slice %arg7[%dma_wait3A_134, %dma_wait3A_135] : memref<640x64xf32, #tpu.memory_space<vmem>> -> memref<128x64xf32, #tpu.memory_space<vmem>>
      %dma_wait3A_137 = arith.constant 512 : i32
      %dma_wait3A_138 = tpu.memref_slice %arg5[%dma_wait3A_137] : memref<640xi32, #tpu.memory_space<vmem>> -> memref<128xi32, #tpu.memory_space<vmem>>
      %dma_wait3A_139 = arith.constant 0 : i32
      %dma_wait3A_140 = arith.constant 0 : i32
      %dma_wait3A_141 = tpu.memref_slice %arg3[%dma_wait3A_139, %dma_wait3A_140] : memref<1000000x64xf32, #tpu.memory_space<hbm>> -> memref<1000000x64xf32, #tpu.memory_space<hbm>>
      tpu.wait_indirect_dma semaphore(%arg10 : memref<!tpu.dma_semaphore, #tpu.memory_space<semaphore_mem>>) src(%dma_wait3A_141 : memref<1000000x64xf32, #tpu.memory_space<hbm>>) dst(%dma_wait3A_136 : memref<128x64xf32, #tpu.memory_space<vmem>>)
      %parallel_loop3A = arith.constant 0 : i32
      %parallel_loop3A_142 = arith.constant 32 : i32
      %parallel_loop3A_143 = arith.constant 1 : i32
      scf.for %parallel_loop3A_205 = %parallel_loop3A to %parallel_loop3A_142 step %parallel_loop3A_143  : i32 {
        %parallel_loop3A_206 = arith.constant 20 : i32
        %parallel_loop3A_207 = arith.muli %parallel_loop3A_205, %parallel_loop3A_206 : i32
        %parallel_loop3A_208 = arith.index_cast %parallel_loop3A_207 : i32 to index
        %parallel_loop3A_209 = arith.constant 0 : index
        %parallel_loop3A_210 = tpu.vector_load %arg7[%parallel_loop3A_208, %parallel_loop3A_209] {strides = array<i32>} : memref<640x64xf32, #tpu.memory_space<vmem>>, vector<1x16xf32>,
        %parallel_loop3A_211 = vector.shape_cast %parallel_loop3A_210 : vector<1x16xf32> to vector<16xf32>
        %parallel_loop3A_212 = arith.constant 1 : i32
        %parallel_loop3A_213 = arith.addi %parallel_loop3A_207, %parallel_loop3A_212 : i32
        %parallel_loop3A_214 = arith.index_cast %parallel_loop3A_213 : i32 to index
        %parallel_loop3A_215 = arith.constant 0 : index
        %parallel_loop3A_216 = tpu.vector_load %arg7[%parallel_loop3A_214, %parallel_loop3A_215] {strides = array<i32>} : memref<640x64xf32, #tpu.memory_space<vmem>>, vector<1x16xf32>,
        %parallel_loop3A_217 = vector.shape_cast %parallel_loop3A_216 : vector<1x16xf32> to vector<16xf32>
        %parallel_loop3A_218 = arith.addf %parallel_loop3A_211, %parallel_loop3A_217 : vector<16xf32>
        %parallel_loop3A_219 = arith.constant 2 : i32
        %parallel_loop3A_220 = arith.addi %parallel_loop3A_207, %parallel_loop3A_219 : i32
        %parallel_loop3A_221 = arith.index_cast %parallel_loop3A_220 : i32 to index
        %parallel_loop3A_222 = arith.constant 0 : index
        %parallel_loop3A_223 = tpu.vector_load %arg7[%parallel_loop3A_221, %parallel_loop3A_222] {strides = array<i32>} : memref<640x64xf32, #tpu.memory_space<vmem>>, vector<1x16xf32>,
        %parallel_loop3A_224 = vector.shape_cast %parallel_loop3A_223 : vector<1x16xf32> to vector<16xf32>
        %parallel_loop3A_225 = arith.addf %parallel_loop3A_218, %parallel_loop3A_224 : vector<16xf32>
        %parallel_loop3A_226 = arith.constant 3 : i32
        %parallel_loop3A_227 = arith.addi %parallel_loop3A_207, %parallel_loop3A_226 : i32
        %parallel_loop3A_228 = arith.index_cast %parallel_loop3A_227 : i32 to index
        %parallel_loop3A_229 = arith.constant 0 : index
        %parallel_loop3A_230 = tpu.vector_load %arg7[%parallel_loop3A_228, %parallel_loop3A_229] {strides = array<i32>} : memref<640x64xf32, #tpu.memory_space<vmem>>, vector<1x16xf32>,
        %parallel_loop3A_231 = vector.shape_cast %parallel_loop3A_230 : vector<1x16xf32> to vector<16xf32>
        %parallel_loop3A_232 = arith.addf %parallel_loop3A_225, %parallel_loop3A_231 : vector<16xf32>
        %parallel_loop3A_233 = arith.constant 4 : i32
        %parallel_loop3A_234 = arith.addi %parallel_loop3A_207, %parallel_loop3A_233 : i32
        %parallel_loop3A_235 = arith.index_cast %parallel_loop3A_234 : i32 to index
        %parallel_loop3A_236 = arith.constant 0 : index
        %parallel_loop3A_237 = tpu.vector_load %arg7[%parallel_loop3A_235, %parallel_loop3A_236] {strides = array<i32>} : memref<640x64xf32, #tpu.memory_space<vmem>>, vector<1x16xf32>,
        %parallel_loop3A_238 = vector.shape_cast %parallel_loop3A_237 : vector<1x16xf32> to vector<16xf32>
        %parallel_loop3A_239 = arith.addf %parallel_loop3A_232, %parallel_loop3A_238 : vector<16xf32>
        %parallel_loop3A_240 = arith.constant 5 : i32
        %parallel_loop3A_241 = arith.addi %parallel_loop3A_207, %parallel_loop3A_240 : i32
        %parallel_loop3A_242 = arith.index_cast %parallel_loop3A_241 : i32 to index
        %parallel_loop3A_243 = arith.constant 0 : index
        %parallel_loop3A_244 = tpu.vector_load %arg7[%parallel_loop3A_242, %parallel_loop3A_243] {strides = array<i32>} : memref<640x64xf32, #tpu.memory_space<vmem>>, vector<1x16xf32>,
        %parallel_loop3A_245 = vector.shape_cast %parallel_loop3A_244 : vector<1x16xf32> to vector<16xf32>
        %parallel_loop3A_246 = arith.addf %parallel_loop3A_239, %parallel_loop3A_245 : vector<16xf32>
        %parallel_loop3A_247 = arith.constant 6 : i32
        %parallel_loop3A_248 = arith.addi %parallel_loop3A_207, %parallel_loop3A_247 : i32
        %parallel_loop3A_249 = arith.index_cast %parallel_loop3A_248 : i32 to index
        %parallel_loop3A_250 = arith.constant 0 : index
        %parallel_loop3A_251 = tpu.vector_load %arg7[%parallel_loop3A_249, %parallel_loop3A_250] {strides = array<i32>} : memref<640x64xf32, #tpu.memory_space<vmem>>, vector<1x16xf32>,
        %parallel_loop3A_252 = vector.shape_cast %parallel_loop3A_251 : vector<1x16xf32> to vector<16xf32>
        %parallel_loop3A_253 = arith.addf %parallel_loop3A_246, %parallel_loop3A_252 : vector<16xf32>
        %parallel_loop3A_254 = arith.constant 7 : i32
        %parallel_loop3A_255 = arith.addi %parallel_loop3A_207, %parallel_loop3A_254 : i32
        %parallel_loop3A_256 = arith.index_cast %parallel_loop3A_255 : i32 to index
        %parallel_loop3A_257 = arith.constant 0 : index
        %parallel_loop3A_258 = tpu.vector_load %arg7[%parallel_loop3A_256, %parallel_loop3A_257] {strides = array<i32>} : memref<640x64xf32, #tpu.memory_space<vmem>>, vector<1x16xf32>,
        %parallel_loop3A_259 = vector.shape_cast %parallel_loop3A_258 : vector<1x16xf32> to vector<16xf32>
        %parallel_loop3A_260 = arith.addf %parallel_loop3A_253, %parallel_loop3A_259 : vector<16xf32>
        %parallel_loop3A_261 = arith.constant 8 : i32
        %parallel_loop3A_262 = arith.addi %parallel_loop3A_207, %parallel_loop3A_261 : i32
        %parallel_loop3A_263 = arith.index_cast %parallel_loop3A_262 : i32 to index
        %parallel_loop3A_264 = arith.constant 0 : index
        %parallel_loop3A_265 = tpu.vector_load %arg7[%parallel_loop3A_263, %parallel_loop3A_264] {strides = array<i32>} : memref<640x64xf32, #tpu.memory_space<vmem>>, vector<1x16xf32>,
        %parallel_loop3A_266 = vector.shape_cast %parallel_loop3A_265 : vector<1x16xf32> to vector<16xf32>
        %parallel_loop3A_267 = arith.addf %parallel_loop3A_260, %parallel_loop3A_266 : vector<16xf32>
        %parallel_loop3A_268 = arith.constant 9 : i32
        %parallel_loop3A_269 = arith.addi %parallel_loop3A_207, %parallel_loop3A_268 : i32
        %parallel_loop3A_270 = arith.index_cast %parallel_loop3A_269 : i32 to index
        %parallel_loop3A_271 = arith.constant 0 : index
        %parallel_loop3A_272 = tpu.vector_load %arg7[%parallel_loop3A_270, %parallel_loop3A_271] {strides = array<i32>} : memref<640x64xf32, #tpu.memory_space<vmem>>, vector<1x16xf32>,
        %parallel_loop3A_273 = vector.shape_cast %parallel_loop3A_272 : vector<1x16xf32> to vector<16xf32>
        %parallel_loop3A_274 = arith.addf %parallel_loop3A_267, %parallel_loop3A_273 : vector<16xf32>
        %parallel_loop3A_275 = arith.constant 10 : i32
        %parallel_loop3A_276 = arith.addi %parallel_loop3A_207, %parallel_loop3A_275 : i32
        %parallel_loop3A_277 = arith.index_cast %parallel_loop3A_276 : i32 to index
        %parallel_loop3A_278 = arith.constant 0 : index
        %parallel_loop3A_279 = tpu.vector_load %arg7[%parallel_loop3A_277, %parallel_loop3A_278] {strides = array<i32>} : memref<640x64xf32, #tpu.memory_space<vmem>>, vector<1x16xf32>,
        %parallel_loop3A_280 = vector.shape_cast %parallel_loop3A_279 : vector<1x16xf32> to vector<16xf32>
        %parallel_loop3A_281 = arith.addf %parallel_loop3A_274, %parallel_loop3A_280 : vector<16xf32>
        %parallel_loop3A_282 = arith.constant 11 : i32
        %parallel_loop3A_283 = arith.addi %parallel_loop3A_207, %parallel_loop3A_282 : i32
        %parallel_loop3A_284 = arith.index_cast %parallel_loop3A_283 : i32 to index
        %parallel_loop3A_285 = arith.constant 0 : index
        %parallel_loop3A_286 = tpu.vector_load %arg7[%parallel_loop3A_284, %parallel_loop3A_285] {strides = array<i32>} : memref<640x64xf32, #tpu.memory_space<vmem>>, vector<1x16xf32>,
        %parallel_loop3A_287 = vector.shape_cast %parallel_loop3A_286 : vector<1x16xf32> to vector<16xf32>
        %parallel_loop3A_288 = arith.addf %parallel_loop3A_281, %parallel_loop3A_287 : vector<16xf32>
        %parallel_loop3A_289 = arith.constant 12 : i32
        %parallel_loop3A_290 = arith.addi %parallel_loop3A_207, %parallel_loop3A_289 : i32
        %parallel_loop3A_291 = arith.index_cast %parallel_loop3A_290 : i32 to index
        %parallel_loop3A_292 = arith.constant 0 : index
        %parallel_loop3A_293 = tpu.vector_load %arg7[%parallel_loop3A_291, %parallel_loop3A_292] {strides = array<i32>} : memref<640x64xf32, #tpu.memory_space<vmem>>, vector<1x16xf32>,
        %parallel_loop3A_294 = vector.shape_cast %parallel_loop3A_293 : vector<1x16xf32> to vector<16xf32>
        %parallel_loop3A_295 = arith.addf %parallel_loop3A_288, %parallel_loop3A_294 : vector<16xf32>
        %parallel_loop3A_296 = arith.constant 13 : i32
        %parallel_loop3A_297 = arith.addi %parallel_loop3A_207, %parallel_loop3A_296 : i32
        %parallel_loop3A_298 = arith.index_cast %parallel_loop3A_297 : i32 to index
        %parallel_loop3A_299 = arith.constant 0 : index
        %parallel_loop3A_300 = tpu.vector_load %arg7[%parallel_loop3A_298, %parallel_loop3A_299] {strides = array<i32>} : memref<640x64xf32, #tpu.memory_space<vmem>>, vector<1x16xf32>,
        %parallel_loop3A_301 = vector.shape_cast %parallel_loop3A_300 : vector<1x16xf32> to vector<16xf32>
        %parallel_loop3A_302 = arith.addf %parallel_loop3A_295, %parallel_loop3A_301 : vector<16xf32>
        %parallel_loop3A_303 = arith.constant 14 : i32
        %parallel_loop3A_304 = arith.addi %parallel_loop3A_207, %parallel_loop3A_303 : i32
        %parallel_loop3A_305 = arith.index_cast %parallel_loop3A_304 : i32 to index
        %parallel_loop3A_306 = arith.constant 0 : index
        %parallel_loop3A_307 = tpu.vector_load %arg7[%parallel_loop3A_305, %parallel_loop3A_306] {strides = array<i32>} : memref<640x64xf32, #tpu.memory_space<vmem>>, vector<1x16xf32>,
        %parallel_loop3A_308 = vector.shape_cast %parallel_loop3A_307 : vector<1x16xf32> to vector<16xf32>
        %parallel_loop3A_309 = arith.addf %parallel_loop3A_302, %parallel_loop3A_308 : vector<16xf32>
        %parallel_loop3A_310 = arith.constant 15 : i32
        %parallel_loop3A_311 = arith.addi %parallel_loop3A_207, %parallel_loop3A_310 : i32
        %parallel_loop3A_312 = arith.index_cast %parallel_loop3A_311 : i32 to index
        %parallel_loop3A_313 = arith.constant 0 : index
        %parallel_loop3A_314 = tpu.vector_load %arg7[%parallel_loop3A_312, %parallel_loop3A_313] {strides = array<i32>} : memref<640x64xf32, #tpu.memory_space<vmem>>, vector<1x16xf32>,
        %parallel_loop3A_315 = vector.shape_cast %parallel_loop3A_314 : vector<1x16xf32> to vector<16xf32>
        %parallel_loop3A_316 = arith.addf %parallel_loop3A_309, %parallel_loop3A_315 : vector<16xf32>
        %parallel_loop3A_317 = arith.constant 16 : i32
        %parallel_loop3A_318 = arith.addi %parallel_loop3A_207, %parallel_loop3A_317 : i32
        %parallel_loop3A_319 = arith.index_cast %parallel_loop3A_318 : i32 to index
        %parallel_loop3A_320 = arith.constant 0 : index
        %parallel_loop3A_321 = tpu.vector_load %arg7[%parallel_loop3A_319, %parallel_loop3A_320] {strides = array<i32>} : memref<640x64xf32, #tpu.memory_space<vmem>>, vector<1x16xf32>,
        %parallel_loop3A_322 = vector.shape_cast %parallel_loop3A_321 : vector<1x16xf32> to vector<16xf32>
        %parallel_loop3A_323 = arith.addf %parallel_loop3A_316, %parallel_loop3A_322 : vector<16xf32>
        %parallel_loop3A_324 = arith.constant 17 : i32
        %parallel_loop3A_325 = arith.addi %parallel_loop3A_207, %parallel_loop3A_324 : i32
        %parallel_loop3A_326 = arith.index_cast %parallel_loop3A_325 : i32 to index
        %parallel_loop3A_327 = arith.constant 0 : index
        %parallel_loop3A_328 = tpu.vector_load %arg7[%parallel_loop3A_326, %parallel_loop3A_327] {strides = array<i32>} : memref<640x64xf32, #tpu.memory_space<vmem>>, vector<1x16xf32>,
        %parallel_loop3A_329 = vector.shape_cast %parallel_loop3A_328 : vector<1x16xf32> to vector<16xf32>
        %parallel_loop3A_330 = arith.addf %parallel_loop3A_323, %parallel_loop3A_329 : vector<16xf32>
        %parallel_loop3A_331 = arith.constant 18 : i32
        %parallel_loop3A_332 = arith.addi %parallel_loop3A_207, %parallel_loop3A_331 : i32
        %parallel_loop3A_333 = arith.index_cast %parallel_loop3A_332 : i32 to index
        %parallel_loop3A_334 = arith.constant 0 : index
        %parallel_loop3A_335 = tpu.vector_load %arg7[%parallel_loop3A_333, %parallel_loop3A_334] {strides = array<i32>} : memref<640x64xf32, #tpu.memory_space<vmem>>, vector<1x16xf32>,
        %parallel_loop3A_336 = vector.shape_cast %parallel_loop3A_335 : vector<1x16xf32> to vector<16xf32>
        %parallel_loop3A_337 = arith.addf %parallel_loop3A_330, %parallel_loop3A_336 : vector<16xf32>
        %parallel_loop3A_338 = arith.constant 19 : i32
        %parallel_loop3A_339 = arith.addi %parallel_loop3A_207, %parallel_loop3A_338 : i32
        %parallel_loop3A_340 = arith.index_cast %parallel_loop3A_339 : i32 to index
        %parallel_loop3A_341 = arith.constant 0 : index
        %parallel_loop3A_342 = tpu.vector_load %arg7[%parallel_loop3A_340, %parallel_loop3A_341] {strides = array<i32>} : memref<640x64xf32, #tpu.memory_space<vmem>>, vector<1x16xf32>,
        %parallel_loop3A_343 = vector.shape_cast %parallel_loop3A_342 : vector<1x16xf32> to vector<16xf32>
        %parallel_loop3A_344 = arith.addf %parallel_loop3A_337, %parallel_loop3A_343 : vector<16xf32>
        %parallel_loop3A_345 = arith.constant 5.000000e-02 : f32
        %parallel_loop3A_346 = vector.broadcast %parallel_loop3A_345 : f32 to vector<16xf32>
        %parallel_loop3A_347 = arith.mulf %parallel_loop3A_344, %parallel_loop3A_346 : vector<16xf32>
        %parallel_loop3A_348 = arith.index_cast %parallel_loop3A_205 : i32 to index
        %parallel_loop3A_349 = arith.constant 0 : index
        %parallel_loop3A_350 = tpu.vector_load %arg9[%parallel_loop3A_348, %parallel_loop3A_349] {strides = array<i32>} : memref<32x64xf32, #tpu.memory_space<vmem>>, vector<1x16xf32>,
        %parallel_loop3A_351 = vector.shape_cast %parallel_loop3A_350 : vector<1x16xf32> to vector<16xf32>
        %parallel_loop3A_352 = vector.shape_cast %parallel_loop3A_347 : vector<16xf32> to vector<1x16xf32>
        tpu.vector_store %arg9[%parallel_loop3A_348, %parallel_loop3A_349], %parallel_loop3A_352 {strides = array<i32>} : memref<32x64xf32, #tpu.memory_space<vmem>>, vector<1x16xf32>,
        %parallel_loop3A_353 = arith.index_cast %parallel_loop3A_207 : i32 to index
        %parallel_loop3A_354 = arith.constant 16 : index
        %parallel_loop3A_355 = tpu.vector_load %arg7[%parallel_loop3A_353, %parallel_loop3A_354] {strides = array<i32>} : memref<640x64xf32, #tpu.memory_space<vmem>>, vector<1x16xf32>,
        %parallel_loop3A_356 = vector.shape_cast %parallel_loop3A_355 : vector<1x16xf32> to vector<16xf32>
        %parallel_loop3A_357 = arith.constant 1 : i32
        %parallel_loop3A_358 = arith.addi %parallel_loop3A_207, %parallel_loop3A_357 : i32
        %parallel_loop3A_359 = arith.index_cast %parallel_loop3A_358 : i32 to index
        %parallel_loop3A_360 = arith.constant 16 : index
        %parallel_loop3A_361 = tpu.vector_load %arg7[%parallel_loop3A_359, %parallel_loop3A_360] {strides = array<i32>} : memref<640x64xf32, #tpu.memory_space<vmem>>, vector<1x16xf32>,
        %parallel_loop3A_362 = vector.shape_cast %parallel_loop3A_361 : vector<1x16xf32> to vector<16xf32>
        %parallel_loop3A_363 = arith.addf %parallel_loop3A_356, %parallel_loop3A_362 : vector<16xf32>
        %parallel_loop3A_364 = arith.constant 2 : i32
        %parallel_loop3A_365 = arith.addi %parallel_loop3A_207, %parallel_loop3A_364 : i32
        %parallel_loop3A_366 = arith.index_cast %parallel_loop3A_365 : i32 to index
        %parallel_loop3A_367 = arith.constant 16 : index
        %parallel_loop3A_368 = tpu.vector_load %arg7[%parallel_loop3A_366, %parallel_loop3A_367] {strides = array<i32>} : memref<640x64xf32, #tpu.memory_space<vmem>>, vector<1x16xf32>,
        %parallel_loop3A_369 = vector.shape_cast %parallel_loop3A_368 : vector<1x16xf32> to vector<16xf32>
        %parallel_loop3A_370 = arith.addf %parallel_loop3A_363, %parallel_loop3A_369 : vector<16xf32>
        %parallel_loop3A_371 = arith.constant 3 : i32
        %parallel_loop3A_372 = arith.addi %parallel_loop3A_207, %parallel_loop3A_371 : i32
        %parallel_loop3A_373 = arith.index_cast %parallel_loop3A_372 : i32 to index
        %parallel_loop3A_374 = arith.constant 16 : index
        %parallel_loop3A_375 = tpu.vector_load %arg7[%parallel_loop3A_373, %parallel_loop3A_374] {strides = array<i32>} : memref<640x64xf32, #tpu.memory_space<vmem>>, vector<1x16xf32>,
        %parallel_loop3A_376 = vector.shape_cast %parallel_loop3A_375 : vector<1x16xf32> to vector<16xf32>
        %parallel_loop3A_377 = arith.addf %parallel_loop3A_370, %parallel_loop3A_376 : vector<16xf32>
        %parallel_loop3A_378 = arith.constant 4 : i32
        %parallel_loop3A_379 = arith.addi %parallel_loop3A_207, %parallel_loop3A_378 : i32
        %parallel_loop3A_380 = arith.index_cast %parallel_loop3A_379 : i32 to index
        %parallel_loop3A_381 = arith.constant 16 : index
        %parallel_loop3A_382 = tpu.vector_load %arg7[%parallel_loop3A_380, %parallel_loop3A_381] {strides = array<i32>} : memref<640x64xf32, #tpu.memory_space<vmem>>, vector<1x16xf32>,
        %parallel_loop3A_383 = vector.shape_cast %parallel_loop3A_382 : vector<1x16xf32> to vector<16xf32>
        %parallel_loop3A_384 = arith.addf %parallel_loop3A_377, %parallel_loop3A_383 : vector<16xf32>
        %parallel_loop3A_385 = arith.constant 5 : i32
        %parallel_loop3A_386 = arith.addi %parallel_loop3A_207, %parallel_loop3A_385 : i32
        %parallel_loop3A_387 = arith.index_cast %parallel_loop3A_386 : i32 to index
        %parallel_loop3A_388 = arith.constant 16 : index
        %parallel_loop3A_389 = tpu.vector_load %arg7[%parallel_loop3A_387, %parallel_loop3A_388] {strides = array<i32>} : memref<640x64xf32, #tpu.memory_space<vmem>>, vector<1x16xf32>,
        %parallel_loop3A_390 = vector.shape_cast %parallel_loop3A_389 : vector<1x16xf32> to vector<16xf32>
        %parallel_loop3A_391 = arith.addf %parallel_loop3A_384, %parallel_loop3A_390 : vector<16xf32>
        %parallel_loop3A_392 = arith.constant 6 : i32
        %parallel_loop3A_393 = arith.addi %parallel_loop3A_207, %parallel_loop3A_392 : i32
        %parallel_loop3A_394 = arith.index_cast %parallel_loop3A_393 : i32 to index
        %parallel_loop3A_395 = arith.constant 16 : index
        %parallel_loop3A_396 = tpu.vector_load %arg7[%parallel_loop3A_394, %parallel_loop3A_395] {strides = array<i32>} : memref<640x64xf32, #tpu.memory_space<vmem>>, vector<1x16xf32>,
        %parallel_loop3A_397 = vector.shape_cast %parallel_loop3A_396 : vector<1x16xf32> to vector<16xf32>
        %parallel_loop3A_398 = arith.addf %parallel_loop3A_391, %parallel_loop3A_397 : vector<16xf32>
        %parallel_loop3A_399 = arith.constant 7 : i32
        %parallel_loop3A_400 = arith.addi %parallel_loop3A_207, %parallel_loop3A_399 : i32
        %parallel_loop3A_401 = arith.index_cast %parallel_loop3A_400 : i32 to index
        %parallel_loop3A_402 = arith.constant 16 : index
        %parallel_loop3A_403 = tpu.vector_load %arg7[%parallel_loop3A_401, %parallel_loop3A_402] {strides = array<i32>} : memref<640x64xf32, #tpu.memory_space<vmem>>, vector<1x16xf32>,
        %parallel_loop3A_404 = vector.shape_cast %parallel_loop3A_403 : vector<1x16xf32> to vector<16xf32>
        %parallel_loop3A_405 = arith.addf %parallel_loop3A_398, %parallel_loop3A_404 : vector<16xf32>
        %parallel_loop3A_406 = arith.constant 8 : i32
        %parallel_loop3A_407 = arith.addi %parallel_loop3A_207, %parallel_loop3A_406 : i32
        %parallel_loop3A_408 = arith.index_cast %parallel_loop3A_407 : i32 to index
        %parallel_loop3A_409 = arith.constant 16 : index
        %parallel_loop3A_410 = tpu.vector_load %arg7[%parallel_loop3A_408, %parallel_loop3A_409] {strides = array<i32>} : memref<640x64xf32, #tpu.memory_space<vmem>>, vector<1x16xf32>,
        %parallel_loop3A_411 = vector.shape_cast %parallel_loop3A_410 : vector<1x16xf32> to vector<16xf32>
        %parallel_loop3A_412 = arith.addf %parallel_loop3A_405, %parallel_loop3A_411 : vector<16xf32>
        %parallel_loop3A_413 = arith.constant 9 : i32
        %parallel_loop3A_414 = arith.addi %parallel_loop3A_207, %parallel_loop3A_413 : i32
        %parallel_loop3A_415 = arith.index_cast %parallel_loop3A_414 : i32 to index
        %parallel_loop3A_416 = arith.constant 16 : index
        %parallel_loop3A_417 = tpu.vector_load %arg7[%parallel_loop3A_415, %parallel_loop3A_416] {strides = array<i32>} : memref<640x64xf32, #tpu.memory_space<vmem>>, vector<1x16xf32>,
        %parallel_loop3A_418 = vector.shape_cast %parallel_loop3A_417 : vector<1x16xf32> to vector<16xf32>
        %parallel_loop3A_419 = arith.addf %parallel_loop3A_412, %parallel_loop3A_418 : vector<16xf32>
        %parallel_loop3A_420 = arith.constant 10 : i32
        %parallel_loop3A_421 = arith.addi %parallel_loop3A_207, %parallel_loop3A_420 : i32
        %parallel_loop3A_422 = arith.index_cast %parallel_loop3A_421 : i32 to index
        %parallel_loop3A_423 = arith.constant 16 : index
        %parallel_loop3A_424 = tpu.vector_load %arg7[%parallel_loop3A_422, %parallel_loop3A_423] {strides = array<i32>} : memref<640x64xf32, #tpu.memory_space<vmem>>, vector<1x16xf32>,
        %parallel_loop3A_425 = vector.shape_cast %parallel_loop3A_424 : vector<1x16xf32> to vector<16xf32>
        %parallel_loop3A_426 = arith.addf %parallel_loop3A_419, %parallel_loop3A_425 : vector<16xf32>
        %parallel_loop3A_427 = arith.constant 11 : i32
        %parallel_loop3A_428 = arith.addi %parallel_loop3A_207, %parallel_loop3A_427 : i32
        %parallel_loop3A_429 = arith.index_cast %parallel_loop3A_428 : i32 to index
        %parallel_loop3A_430 = arith.constant 16 : index
        %parallel_loop3A_431 = tpu.vector_load %arg7[%parallel_loop3A_429, %parallel_loop3A_430] {strides = array<i32>} : memref<640x64xf32, #tpu.memory_space<vmem>>, vector<1x16xf32>,
        %parallel_loop3A_432 = vector.shape_cast %parallel_loop3A_431 : vector<1x16xf32> to vector<16xf32>
        %parallel_loop3A_433 = arith.addf %parallel_loop3A_426, %parallel_loop3A_432 : vector<16xf32>
        %parallel_loop3A_434 = arith.constant 12 : i32
        %parallel_loop3A_435 = arith.addi %parallel_loop3A_207, %parallel_loop3A_434 : i32
        %parallel_loop3A_436 = arith.index_cast %parallel_loop3A_435 : i32 to index
        %parallel_loop3A_437 = arith.constant 16 : index
        %parallel_loop3A_438 = tpu.vector_load %arg7[%parallel_loop3A_436, %parallel_loop3A_437] {strides = array<i32>} : memref<640x64xf32, #tpu.memory_space<vmem>>, vector<1x16xf32>,
        %parallel_loop3A_439 = vector.shape_cast %parallel_loop3A_438 : vector<1x16xf32> to vector<16xf32>
        %parallel_loop3A_440 = arith.addf %parallel_loop3A_433, %parallel_loop3A_439 : vector<16xf32>
        %parallel_loop3A_441 = arith.constant 13 : i32
        %parallel_loop3A_442 = arith.addi %parallel_loop3A_207, %parallel_loop3A_441 : i32
        %parallel_loop3A_443 = arith.index_cast %parallel_loop3A_442 : i32 to index
        %parallel_loop3A_444 = arith.constant 16 : index
        %parallel_loop3A_445 = tpu.vector_load %arg7[%parallel_loop3A_443, %parallel_loop3A_444] {strides = array<i32>} : memref<640x64xf32, #tpu.memory_space<vmem>>, vector<1x16xf32>,
        %parallel_loop3A_446 = vector.shape_cast %parallel_loop3A_445 : vector<1x16xf32> to vector<16xf32>
        %parallel_loop3A_447 = arith.addf %parallel_loop3A_440, %parallel_loop3A_446 : vector<16xf32>
        %parallel_loop3A_448 = arith.constant 14 : i32
        %parallel_loop3A_449 = arith.addi %parallel_loop3A_207, %parallel_loop3A_448 : i32
        %parallel_loop3A_450 = arith.index_cast %parallel_loop3A_449 : i32 to index
        %parallel_loop3A_451 = arith.constant 16 : index
        %parallel_loop3A_452 = tpu.vector_load %arg7[%parallel_loop3A_450, %parallel_loop3A_451] {strides = array<i32>} : memref<640x64xf32, #tpu.memory_space<vmem>>, vector<1x16xf32>,
        %parallel_loop3A_453 = vector.shape_cast %parallel_loop3A_452 : vector<1x16xf32> to vector<16xf32>
        %parallel_loop3A_454 = arith.addf %parallel_loop3A_447, %parallel_loop3A_453 : vector<16xf32>
        %parallel_loop3A_455 = arith.constant 15 : i32
        %parallel_loop3A_456 = arith.addi %parallel_loop3A_207, %parallel_loop3A_455 : i32
        %parallel_loop3A_457 = arith.index_cast %parallel_loop3A_456 : i32 to index
        %parallel_loop3A_458 = arith.constant 16 : index
        %parallel_loop3A_459 = tpu.vector_load %arg7[%parallel_loop3A_457, %parallel_loop3A_458] {strides = array<i32>} : memref<640x64xf32, #tpu.memory_space<vmem>>, vector<1x16xf32>,
        %parallel_loop3A_460 = vector.shape_cast %parallel_loop3A_459 : vector<1x16xf32> to vector<16xf32>
        %parallel_loop3A_461 = arith.addf %parallel_loop3A_454, %parallel_loop3A_460 : vector<16xf32>
        %parallel_loop3A_462 = arith.constant 16 : i32
        %parallel_loop3A_463 = arith.addi %parallel_loop3A_207, %parallel_loop3A_462 : i32
        %parallel_loop3A_464 = arith.index_cast %parallel_loop3A_463 : i32 to index
        %parallel_loop3A_465 = arith.constant 16 : index
        %parallel_loop3A_466 = tpu.vector_load %arg7[%parallel_loop3A_464, %parallel_loop3A_465] {strides = array<i32>} : memref<640x64xf32, #tpu.memory_space<vmem>>, vector<1x16xf32>,
        %parallel_loop3A_467 = vector.shape_cast %parallel_loop3A_466 : vector<1x16xf32> to vector<16xf32>
        %parallel_loop3A_468 = arith.addf %parallel_loop3A_461, %parallel_loop3A_467 : vector<16xf32>
        %parallel_loop3A_469 = arith.constant 17 : i32
        %parallel_loop3A_470 = arith.addi %parallel_loop3A_207, %parallel_loop3A_469 : i32
        %parallel_loop3A_471 = arith.index_cast %parallel_loop3A_470 : i32 to index
        %parallel_loop3A_472 = arith.constant 16 : index
        %parallel_loop3A_473 = tpu.vector_load %arg7[%parallel_loop3A_471, %parallel_loop3A_472] {strides = array<i32>} : memref<640x64xf32, #tpu.memory_space<vmem>>, vector<1x16xf32>,
        %parallel_loop3A_474 = vector.shape_cast %parallel_loop3A_473 : vector<1x16xf32> to vector<16xf32>
        %parallel_loop3A_475 = arith.addf %parallel_loop3A_468, %parallel_loop3A_474 : vector<16xf32>
        %parallel_loop3A_476 = arith.constant 18 : i32
        %parallel_loop3A_477 = arith.addi %parallel_loop3A_207, %parallel_loop3A_476 : i32
        %parallel_loop3A_478 = arith.index_cast %parallel_loop3A_477 : i32 to index
        %parallel_loop3A_479 = arith.constant 16 : index
        %parallel_loop3A_480 = tpu.vector_load %arg7[%parallel_loop3A_478, %parallel_loop3A_479] {strides = array<i32>} : memref<640x64xf32, #tpu.memory_space<vmem>>, vector<1x16xf32>,
        %parallel_loop3A_481 = vector.shape_cast %parallel_loop3A_480 : vector<1x16xf32> to vector<16xf32>
        %parallel_loop3A_482 = arith.addf %parallel_loop3A_475, %parallel_loop3A_481 : vector<16xf32>
        %parallel_loop3A_483 = arith.constant 19 : i32
        %parallel_loop3A_484 = arith.addi %parallel_loop3A_207, %parallel_loop3A_483 : i32
        %parallel_loop3A_485 = arith.index_cast %parallel_loop3A_484 : i32 to index
        %parallel_loop3A_486 = arith.constant 16 : index
        %parallel_loop3A_487 = tpu.vector_load %arg7[%parallel_loop3A_485, %parallel_loop3A_486] {strides = array<i32>} : memref<640x64xf32, #tpu.memory_space<vmem>>, vector<1x16xf32>,
        %parallel_loop3A_488 = vector.shape_cast %parallel_loop3A_487 : vector<1x16xf32> to vector<16xf32>
        %parallel_loop3A_489 = arith.addf %parallel_loop3A_482, %parallel_loop3A_488 : vector<16xf32>
        %parallel_loop3A_490 = arith.constant 5.000000e-02 : f32
        %parallel_loop3A_491 = vector.broadcast %parallel_loop3A_490 : f32 to vector<16xf32>
        %parallel_loop3A_492 = arith.mulf %parallel_loop3A_489, %parallel_loop3A_491 : vector<16xf32>
        %parallel_loop3A_493 = arith.index_cast %parallel_loop3A_205 : i32 to index
        %parallel_loop3A_494 = arith.constant 16 : index
        %parallel_loop3A_495 = tpu.vector_load %arg9[%parallel_loop3A_493, %parallel_loop3A_494] {strides = array<i32>} : memref<32x64xf32, #tpu.memory_space<vmem>>, vector<1x16xf32>,
        %parallel_loop3A_496 = vector.shape_cast %parallel_loop3A_495 : vector<1x16xf32> to vector<16xf32>
        %parallel_loop3A_497 = vector.shape_cast %parallel_loop3A_492 : vector<16xf32> to vector<1x16xf32>
        tpu.vector_store %arg9[%parallel_loop3A_493, %parallel_loop3A_494], %parallel_loop3A_497 {strides = array<i32>} : memref<32x64xf32, #tpu.memory_space<vmem>>, vector<1x16xf32>,
        %parallel_loop3A_498 = arith.index_cast %parallel_loop3A_207 : i32 to index
        %parallel_loop3A_499 = arith.constant 32 : index
        %parallel_loop3A_500 = tpu.vector_load %arg7[%parallel_loop3A_498, %parallel_loop3A_499] {strides = array<i32>} : memref<640x64xf32, #tpu.memory_space<vmem>>, vector<1x16xf32>,
        %parallel_loop3A_501 = vector.shape_cast %parallel_loop3A_500 : vector<1x16xf32> to vector<16xf32>
        %parallel_loop3A_502 = arith.constant 1 : i32
        %parallel_loop3A_503 = arith.addi %parallel_loop3A_207, %parallel_loop3A_502 : i32
        %parallel_loop3A_504 = arith.index_cast %parallel_loop3A_503 : i32 to index
        %parallel_loop3A_505 = arith.constant 32 : index
        %parallel_loop3A_506 = tpu.vector_load %arg7[%parallel_loop3A_504, %parallel_loop3A_505] {strides = array<i32>} : memref<640x64xf32, #tpu.memory_space<vmem>>, vector<1x16xf32>,
        %parallel_loop3A_507 = vector.shape_cast %parallel_loop3A_506 : vector<1x16xf32> to vector<16xf32>
        %parallel_loop3A_508 = arith.addf %parallel_loop3A_501, %parallel_loop3A_507 : vector<16xf32>
        %parallel_loop3A_509 = arith.constant 2 : i32
        %parallel_loop3A_510 = arith.addi %parallel_loop3A_207, %parallel_loop3A_509 : i32
        %parallel_loop3A_511 = arith.index_cast %parallel_loop3A_510 : i32 to index
        %parallel_loop3A_512 = arith.constant 32 : index
        %parallel_loop3A_513 = tpu.vector_load %arg7[%parallel_loop3A_511, %parallel_loop3A_512] {strides = array<i32>} : memref<640x64xf32, #tpu.memory_space<vmem>>, vector<1x16xf32>,
        %parallel_loop3A_514 = vector.shape_cast %parallel_loop3A_513 : vector<1x16xf32> to vector<16xf32>
        %parallel_loop3A_515 = arith.addf %parallel_loop3A_508, %parallel_loop3A_514 : vector<16xf32>
        %parallel_loop3A_516 = arith.constant 3 : i32
        %parallel_loop3A_517 = arith.addi %parallel_loop3A_207, %parallel_loop3A_516 : i32
        %parallel_loop3A_518 = arith.index_cast %parallel_loop3A_517 : i32 to index
        %parallel_loop3A_519 = arith.constant 32 : index
        %parallel_loop3A_520 = tpu.vector_load %arg7[%parallel_loop3A_518, %parallel_loop3A_519] {strides = array<i32>} : memref<640x64xf32, #tpu.memory_space<vmem>>, vector<1x16xf32>,
        %parallel_loop3A_521 = vector.shape_cast %parallel_loop3A_520 : vector<1x16xf32> to vector<16xf32>
        %parallel_loop3A_522 = arith.addf %parallel_loop3A_515, %parallel_loop3A_521 : vector<16xf32>
        %parallel_loop3A_523 = arith.constant 4 : i32
        %parallel_loop3A_524 = arith.addi %parallel_loop3A_207, %parallel_loop3A_523 : i32
        %parallel_loop3A_525 = arith.index_cast %parallel_loop3A_524 : i32 to index
        %parallel_loop3A_526 = arith.constant 32 : index
        %parallel_loop3A_527 = tpu.vector_load %arg7[%parallel_loop3A_525, %parallel_loop3A_526] {strides = array<i32>} : memref<640x64xf32, #tpu.memory_space<vmem>>, vector<1x16xf32>,
        %parallel_loop3A_528 = vector.shape_cast %parallel_loop3A_527 : vector<1x16xf32> to vector<16xf32>
        %parallel_loop3A_529 = arith.addf %parallel_loop3A_522, %parallel_loop3A_528 : vector<16xf32>
        %parallel_loop3A_530 = arith.constant 5 : i32
        %parallel_loop3A_531 = arith.addi %parallel_loop3A_207, %parallel_loop3A_530 : i32
        %parallel_loop3A_532 = arith.index_cast %parallel_loop3A_531 : i32 to index
        %parallel_loop3A_533 = arith.constant 32 : index
        %parallel_loop3A_534 = tpu.vector_load %arg7[%parallel_loop3A_532, %parallel_loop3A_533] {strides = array<i32>} : memref<640x64xf32, #tpu.memory_space<vmem>>, vector<1x16xf32>,
        %parallel_loop3A_535 = vector.shape_cast %parallel_loop3A_534 : vector<1x16xf32> to vector<16xf32>
        %parallel_loop3A_536 = arith.addf %parallel_loop3A_529, %parallel_loop3A_535 : vector<16xf32>
        %parallel_loop3A_537 = arith.constant 6 : i32
        %parallel_loop3A_538 = arith.addi %parallel_loop3A_207, %parallel_loop3A_537 : i32
        %parallel_loop3A_539 = arith.index_cast %parallel_loop3A_538 : i32 to index
        %parallel_loop3A_540 = arith.constant 32 : index
        %parallel_loop3A_541 = tpu.vector_load %arg7[%parallel_loop3A_539, %parallel_loop3A_540] {strides = array<i32>} : memref<640x64xf32, #tpu.memory_space<vmem>>, vector<1x16xf32>,
        %parallel_loop3A_542 = vector.shape_cast %parallel_loop3A_541 : vector<1x16xf32> to vector<16xf32>
        %parallel_loop3A_543 = arith.addf %parallel_loop3A_536, %parallel_loop3A_542 : vector<16xf32>
        %parallel_loop3A_544 = arith.constant 7 : i32
        %parallel_loop3A_545 = arith.addi %parallel_loop3A_207, %parallel_loop3A_544 : i32
        %parallel_loop3A_546 = arith.index_cast %parallel_loop3A_545 : i32 to index
        %parallel_loop3A_547 = arith.constant 32 : index
        %parallel_loop3A_548 = tpu.vector_load %arg7[%parallel_loop3A_546, %parallel_loop3A_547] {strides = array<i32>} : memref<640x64xf32, #tpu.memory_space<vmem>>, vector<1x16xf32>,
        %parallel_loop3A_549 = vector.shape_cast %parallel_loop3A_548 : vector<1x16xf32> to vector<16xf32>
        %parallel_loop3A_550 = arith.addf %parallel_loop3A_543, %parallel_loop3A_549 : vector<16xf32>
        %parallel_loop3A_551 = arith.constant 8 : i32
        %parallel_loop3A_552 = arith.addi %parallel_loop3A_207, %parallel_loop3A_551 : i32
        %parallel_loop3A_553 = arith.index_cast %parallel_loop3A_552 : i32 to index
        %parallel_loop3A_554 = arith.constant 32 : index
        %parallel_loop3A_555 = tpu.vector_load %arg7[%parallel_loop3A_553, %parallel_loop3A_554] {strides = array<i32>} : memref<640x64xf32, #tpu.memory_space<vmem>>, vector<1x16xf32>,
        %parallel_loop3A_556 = vector.shape_cast %parallel_loop3A_555 : vector<1x16xf32> to vector<16xf32>
        %parallel_loop3A_557 = arith.addf %parallel_loop3A_550, %parallel_loop3A_556 : vector<16xf32>
        %parallel_loop3A_558 = arith.constant 9 : i32
        %parallel_loop3A_559 = arith.addi %parallel_loop3A_207, %parallel_loop3A_558 : i32
        %parallel_loop3A_560 = arith.index_cast %parallel_loop3A_559 : i32 to index
        %parallel_loop3A_561 = arith.constant 32 : index
        %parallel_loop3A_562 = tpu.vector_load %arg7[%parallel_loop3A_560, %parallel_loop3A_561] {strides = array<i32>} : memref<640x64xf32, #tpu.memory_space<vmem>>, vector<1x16xf32>,
        %parallel_loop3A_563 = vector.shape_cast %parallel_loop3A_562 : vector<1x16xf32> to vector<16xf32>
        %parallel_loop3A_564 = arith.addf %parallel_loop3A_557, %parallel_loop3A_563 : vector<16xf32>
        %parallel_loop3A_565 = arith.constant 10 : i32
        %parallel_loop3A_566 = arith.addi %parallel_loop3A_207, %parallel_loop3A_565 : i32
        %parallel_loop3A_567 = arith.index_cast %parallel_loop3A_566 : i32 to index
        %parallel_loop3A_568 = arith.constant 32 : index
        %parallel_loop3A_569 = tpu.vector_load %arg7[%parallel_loop3A_567, %parallel_loop3A_568] {strides = array<i32>} : memref<640x64xf32, #tpu.memory_space<vmem>>, vector<1x16xf32>,
        %parallel_loop3A_570 = vector.shape_cast %parallel_loop3A_569 : vector<1x16xf32> to vector<16xf32>
        %parallel_loop3A_571 = arith.addf %parallel_loop3A_564, %parallel_loop3A_570 : vector<16xf32>
        %parallel_loop3A_572 = arith.constant 11 : i32
        %parallel_loop3A_573 = arith.addi %parallel_loop3A_207, %parallel_loop3A_572 : i32
        %parallel_loop3A_574 = arith.index_cast %parallel_loop3A_573 : i32 to index
        %parallel_loop3A_575 = arith.constant 32 : index
        %parallel_loop3A_576 = tpu.vector_load %arg7[%parallel_loop3A_574, %parallel_loop3A_575] {strides = array<i32>} : memref<640x64xf32, #tpu.memory_space<vmem>>, vector<1x16xf32>,
        %parallel_loop3A_577 = vector.shape_cast %parallel_loop3A_576 : vector<1x16xf32> to vector<16xf32>
        %parallel_loop3A_578 = arith.addf %parallel_loop3A_571, %parallel_loop3A_577 : vector<16xf32>
        %parallel_loop3A_579 = arith.constant 12 : i32
        %parallel_loop3A_580 = arith.addi %parallel_loop3A_207, %parallel_loop3A_579 : i32
        %parallel_loop3A_581 = arith.index_cast %parallel_loop3A_580 : i32 to index
        %parallel_loop3A_582 = arith.constant 32 : index
        %parallel_loop3A_583 = tpu.vector_load %arg7[%parallel_loop3A_581, %parallel_loop3A_582] {strides = array<i32>} : memref<640x64xf32, #tpu.memory_space<vmem>>, vector<1x16xf32>,
        %parallel_loop3A_584 = vector.shape_cast %parallel_loop3A_583 : vector<1x16xf32> to vector<16xf32>
        %parallel_loop3A_585 = arith.addf %parallel_loop3A_578, %parallel_loop3A_584 : vector<16xf32>
        %parallel_loop3A_586 = arith.constant 13 : i32
        %parallel_loop3A_587 = arith.addi %parallel_loop3A_207, %parallel_loop3A_586 : i32
        %parallel_loop3A_588 = arith.index_cast %parallel_loop3A_587 : i32 to index
        %parallel_loop3A_589 = arith.constant 32 : index
        %parallel_loop3A_590 = tpu.vector_load %arg7[%parallel_loop3A_588, %parallel_loop3A_589] {strides = array<i32>} : memref<640x64xf32, #tpu.memory_space<vmem>>, vector<1x16xf32>,
        %parallel_loop3A_591 = vector.shape_cast %parallel_loop3A_590 : vector<1x16xf32> to vector<16xf32>
        %parallel_loop3A_592 = arith.addf %parallel_loop3A_585, %parallel_loop3A_591 : vector<16xf32>
        %parallel_loop3A_593 = arith.constant 14 : i32
        %parallel_loop3A_594 = arith.addi %parallel_loop3A_207, %parallel_loop3A_593 : i32
        %parallel_loop3A_595 = arith.index_cast %parallel_loop3A_594 : i32 to index
        %parallel_loop3A_596 = arith.constant 32 : index
        %parallel_loop3A_597 = tpu.vector_load %arg7[%parallel_loop3A_595, %parallel_loop3A_596] {strides = array<i32>} : memref<640x64xf32, #tpu.memory_space<vmem>>, vector<1x16xf32>,
        %parallel_loop3A_598 = vector.shape_cast %parallel_loop3A_597 : vector<1x16xf32> to vector<16xf32>
        %parallel_loop3A_599 = arith.addf %parallel_loop3A_592, %parallel_loop3A_598 : vector<16xf32>
        %parallel_loop3A_600 = arith.constant 15 : i32
        %parallel_loop3A_601 = arith.addi %parallel_loop3A_207, %parallel_loop3A_600 : i32
        %parallel_loop3A_602 = arith.index_cast %parallel_loop3A_601 : i32 to index
        %parallel_loop3A_603 = arith.constant 32 : index
        %parallel_loop3A_604 = tpu.vector_load %arg7[%parallel_loop3A_602, %parallel_loop3A_603] {strides = array<i32>} : memref<640x64xf32, #tpu.memory_space<vmem>>, vector<1x16xf32>,
        %parallel_loop3A_605 = vector.shape_cast %parallel_loop3A_604 : vector<1x16xf32> to vector<16xf32>
        %parallel_loop3A_606 = arith.addf %parallel_loop3A_599, %parallel_loop3A_605 : vector<16xf32>
        %parallel_loop3A_607 = arith.constant 16 : i32
        %parallel_loop3A_608 = arith.addi %parallel_loop3A_207, %parallel_loop3A_607 : i32
        %parallel_loop3A_609 = arith.index_cast %parallel_loop3A_608 : i32 to index
        %parallel_loop3A_610 = arith.constant 32 : index
        %parallel_loop3A_611 = tpu.vector_load %arg7[%parallel_loop3A_609, %parallel_loop3A_610] {strides = array<i32>} : memref<640x64xf32, #tpu.memory_space<vmem>>, vector<1x16xf32>,
        %parallel_loop3A_612 = vector.shape_cast %parallel_loop3A_611 : vector<1x16xf32> to vector<16xf32>
        %parallel_loop3A_613 = arith.addf %parallel_loop3A_606, %parallel_loop3A_612 : vector<16xf32>
        %parallel_loop3A_614 = arith.constant 17 : i32
        %parallel_loop3A_615 = arith.addi %parallel_loop3A_207, %parallel_loop3A_614 : i32
        %parallel_loop3A_616 = arith.index_cast %parallel_loop3A_615 : i32 to index
        %parallel_loop3A_617 = arith.constant 32 : index
        %parallel_loop3A_618 = tpu.vector_load %arg7[%parallel_loop3A_616, %parallel_loop3A_617] {strides = array<i32>} : memref<640x64xf32, #tpu.memory_space<vmem>>, vector<1x16xf32>,
        %parallel_loop3A_619 = vector.shape_cast %parallel_loop3A_618 : vector<1x16xf32> to vector<16xf32>
        %parallel_loop3A_620 = arith.addf %parallel_loop3A_613, %parallel_loop3A_619 : vector<16xf32>
        %parallel_loop3A_621 = arith.constant 18 : i32
        %parallel_loop3A_622 = arith.addi %parallel_loop3A_207, %parallel_loop3A_621 : i32
        %parallel_loop3A_623 = arith.index_cast %parallel_loop3A_622 : i32 to index
        %parallel_loop3A_624 = arith.constant 32 : index
        %parallel_loop3A_625 = tpu.vector_load %arg7[%parallel_loop3A_623, %parallel_loop3A_624] {strides = array<i32>} : memref<640x64xf32, #tpu.memory_space<vmem>>, vector<1x16xf32>,
        %parallel_loop3A_626 = vector.shape_cast %parallel_loop3A_625 : vector<1x16xf32> to vector<16xf32>
        %parallel_loop3A_627 = arith.addf %parallel_loop3A_620, %parallel_loop3A_626 : vector<16xf32>
        %parallel_loop3A_628 = arith.constant 19 : i32
        %parallel_loop3A_629 = arith.addi %parallel_loop3A_207, %parallel_loop3A_628 : i32
        %parallel_loop3A_630 = arith.index_cast %parallel_loop3A_629 : i32 to index
        %parallel_loop3A_631 = arith.constant 32 : index
        %parallel_loop3A_632 = tpu.vector_load %arg7[%parallel_loop3A_630, %parallel_loop3A_631] {strides = array<i32>} : memref<640x64xf32, #tpu.memory_space<vmem>>, vector<1x16xf32>,
        %parallel_loop3A_633 = vector.shape_cast %parallel_loop3A_632 : vector<1x16xf32> to vector<16xf32>
        %parallel_loop3A_634 = arith.addf %parallel_loop3A_627, %parallel_loop3A_633 : vector<16xf32>
        %parallel_loop3A_635 = arith.constant 5.000000e-02 : f32
        %parallel_loop3A_636 = vector.broadcast %parallel_loop3A_635 : f32 to vector<16xf32>
        %parallel_loop3A_637 = arith.mulf %parallel_loop3A_634, %parallel_loop3A_636 : vector<16xf32>
        %parallel_loop3A_638 = arith.index_cast %parallel_loop3A_205 : i32 to index
        %parallel_loop3A_639 = arith.constant 32 : index
        %parallel_loop3A_640 = tpu.vector_load %arg9[%parallel_loop3A_638, %parallel_loop3A_639] {strides = array<i32>} : memref<32x64xf32, #tpu.memory_space<vmem>>, vector<1x16xf32>,
        %parallel_loop3A_641 = vector.shape_cast %parallel_loop3A_640 : vector<1x16xf32> to vector<16xf32>
        %parallel_loop3A_642 = vector.shape_cast %parallel_loop3A_637 : vector<16xf32> to vector<1x16xf32>
        tpu.vector_store %arg9[%parallel_loop3A_638, %parallel_loop3A_639], %parallel_loop3A_642 {strides = array<i32>} : memref<32x64xf32, #tpu.memory_space<vmem>>, vector<1x16xf32>,
        %parallel_loop3A_643 = arith.index_cast %parallel_loop3A_207 : i32 to index
        %parallel_loop3A_644 = arith.constant 48 : index
        %parallel_loop3A_645 = tpu.vector_load %arg7[%parallel_loop3A_643, %parallel_loop3A_644] {strides = array<i32>} : memref<640x64xf32, #tpu.memory_space<vmem>>, vector<1x16xf32>,
        %parallel_loop3A_646 = vector.shape_cast %parallel_loop3A_645 : vector<1x16xf32> to vector<16xf32>
        %parallel_loop3A_647 = arith.constant 1 : i32
        %parallel_loop3A_648 = arith.addi %parallel_loop3A_207, %parallel_loop3A_647 : i32
        %parallel_loop3A_649 = arith.index_cast %parallel_loop3A_648 : i32 to index
        %parallel_loop3A_650 = arith.constant 48 : index
        %parallel_loop3A_651 = tpu.vector_load %arg7[%parallel_loop3A_649, %parallel_loop3A_650] {strides = array<i32>} : memref<640x64xf32, #tpu.memory_space<vmem>>, vector<1x16xf32>,
        %parallel_loop3A_652 = vector.shape_cast %parallel_loop3A_651 : vector<1x16xf32> to vector<16xf32>
        %parallel_loop3A_653 = arith.addf %parallel_loop3A_646, %parallel_loop3A_652 : vector<16xf32>
        %parallel_loop3A_654 = arith.constant 2 : i32
        %parallel_loop3A_655 = arith.addi %parallel_loop3A_207, %parallel_loop3A_654 : i32
        %parallel_loop3A_656 = arith.index_cast %parallel_loop3A_655 : i32 to index
        %parallel_loop3A_657 = arith.constant 48 : index
        %parallel_loop3A_658 = tpu.vector_load %arg7[%parallel_loop3A_656, %parallel_loop3A_657] {strides = array<i32>} : memref<640x64xf32, #tpu.memory_space<vmem>>, vector<1x16xf32>,
        %parallel_loop3A_659 = vector.shape_cast %parallel_loop3A_658 : vector<1x16xf32> to vector<16xf32>
        %parallel_loop3A_660 = arith.addf %parallel_loop3A_653, %parallel_loop3A_659 : vector<16xf32>
        %parallel_loop3A_661 = arith.constant 3 : i32
        %parallel_loop3A_662 = arith.addi %parallel_loop3A_207, %parallel_loop3A_661 : i32
        %parallel_loop3A_663 = arith.index_cast %parallel_loop3A_662 : i32 to index
        %parallel_loop3A_664 = arith.constant 48 : index
        %parallel_loop3A_665 = tpu.vector_load %arg7[%parallel_loop3A_663, %parallel_loop3A_664] {strides = array<i32>} : memref<640x64xf32, #tpu.memory_space<vmem>>, vector<1x16xf32>,
        %parallel_loop3A_666 = vector.shape_cast %parallel_loop3A_665 : vector<1x16xf32> to vector<16xf32>
        %parallel_loop3A_667 = arith.addf %parallel_loop3A_660, %parallel_loop3A_666 : vector<16xf32>
        %parallel_loop3A_668 = arith.constant 4 : i32
        %parallel_loop3A_669 = arith.addi %parallel_loop3A_207, %parallel_loop3A_668 : i32
        %parallel_loop3A_670 = arith.index_cast %parallel_loop3A_669 : i32 to index
        %parallel_loop3A_671 = arith.constant 48 : index
        %parallel_loop3A_672 = tpu.vector_load %arg7[%parallel_loop3A_670, %parallel_loop3A_671] {strides = array<i32>} : memref<640x64xf32, #tpu.memory_space<vmem>>, vector<1x16xf32>,
        %parallel_loop3A_673 = vector.shape_cast %parallel_loop3A_672 : vector<1x16xf32> to vector<16xf32>
        %parallel_loop3A_674 = arith.addf %parallel_loop3A_667, %parallel_loop3A_673 : vector<16xf32>
        %parallel_loop3A_675 = arith.constant 5 : i32
        %parallel_loop3A_676 = arith.addi %parallel_loop3A_207, %parallel_loop3A_675 : i32
        %parallel_loop3A_677 = arith.index_cast %parallel_loop3A_676 : i32 to index
        %parallel_loop3A_678 = arith.constant 48 : index
        %parallel_loop3A_679 = tpu.vector_load %arg7[%parallel_loop3A_677, %parallel_loop3A_678] {strides = array<i32>} : memref<640x64xf32, #tpu.memory_space<vmem>>, vector<1x16xf32>,
        %parallel_loop3A_680 = vector.shape_cast %parallel_loop3A_679 : vector<1x16xf32> to vector<16xf32>
        %parallel_loop3A_681 = arith.addf %parallel_loop3A_674, %parallel_loop3A_680 : vector<16xf32>
        %parallel_loop3A_682 = arith.constant 6 : i32
        %parallel_loop3A_683 = arith.addi %parallel_loop3A_207, %parallel_loop3A_682 : i32
        %parallel_loop3A_684 = arith.index_cast %parallel_loop3A_683 : i32 to index
        %parallel_loop3A_685 = arith.constant 48 : index
        %parallel_loop3A_686 = tpu.vector_load %arg7[%parallel_loop3A_684, %parallel_loop3A_685] {strides = array<i32>} : memref<640x64xf32, #tpu.memory_space<vmem>>, vector<1x16xf32>,
        %parallel_loop3A_687 = vector.shape_cast %parallel_loop3A_686 : vector<1x16xf32> to vector<16xf32>
        %parallel_loop3A_688 = arith.addf %parallel_loop3A_681, %parallel_loop3A_687 : vector<16xf32>
        %parallel_loop3A_689 = arith.constant 7 : i32
        %parallel_loop3A_690 = arith.addi %parallel_loop3A_207, %parallel_loop3A_689 : i32
        %parallel_loop3A_691 = arith.index_cast %parallel_loop3A_690 : i32 to index
        %parallel_loop3A_692 = arith.constant 48 : index
        %parallel_loop3A_693 = tpu.vector_load %arg7[%parallel_loop3A_691, %parallel_loop3A_692] {strides = array<i32>} : memref<640x64xf32, #tpu.memory_space<vmem>>, vector<1x16xf32>,
        %parallel_loop3A_694 = vector.shape_cast %parallel_loop3A_693 : vector<1x16xf32> to vector<16xf32>
        %parallel_loop3A_695 = arith.addf %parallel_loop3A_688, %parallel_loop3A_694 : vector<16xf32>
        %parallel_loop3A_696 = arith.constant 8 : i32
        %parallel_loop3A_697 = arith.addi %parallel_loop3A_207, %parallel_loop3A_696 : i32
        %parallel_loop3A_698 = arith.index_cast %parallel_loop3A_697 : i32 to index
        %parallel_loop3A_699 = arith.constant 48 : index
        %parallel_loop3A_700 = tpu.vector_load %arg7[%parallel_loop3A_698, %parallel_loop3A_699] {strides = array<i32>} : memref<640x64xf32, #tpu.memory_space<vmem>>, vector<1x16xf32>,
        %parallel_loop3A_701 = vector.shape_cast %parallel_loop3A_700 : vector<1x16xf32> to vector<16xf32>
        %parallel_loop3A_702 = arith.addf %parallel_loop3A_695, %parallel_loop3A_701 : vector<16xf32>
        %parallel_loop3A_703 = arith.constant 9 : i32
        %parallel_loop3A_704 = arith.addi %parallel_loop3A_207, %parallel_loop3A_703 : i32
        %parallel_loop3A_705 = arith.index_cast %parallel_loop3A_704 : i32 to index
        %parallel_loop3A_706 = arith.constant 48 : index
        %parallel_loop3A_707 = tpu.vector_load %arg7[%parallel_loop3A_705, %parallel_loop3A_706] {strides = array<i32>} : memref<640x64xf32, #tpu.memory_space<vmem>>, vector<1x16xf32>,
        %parallel_loop3A_708 = vector.shape_cast %parallel_loop3A_707 : vector<1x16xf32> to vector<16xf32>
        %parallel_loop3A_709 = arith.addf %parallel_loop3A_702, %parallel_loop3A_708 : vector<16xf32>
        %parallel_loop3A_710 = arith.constant 10 : i32
        %parallel_loop3A_711 = arith.addi %parallel_loop3A_207, %parallel_loop3A_710 : i32
        %parallel_loop3A_712 = arith.index_cast %parallel_loop3A_711 : i32 to index
        %parallel_loop3A_713 = arith.constant 48 : index
        %parallel_loop3A_714 = tpu.vector_load %arg7[%parallel_loop3A_712, %parallel_loop3A_713] {strides = array<i32>} : memref<640x64xf32, #tpu.memory_space<vmem>>, vector<1x16xf32>,
        %parallel_loop3A_715 = vector.shape_cast %parallel_loop3A_714 : vector<1x16xf32> to vector<16xf32>
        %parallel_loop3A_716 = arith.addf %parallel_loop3A_709, %parallel_loop3A_715 : vector<16xf32>
        %parallel_loop3A_717 = arith.constant 11 : i32
        %parallel_loop3A_718 = arith.addi %parallel_loop3A_207, %parallel_loop3A_717 : i32
        %parallel_loop3A_719 = arith.index_cast %parallel_loop3A_718 : i32 to index
        %parallel_loop3A_720 = arith.constant 48 : index
        %parallel_loop3A_721 = tpu.vector_load %arg7[%parallel_loop3A_719, %parallel_loop3A_720] {strides = array<i32>} : memref<640x64xf32, #tpu.memory_space<vmem>>, vector<1x16xf32>,
        %parallel_loop3A_722 = vector.shape_cast %parallel_loop3A_721 : vector<1x16xf32> to vector<16xf32>
        %parallel_loop3A_723 = arith.addf %parallel_loop3A_716, %parallel_loop3A_722 : vector<16xf32>
        %parallel_loop3A_724 = arith.constant 12 : i32
        %parallel_loop3A_725 = arith.addi %parallel_loop3A_207, %parallel_loop3A_724 : i32
        %parallel_loop3A_726 = arith.index_cast %parallel_loop3A_725 : i32 to index
        %parallel_loop3A_727 = arith.constant 48 : index
        %parallel_loop3A_728 = tpu.vector_load %arg7[%parallel_loop3A_726, %parallel_loop3A_727] {strides = array<i32>} : memref<640x64xf32, #tpu.memory_space<vmem>>, vector<1x16xf32>,
        %parallel_loop3A_729 = vector.shape_cast %parallel_loop3A_728 : vector<1x16xf32> to vector<16xf32>
        %parallel_loop3A_730 = arith.addf %parallel_loop3A_723, %parallel_loop3A_729 : vector<16xf32>
        %parallel_loop3A_731 = arith.constant 13 : i32
        %parallel_loop3A_732 = arith.addi %parallel_loop3A_207, %parallel_loop3A_731 : i32
        %parallel_loop3A_733 = arith.index_cast %parallel_loop3A_732 : i32 to index
        %parallel_loop3A_734 = arith.constant 48 : index
        %parallel_loop3A_735 = tpu.vector_load %arg7[%parallel_loop3A_733, %parallel_loop3A_734] {strides = array<i32>} : memref<640x64xf32, #tpu.memory_space<vmem>>, vector<1x16xf32>,
        %parallel_loop3A_736 = vector.shape_cast %parallel_loop3A_735 : vector<1x16xf32> to vector<16xf32>
        %parallel_loop3A_737 = arith.addf %parallel_loop3A_730, %parallel_loop3A_736 : vector<16xf32>
        %parallel_loop3A_738 = arith.constant 14 : i32
        %parallel_loop3A_739 = arith.addi %parallel_loop3A_207, %parallel_loop3A_738 : i32
        %parallel_loop3A_740 = arith.index_cast %parallel_loop3A_739 : i32 to index
        %parallel_loop3A_741 = arith.constant 48 : index
        %parallel_loop3A_742 = tpu.vector_load %arg7[%parallel_loop3A_740, %parallel_loop3A_741] {strides = array<i32>} : memref<640x64xf32, #tpu.memory_space<vmem>>, vector<1x16xf32>,
        %parallel_loop3A_743 = vector.shape_cast %parallel_loop3A_742 : vector<1x16xf32> to vector<16xf32>
        %parallel_loop3A_744 = arith.addf %parallel_loop3A_737, %parallel_loop3A_743 : vector<16xf32>
        %parallel_loop3A_745 = arith.constant 15 : i32
        %parallel_loop3A_746 = arith.addi %parallel_loop3A_207, %parallel_loop3A_745 : i32
        %parallel_loop3A_747 = arith.index_cast %parallel_loop3A_746 : i32 to index
        %parallel_loop3A_748 = arith.constant 48 : index
        %parallel_loop3A_749 = tpu.vector_load %arg7[%parallel_loop3A_747, %parallel_loop3A_748] {strides = array<i32>} : memref<640x64xf32, #tpu.memory_space<vmem>>, vector<1x16xf32>,
        %parallel_loop3A_750 = vector.shape_cast %parallel_loop3A_749 : vector<1x16xf32> to vector<16xf32>
        %parallel_loop3A_751 = arith.addf %parallel_loop3A_744, %parallel_loop3A_750 : vector<16xf32>
        %parallel_loop3A_752 = arith.constant 16 : i32
        %parallel_loop3A_753 = arith.addi %parallel_loop3A_207, %parallel_loop3A_752 : i32
        %parallel_loop3A_754 = arith.index_cast %parallel_loop3A_753 : i32 to index
        %parallel_loop3A_755 = arith.constant 48 : index
        %parallel_loop3A_756 = tpu.vector_load %arg7[%parallel_loop3A_754, %parallel_loop3A_755] {strides = array<i32>} : memref<640x64xf32, #tpu.memory_space<vmem>>, vector<1x16xf32>,
        %parallel_loop3A_757 = vector.shape_cast %parallel_loop3A_756 : vector<1x16xf32> to vector<16xf32>
        %parallel_loop3A_758 = arith.addf %parallel_loop3A_751, %parallel_loop3A_757 : vector<16xf32>
        %parallel_loop3A_759 = arith.constant 17 : i32
        %parallel_loop3A_760 = arith.addi %parallel_loop3A_207, %parallel_loop3A_759 : i32
        %parallel_loop3A_761 = arith.index_cast %parallel_loop3A_760 : i32 to index
        %parallel_loop3A_762 = arith.constant 48 : index
        %parallel_loop3A_763 = tpu.vector_load %arg7[%parallel_loop3A_761, %parallel_loop3A_762] {strides = array<i32>} : memref<640x64xf32, #tpu.memory_space<vmem>>, vector<1x16xf32>,
        %parallel_loop3A_764 = vector.shape_cast %parallel_loop3A_763 : vector<1x16xf32> to vector<16xf32>
        %parallel_loop3A_765 = arith.addf %parallel_loop3A_758, %parallel_loop3A_764 : vector<16xf32>
        %parallel_loop3A_766 = arith.constant 18 : i32
        %parallel_loop3A_767 = arith.addi %parallel_loop3A_207, %parallel_loop3A_766 : i32
        %parallel_loop3A_768 = arith.index_cast %parallel_loop3A_767 : i32 to index
        %parallel_loop3A_769 = arith.constant 48 : index
        %parallel_loop3A_770 = tpu.vector_load %arg7[%parallel_loop3A_768, %parallel_loop3A_769] {strides = array<i32>} : memref<640x64xf32, #tpu.memory_space<vmem>>, vector<1x16xf32>,
        %parallel_loop3A_771 = vector.shape_cast %parallel_loop3A_770 : vector<1x16xf32> to vector<16xf32>
        %parallel_loop3A_772 = arith.addf %parallel_loop3A_765, %parallel_loop3A_771 : vector<16xf32>
        %parallel_loop3A_773 = arith.constant 19 : i32
        %parallel_loop3A_774 = arith.addi %parallel_loop3A_207, %parallel_loop3A_773 : i32
        %parallel_loop3A_775 = arith.index_cast %parallel_loop3A_774 : i32 to index
        %parallel_loop3A_776 = arith.constant 48 : index
        %parallel_loop3A_777 = tpu.vector_load %arg7[%parallel_loop3A_775, %parallel_loop3A_776] {strides = array<i32>} : memref<640x64xf32, #tpu.memory_space<vmem>>, vector<1x16xf32>,
        %parallel_loop3A_778 = vector.shape_cast %parallel_loop3A_777 : vector<1x16xf32> to vector<16xf32>
        %parallel_loop3A_779 = arith.addf %parallel_loop3A_772, %parallel_loop3A_778 : vector<16xf32>
        %parallel_loop3A_780 = arith.constant 5.000000e-02 : f32
        %parallel_loop3A_781 = vector.broadcast %parallel_loop3A_780 : f32 to vector<16xf32>
        %parallel_loop3A_782 = arith.mulf %parallel_loop3A_779, %parallel_loop3A_781 : vector<16xf32>
        %parallel_loop3A_783 = arith.index_cast %parallel_loop3A_205 : i32 to index
        %parallel_loop3A_784 = arith.constant 48 : index
        %parallel_loop3A_785 = tpu.vector_load %arg9[%parallel_loop3A_783, %parallel_loop3A_784] {strides = array<i32>} : memref<32x64xf32, #tpu.memory_space<vmem>>, vector<1x16xf32>,
        %parallel_loop3A_786 = vector.shape_cast %parallel_loop3A_785 : vector<1x16xf32> to vector<16xf32>
        %parallel_loop3A_787 = vector.shape_cast %parallel_loop3A_782 : vector<16xf32> to vector<1x16xf32>
        tpu.vector_store %arg9[%parallel_loop3A_783, %parallel_loop3A_784], %parallel_loop3A_787 {strides = array<i32>} : memref<32x64xf32, #tpu.memory_space<vmem>>, vector<1x16xf32>,
      } {sc.loop_unroll_factor = 2 : i64, sc.parallel_access}
      "tpu.region"() ({
        %run_scoped3A = tpu.sem_alloc : memref<!tpu.dma_semaphore, #tpu.memory_space<semaphore_mem>>
        %dma_start3A_205 = arith.constant 0 : i32
        %dma_start3A_206 = tpu.memref_slice %arg4[%add3A_102, %dma_start3A_205] : memref<16384x64xf32, #tpu.memory_space<hbm>> -> memref<32x64xf32, #tpu.memory_space<hbm>>
        %dma_start3A_207 = arith.constant 0 : i32
        %dma_start3A_208 = tpu.memref_slice %arg4[%add3A_102, %dma_start3A_207] : memref<16384x64xf32, #tpu.memory_space<hbm>> -> memref<32x64xf32, #tpu.memory_space<hbm>>
        tpu.enqueue_dma source(%arg9 : memref<32x64xf32, #tpu.memory_space<vmem>>) target(%dma_start3A_208 : memref<32x64xf32, #tpu.memory_space<hbm>>) target_semaphore(%run_scoped3A : memref<!tpu.dma_semaphore, #tpu.memory_space<semaphore_mem>>)
        %dma_wait3A_209 = arith.constant 0 : i32
        %dma_wait3A_210 = tpu.memref_slice %arg4[%add3A_102, %dma_wait3A_209] : memref<16384x64xf32, #tpu.memory_space<hbm>> -> memref<32x64xf32, #tpu.memory_space<hbm>>
        %dma_wait3A_211 = arith.constant 0 : i32
        %dma_wait3A_212 = tpu.memref_slice %arg4[%add3A_102, %dma_wait3A_211] : memref<16384x64xf32, #tpu.memory_space<hbm>> -> memref<32x64xf32, #tpu.memory_space<hbm>>
        tpu.wait_dma2 semaphore(%run_scoped3A : memref<!tpu.dma_semaphore, #tpu.memory_space<semaphore_mem>>) src(%arg9 : memref<32x64xf32, #tpu.memory_space<vmem>>) dst(%dma_wait3A_212 : memref<32x64xf32, #tpu.memory_space<hbm>>)
        tpu.yield
      }) : () -> ()
      %add3A_144 = arith.constant 2 : i32
      %add3A_145 = arith.addi %add3A_99, %add3A_144 : i32
      %lt3A = arith.constant 16 : i32
      %lt3A_146 = arith.cmpi slt, %add3A_145, %lt3A : i32
      %convert_element_type3A = arith.extui %lt3A_146 : i1 to i32
      %cond3A = arith.constant 0 : i32
      %cond3A_147 = arith.cmpi ne, %convert_element_type3A, %cond3A : i32
      scf.if %cond3A_147 {
        %add3A_205 = arith.constant 2 : i32
        %add3A_206 = arith.addi %add3A_99, %add3A_205 : i32
        %mul3A_207 = arith.constant 32 : i32
        %mul3A_208 = arith.muli %add3A_206, %mul3A_207 : i32
        %add3A_209 = arith.addi %mul3A_2, %mul3A_208 : i32
        %mul3A_210 = arith.constant 20 : i32
        %mul3A_211 = arith.muli %add3A_209, %mul3A_210 : i32
        "tpu.region"() ({
          %run_scoped3A = tpu.sem_alloc : memref<!tpu.dma_semaphore, #tpu.memory_space<semaphore_mem>>
          %dma_start3A_252 = tpu.memref_slice %arg2[%mul3A_211] : memref<327680xi32, #tpu.memory_space<hbm>> -> memref<640xi32, #tpu.memory_space<hbm>>
          %dma_start3A_253 = tpu.memref_slice %arg2[%mul3A_211] : memref<327680xi32, #tpu.memory_space<hbm>> -> memref<640xi32, #tpu.memory_space<hbm>>
          tpu.enqueue_dma source(%dma_start3A_253 : memref<640xi32, #tpu.memory_space<hbm>>) target(%arg5 : memref<640xi32, #tpu.memory_space<vmem>>) target_semaphore(%run_scoped3A : memref<!tpu.dma_semaphore, #tpu.memory_space<semaphore_mem>>)
          %dma_wait3A_254 = tpu.memref_slice %arg2[%mul3A_211] : memref<327680xi32, #tpu.memory_space<hbm>> -> memref<640xi32, #tpu.memory_space<hbm>>
          %dma_wait3A_255 = tpu.memref_slice %arg2[%mul3A_211] : memref<327680xi32, #tpu.memory_space<hbm>> -> memref<640xi32, #tpu.memory_space<hbm>>
          tpu.wait_dma2 semaphore(%run_scoped3A : memref<!tpu.dma_semaphore, #tpu.memory_space<semaphore_mem>>) src(%dma_wait3A_255 : memref<640xi32, #tpu.memory_space<hbm>>) dst(%arg5 : memref<640xi32, #tpu.memory_space<vmem>>)
          tpu.yield
        }) : () -> ()
        %dma_start3A_212 = arith.constant 0 : i32
        %dma_start3A_213 = arith.constant 0 : i32
        %dma_start3A_214 = tpu.memref_slice %arg7[%dma_start3A_212, %dma_start3A_213] : memref<640x64xf32, #tpu.memory_space<vmem>> -> memref<128x64xf32, #tpu.memory_space<vmem>>
        %dma_start3A_215 = arith.constant 0 : i32
        %dma_start3A_216 = tpu.memref_slice %arg5[%dma_start3A_215] : memref<640xi32, #tpu.memory_space<vmem>> -> memref<128xi32, #tpu.memory_space<vmem>>
        %dma_start3A_217 = arith.constant 0 : i32
        %dma_start3A_218 = arith.constant 0 : i32
        %dma_start3A_219 = tpu.memref_slice %arg3[%dma_start3A_217, %dma_start3A_218] : memref<1000000x64xf32, #tpu.memory_space<hbm>> -> memref<1000000x64xf32, #tpu.memory_space<hbm>>
        tpu.enqueue_indirect_dma source(%dma_start3A_219 : memref<1000000x64xf32, #tpu.memory_space<hbm>>) target(%dma_start3A_214 : memref<128x64xf32, #tpu.memory_space<vmem>>) offsets(%dma_start3A_216 : memref<128xi32, #tpu.memory_space<vmem>>) semaphore(%arg10 : memref<!tpu.dma_semaphore, #tpu.memory_space<semaphore_mem>>)
        %dma_start3A_220 = arith.constant 128 : i32
        %dma_start3A_221 = arith.constant 0 : i32
        %dma_start3A_222 = tpu.memref_slice %arg7[%dma_start3A_220, %dma_start3A_221] : memref<640x64xf32, #tpu.memory_space<vmem>> -> memref<128x64xf32, #tpu.memory_space<vmem>>
        %dma_start3A_223 = arith.constant 128 : i32
        %dma_start3A_224 = tpu.memref_slice %arg5[%dma_start3A_223] : memref<640xi32, #tpu.memory_space<vmem>> -> memref<128xi32, #tpu.memory_space<vmem>>
        %dma_start3A_225 = arith.constant 0 : i32
        %dma_start3A_226 = arith.constant 0 : i32
        %dma_start3A_227 = tpu.memref_slice %arg3[%dma_start3A_225, %dma_start3A_226] : memref<1000000x64xf32, #tpu.memory_space<hbm>> -> memref<1000000x64xf32, #tpu.memory_space<hbm>>
        tpu.enqueue_indirect_dma source(%dma_start3A_227 : memref<1000000x64xf32, #tpu.memory_space<hbm>>) target(%dma_start3A_222 : memref<128x64xf32, #tpu.memory_space<vmem>>) offsets(%dma_start3A_224 : memref<128xi32, #tpu.memory_space<vmem>>) semaphore(%arg10 : memref<!tpu.dma_semaphore, #tpu.memory_space<semaphore_mem>>)
        %dma_start3A_228 = arith.constant 256 : i32
        %dma_start3A_229 = arith.constant 0 : i32
        %dma_start3A_230 = tpu.memref_slice %arg7[%dma_start3A_228, %dma_start3A_229] : memref<640x64xf32, #tpu.memory_space<vmem>> -> memref<128x64xf32, #tpu.memory_space<vmem>>
        %dma_start3A_231 = arith.constant 256 : i32
        %dma_start3A_232 = tpu.memref_slice %arg5[%dma_start3A_231] : memref<640xi32, #tpu.memory_space<vmem>> -> memref<128xi32, #tpu.memory_space<vmem>>
        %dma_start3A_233 = arith.constant 0 : i32
        %dma_start3A_234 = arith.constant 0 : i32
        %dma_start3A_235 = tpu.memref_slice %arg3[%dma_start3A_233, %dma_start3A_234] : memref<1000000x64xf32, #tpu.memory_space<hbm>> -> memref<1000000x64xf32, #tpu.memory_space<hbm>>
        tpu.enqueue_indirect_dma source(%dma_start3A_235 : memref<1000000x64xf32, #tpu.memory_space<hbm>>) target(%dma_start3A_230 : memref<128x64xf32, #tpu.memory_space<vmem>>) offsets(%dma_start3A_232 : memref<128xi32, #tpu.memory_space<vmem>>) semaphore(%arg10 : memref<!tpu.dma_semaphore, #tpu.memory_space<semaphore_mem>>)
        %dma_start3A_236 = arith.constant 384 : i32
        %dma_start3A_237 = arith.constant 0 : i32
        %dma_start3A_238 = tpu.memref_slice %arg7[%dma_start3A_236, %dma_start3A_237] : memref<640x64xf32, #tpu.memory_space<vmem>> -> memref<128x64xf32, #tpu.memory_space<vmem>>
        %dma_start3A_239 = arith.constant 384 : i32
        %dma_start3A_240 = tpu.memref_slice %arg5[%dma_start3A_239] : memref<640xi32, #tpu.memory_space<vmem>> -> memref<128xi32, #tpu.memory_space<vmem>>
        %dma_start3A_241 = arith.constant 0 : i32
        %dma_start3A_242 = arith.constant 0 : i32
        %dma_start3A_243 = tpu.memref_slice %arg3[%dma_start3A_241, %dma_start3A_242] : memref<1000000x64xf32, #tpu.memory_space<hbm>> -> memref<1000000x64xf32, #tpu.memory_space<hbm>>
        tpu.enqueue_indirect_dma source(%dma_start3A_243 : memref<1000000x64xf32, #tpu.memory_space<hbm>>) target(%dma_start3A_238 : memref<128x64xf32, #tpu.memory_space<vmem>>) offsets(%dma_start3A_240 : memref<128xi32, #tpu.memory_space<vmem>>) semaphore(%arg10 : memref<!tpu.dma_semaphore, #tpu.memory_space<semaphore_mem>>)
        %dma_start3A_244 = arith.constant 512 : i32
        %dma_start3A_245 = arith.constant 0 : i32
        %dma_start3A_246 = tpu.memref_slice %arg7[%dma_start3A_244, %dma_start3A_245] : memref<640x64xf32, #tpu.memory_space<vmem>> -> memref<128x64xf32, #tpu.memory_space<vmem>>
        %dma_start3A_247 = arith.constant 512 : i32
        %dma_start3A_248 = tpu.memref_slice %arg5[%dma_start3A_247] : memref<640xi32, #tpu.memory_space<vmem>> -> memref<128xi32, #tpu.memory_space<vmem>>
        %dma_start3A_249 = arith.constant 0 : i32
        %dma_start3A_250 = arith.constant 0 : i32
        %dma_start3A_251 = tpu.memref_slice %arg3[%dma_start3A_249, %dma_start3A_250] : memref<1000000x64xf32, #tpu.memory_space<hbm>> -> memref<1000000x64xf32, #tpu.memory_space<hbm>>
        tpu.enqueue_indirect_dma source(%dma_start3A_251 : memref<1000000x64xf32, #tpu.memory_space<hbm>>) target(%dma_start3A_246 : memref<128x64xf32, #tpu.memory_space<vmem>>) offsets(%dma_start3A_248 : memref<128xi32, #tpu.memory_space<vmem>>) semaphore(%arg10 : memref<!tpu.dma_semaphore, #tpu.memory_space<semaphore_mem>>)
      } else {
      }
      %mul3A_148 = arith.constant 2 : i32
      %mul3A_149 = arith.muli %mul3A_148, %scan3A_95 : i32
      %add3A_150 = arith.constant 1 : i32
      %add3A_151 = arith.addi %mul3A_149, %add3A_150 : i32
      %mul3A_152 = arith.constant 32 : i32
      %mul3A_153 = arith.muli %add3A_151, %mul3A_152 : i32
      %add3A_154 = arith.addi %mul3A_2, %mul3A_153 : i32
      %dma_wait3A_155 = arith.constant 0 : i32
      %dma_wait3A_156 = arith.constant 0 : i32
      %dma_wait3A_157 = tpu.memref_slice %arg8[%dma_wait3A_155, %dma_wait3A_156] : memref<640x64xf32, #tpu.memory_space<vmem>> -> memref<128x64xf32, #tpu.memory_space<vmem>>
      %dma_wait3A_158 = arith.constant 0 : i32
      %dma_wait3A_159 = tpu.memref_slice %arg6[%dma_wait3A_158] : memref<640xi32, #tpu.memory_space<vmem>> -> memref<128xi32, #tpu.memory_space<vmem>>
      %dma_wait3A_160 = arith.constant 0 : i32
      %dma_wait3A_161 = arith.constant 0 : i32
      %dma_wait3A_162 = tpu.memref_slice %arg3[%dma_wait3A_160, %dma_wait3A_161] : memref<1000000x64xf32, #tpu.memory_space<hbm>> -> memref<1000000x64xf32, #tpu.memory_space<hbm>>
      tpu.wait_indirect_dma semaphore(%arg11 : memref<!tpu.dma_semaphore, #tpu.memory_space<semaphore_mem>>) src(%dma_wait3A_162 : memref<1000000x64xf32, #tpu.memory_space<hbm>>) dst(%dma_wait3A_157 : memref<128x64xf32, #tpu.memory_space<vmem>>)
      %dma_wait3A_163 = arith.constant 128 : i32
      %dma_wait3A_164 = arith.constant 0 : i32
      %dma_wait3A_165 = tpu.memref_slice %arg8[%dma_wait3A_163, %dma_wait3A_164] : memref<640x64xf32, #tpu.memory_space<vmem>> -> memref<128x64xf32, #tpu.memory_space<vmem>>
      %dma_wait3A_166 = arith.constant 128 : i32
      %dma_wait3A_167 = tpu.memref_slice %arg6[%dma_wait3A_166] : memref<640xi32, #tpu.memory_space<vmem>> -> memref<128xi32, #tpu.memory_space<vmem>>
      %dma_wait3A_168 = arith.constant 0 : i32
      %dma_wait3A_169 = arith.constant 0 : i32
      %dma_wait3A_170 = tpu.memref_slice %arg3[%dma_wait3A_168, %dma_wait3A_169] : memref<1000000x64xf32, #tpu.memory_space<hbm>> -> memref<1000000x64xf32, #tpu.memory_space<hbm>>
      tpu.wait_indirect_dma semaphore(%arg11 : memref<!tpu.dma_semaphore, #tpu.memory_space<semaphore_mem>>) src(%dma_wait3A_170 : memref<1000000x64xf32, #tpu.memory_space<hbm>>) dst(%dma_wait3A_165 : memref<128x64xf32, #tpu.memory_space<vmem>>)
      %dma_wait3A_171 = arith.constant 256 : i32
      %dma_wait3A_172 = arith.constant 0 : i32
      %dma_wait3A_173 = tpu.memref_slice %arg8[%dma_wait3A_171, %dma_wait3A_172] : memref<640x64xf32, #tpu.memory_space<vmem>> -> memref<128x64xf32, #tpu.memory_space<vmem>>
      %dma_wait3A_174 = arith.constant 256 : i32
      %dma_wait3A_175 = tpu.memref_slice %arg6[%dma_wait3A_174] : memref<640xi32, #tpu.memory_space<vmem>> -> memref<128xi32, #tpu.memory_space<vmem>>
      %dma_wait3A_176 = arith.constant 0 : i32
      %dma_wait3A_177 = arith.constant 0 : i32
      %dma_wait3A_178 = tpu.memref_slice %arg3[%dma_wait3A_176, %dma_wait3A_177] : memref<1000000x64xf32, #tpu.memory_space<hbm>> -> memref<1000000x64xf32, #tpu.memory_space<hbm>>
      tpu.wait_indirect_dma semaphore(%arg11 : memref<!tpu.dma_semaphore, #tpu.memory_space<semaphore_mem>>) src(%dma_wait3A_178 : memref<1000000x64xf32, #tpu.memory_space<hbm>>) dst(%dma_wait3A_173 : memref<128x64xf32, #tpu.memory_space<vmem>>)
      %dma_wait3A_179 = arith.constant 384 : i32
      %dma_wait3A_180 = arith.constant 0 : i32
      %dma_wait3A_181 = tpu.memref_slice %arg8[%dma_wait3A_179, %dma_wait3A_180] : memref<640x64xf32, #tpu.memory_space<vmem>> -> memref<128x64xf32, #tpu.memory_space<vmem>>
      %dma_wait3A_182 = arith.constant 384 : i32
      %dma_wait3A_183 = tpu.memref_slice %arg6[%dma_wait3A_182] : memref<640xi32, #tpu.memory_space<vmem>> -> memref<128xi32, #tpu.memory_space<vmem>>
      %dma_wait3A_184 = arith.constant 0 : i32
      %dma_wait3A_185 = arith.constant 0 : i32
      %dma_wait3A_186 = tpu.memref_slice %arg3[%dma_wait3A_184, %dma_wait3A_185] : memref<1000000x64xf32, #tpu.memory_space<hbm>> -> memref<1000000x64xf32, #tpu.memory_space<hbm>>
      tpu.wait_indirect_dma semaphore(%arg11 : memref<!tpu.dma_semaphore, #tpu.memory_space<semaphore_mem>>) src(%dma_wait3A_186 : memref<1000000x64xf32, #tpu.memory_space<hbm>>) dst(%dma_wait3A_181 : memref<128x64xf32, #tpu.memory_space<vmem>>)
      %dma_wait3A_187 = arith.constant 512 : i32
      %dma_wait3A_188 = arith.constant 0 : i32
      %dma_wait3A_189 = tpu.memref_slice %arg8[%dma_wait3A_187, %dma_wait3A_188] : memref<640x64xf32, #tpu.memory_space<vmem>> -> memref<128x64xf32, #tpu.memory_space<vmem>>
      %dma_wait3A_190 = arith.constant 512 : i32
      %dma_wait3A_191 = tpu.memref_slice %arg6[%dma_wait3A_190] : memref<640xi32, #tpu.memory_space<vmem>> -> memref<128xi32, #tpu.memory_space<vmem>>
      %dma_wait3A_192 = arith.constant 0 : i32
      %dma_wait3A_193 = arith.constant 0 : i32
      %dma_wait3A_194 = tpu.memref_slice %arg3[%dma_wait3A_192, %dma_wait3A_193] : memref<1000000x64xf32, #tpu.memory_space<hbm>> -> memref<1000000x64xf32, #tpu.memory_space<hbm>>
      tpu.wait_indirect_dma semaphore(%arg11 : memref<!tpu.dma_semaphore, #tpu.memory_space<semaphore_mem>>) src(%dma_wait3A_194 : memref<1000000x64xf32, #tpu.memory_space<hbm>>) dst(%dma_wait3A_189 : memref<128x64xf32, #tpu.memory_space<vmem>>)
      %parallel_loop3A_195 = arith.constant 0 : i32
      %parallel_loop3A_196 = arith.constant 32 : i32
      %parallel_loop3A_197 = arith.constant 1 : i32
      scf.for %parallel_loop3A_205 = %parallel_loop3A_195 to %parallel_loop3A_196 step %parallel_loop3A_197  : i32 {
        %parallel_loop3A_206 = arith.constant 20 : i32
        %parallel_loop3A_207 = arith.muli %parallel_loop3A_205, %parallel_loop3A_206 : i32
        %parallel_loop3A_208 = arith.index_cast %parallel_loop3A_207 : i32 to index
        %parallel_loop3A_209 = arith.constant 0 : index
        %parallel_loop3A_210 = tpu.vector_load %arg8[%parallel_loop3A_208, %parallel_loop3A_209] {strides = array<i32>} : memref<640x64xf32, #tpu.memory_space<vmem>>, vector<1x16xf32>,
        %parallel_loop3A_211 = vector.shape_cast %parallel_loop3A_210 : vector<1x16xf32> to vector<16xf32>
        %parallel_loop3A_212 = arith.constant 1 : i32
        %parallel_loop3A_213 = arith.addi %parallel_loop3A_207, %parallel_loop3A_212 : i32
        %parallel_loop3A_214 = arith.index_cast %parallel_loop3A_213 : i32 to index
        %parallel_loop3A_215 = arith.constant 0 : index
        %parallel_loop3A_216 = tpu.vector_load %arg8[%parallel_loop3A_214, %parallel_loop3A_215] {strides = array<i32>} : memref<640x64xf32, #tpu.memory_space<vmem>>, vector<1x16xf32>,
        %parallel_loop3A_217 = vector.shape_cast %parallel_loop3A_216 : vector<1x16xf32> to vector<16xf32>
        %parallel_loop3A_218 = arith.addf %parallel_loop3A_211, %parallel_loop3A_217 : vector<16xf32>
        %parallel_loop3A_219 = arith.constant 2 : i32
        %parallel_loop3A_220 = arith.addi %parallel_loop3A_207, %parallel_loop3A_219 : i32
        %parallel_loop3A_221 = arith.index_cast %parallel_loop3A_220 : i32 to index
        %parallel_loop3A_222 = arith.constant 0 : index
        %parallel_loop3A_223 = tpu.vector_load %arg8[%parallel_loop3A_221, %parallel_loop3A_222] {strides = array<i32>} : memref<640x64xf32, #tpu.memory_space<vmem>>, vector<1x16xf32>,
        %parallel_loop3A_224 = vector.shape_cast %parallel_loop3A_223 : vector<1x16xf32> to vector<16xf32>
        %parallel_loop3A_225 = arith.addf %parallel_loop3A_218, %parallel_loop3A_224 : vector<16xf32>
        %parallel_loop3A_226 = arith.constant 3 : i32
        %parallel_loop3A_227 = arith.addi %parallel_loop3A_207, %parallel_loop3A_226 : i32
        %parallel_loop3A_228 = arith.index_cast %parallel_loop3A_227 : i32 to index
        %parallel_loop3A_229 = arith.constant 0 : index
        %parallel_loop3A_230 = tpu.vector_load %arg8[%parallel_loop3A_228, %parallel_loop3A_229] {strides = array<i32>} : memref<640x64xf32, #tpu.memory_space<vmem>>, vector<1x16xf32>,
        %parallel_loop3A_231 = vector.shape_cast %parallel_loop3A_230 : vector<1x16xf32> to vector<16xf32>
        %parallel_loop3A_232 = arith.addf %parallel_loop3A_225, %parallel_loop3A_231 : vector<16xf32>
        %parallel_loop3A_233 = arith.constant 4 : i32
        %parallel_loop3A_234 = arith.addi %parallel_loop3A_207, %parallel_loop3A_233 : i32
        %parallel_loop3A_235 = arith.index_cast %parallel_loop3A_234 : i32 to index
        %parallel_loop3A_236 = arith.constant 0 : index
        %parallel_loop3A_237 = tpu.vector_load %arg8[%parallel_loop3A_235, %parallel_loop3A_236] {strides = array<i32>} : memref<640x64xf32, #tpu.memory_space<vmem>>, vector<1x16xf32>,
        %parallel_loop3A_238 = vector.shape_cast %parallel_loop3A_237 : vector<1x16xf32> to vector<16xf32>
        %parallel_loop3A_239 = arith.addf %parallel_loop3A_232, %parallel_loop3A_238 : vector<16xf32>
        %parallel_loop3A_240 = arith.constant 5 : i32
        %parallel_loop3A_241 = arith.addi %parallel_loop3A_207, %parallel_loop3A_240 : i32
        %parallel_loop3A_242 = arith.index_cast %parallel_loop3A_241 : i32 to index
        %parallel_loop3A_243 = arith.constant 0 : index
        %parallel_loop3A_244 = tpu.vector_load %arg8[%parallel_loop3A_242, %parallel_loop3A_243] {strides = array<i32>} : memref<640x64xf32, #tpu.memory_space<vmem>>, vector<1x16xf32>,
        %parallel_loop3A_245 = vector.shape_cast %parallel_loop3A_244 : vector<1x16xf32> to vector<16xf32>
        %parallel_loop3A_246 = arith.addf %parallel_loop3A_239, %parallel_loop3A_245 : vector<16xf32>
        %parallel_loop3A_247 = arith.constant 6 : i32
        %parallel_loop3A_248 = arith.addi %parallel_loop3A_207, %parallel_loop3A_247 : i32
        %parallel_loop3A_249 = arith.index_cast %parallel_loop3A_248 : i32 to index
        %parallel_loop3A_250 = arith.constant 0 : index
        %parallel_loop3A_251 = tpu.vector_load %arg8[%parallel_loop3A_249, %parallel_loop3A_250] {strides = array<i32>} : memref<640x64xf32, #tpu.memory_space<vmem>>, vector<1x16xf32>,
        %parallel_loop3A_252 = vector.shape_cast %parallel_loop3A_251 : vector<1x16xf32> to vector<16xf32>
        %parallel_loop3A_253 = arith.addf %parallel_loop3A_246, %parallel_loop3A_252 : vector<16xf32>
        %parallel_loop3A_254 = arith.constant 7 : i32
        %parallel_loop3A_255 = arith.addi %parallel_loop3A_207, %parallel_loop3A_254 : i32
        %parallel_loop3A_256 = arith.index_cast %parallel_loop3A_255 : i32 to index
        %parallel_loop3A_257 = arith.constant 0 : index
        %parallel_loop3A_258 = tpu.vector_load %arg8[%parallel_loop3A_256, %parallel_loop3A_257] {strides = array<i32>} : memref<640x64xf32, #tpu.memory_space<vmem>>, vector<1x16xf32>,
        %parallel_loop3A_259 = vector.shape_cast %parallel_loop3A_258 : vector<1x16xf32> to vector<16xf32>
        %parallel_loop3A_260 = arith.addf %parallel_loop3A_253, %parallel_loop3A_259 : vector<16xf32>
        %parallel_loop3A_261 = arith.constant 8 : i32
        %parallel_loop3A_262 = arith.addi %parallel_loop3A_207, %parallel_loop3A_261 : i32
        %parallel_loop3A_263 = arith.index_cast %parallel_loop3A_262 : i32 to index
        %parallel_loop3A_264 = arith.constant 0 : index
        %parallel_loop3A_265 = tpu.vector_load %arg8[%parallel_loop3A_263, %parallel_loop3A_264] {strides = array<i32>} : memref<640x64xf32, #tpu.memory_space<vmem>>, vector<1x16xf32>,
        %parallel_loop3A_266 = vector.shape_cast %parallel_loop3A_265 : vector<1x16xf32> to vector<16xf32>
        %parallel_loop3A_267 = arith.addf %parallel_loop3A_260, %parallel_loop3A_266 : vector<16xf32>
        %parallel_loop3A_268 = arith.constant 9 : i32
        %parallel_loop3A_269 = arith.addi %parallel_loop3A_207, %parallel_loop3A_268 : i32
        %parallel_loop3A_270 = arith.index_cast %parallel_loop3A_269 : i32 to index
        %parallel_loop3A_271 = arith.constant 0 : index
        %parallel_loop3A_272 = tpu.vector_load %arg8[%parallel_loop3A_270, %parallel_loop3A_271] {strides = array<i32>} : memref<640x64xf32, #tpu.memory_space<vmem>>, vector<1x16xf32>,
        %parallel_loop3A_273 = vector.shape_cast %parallel_loop3A_272 : vector<1x16xf32> to vector<16xf32>
        %parallel_loop3A_274 = arith.addf %parallel_loop3A_267, %parallel_loop3A_273 : vector<16xf32>
        %parallel_loop3A_275 = arith.constant 10 : i32
        %parallel_loop3A_276 = arith.addi %parallel_loop3A_207, %parallel_loop3A_275 : i32
        %parallel_loop3A_277 = arith.index_cast %parallel_loop3A_276 : i32 to index
        %parallel_loop3A_278 = arith.constant 0 : index
        %parallel_loop3A_279 = tpu.vector_load %arg8[%parallel_loop3A_277, %parallel_loop3A_278] {strides = array<i32>} : memref<640x64xf32, #tpu.memory_space<vmem>>, vector<1x16xf32>,
        %parallel_loop3A_280 = vector.shape_cast %parallel_loop3A_279 : vector<1x16xf32> to vector<16xf32>
        %parallel_loop3A_281 = arith.addf %parallel_loop3A_274, %parallel_loop3A_280 : vector<16xf32>
        %parallel_loop3A_282 = arith.constant 11 : i32
        %parallel_loop3A_283 = arith.addi %parallel_loop3A_207, %parallel_loop3A_282 : i32
        %parallel_loop3A_284 = arith.index_cast %parallel_loop3A_283 : i32 to index
        %parallel_loop3A_285 = arith.constant 0 : index
        %parallel_loop3A_286 = tpu.vector_load %arg8[%parallel_loop3A_284, %parallel_loop3A_285] {strides = array<i32>} : memref<640x64xf32, #tpu.memory_space<vmem>>, vector<1x16xf32>,
        %parallel_loop3A_287 = vector.shape_cast %parallel_loop3A_286 : vector<1x16xf32> to vector<16xf32>
        %parallel_loop3A_288 = arith.addf %parallel_loop3A_281, %parallel_loop3A_287 : vector<16xf32>
        %parallel_loop3A_289 = arith.constant 12 : i32
        %parallel_loop3A_290 = arith.addi %parallel_loop3A_207, %parallel_loop3A_289 : i32
        %parallel_loop3A_291 = arith.index_cast %parallel_loop3A_290 : i32 to index
        %parallel_loop3A_292 = arith.constant 0 : index
        %parallel_loop3A_293 = tpu.vector_load %arg8[%parallel_loop3A_291, %parallel_loop3A_292] {strides = array<i32>} : memref<640x64xf32, #tpu.memory_space<vmem>>, vector<1x16xf32>,
        %parallel_loop3A_294 = vector.shape_cast %parallel_loop3A_293 : vector<1x16xf32> to vector<16xf32>
        %parallel_loop3A_295 = arith.addf %parallel_loop3A_288, %parallel_loop3A_294 : vector<16xf32>
        %parallel_loop3A_296 = arith.constant 13 : i32
        %parallel_loop3A_297 = arith.addi %parallel_loop3A_207, %parallel_loop3A_296 : i32
        %parallel_loop3A_298 = arith.index_cast %parallel_loop3A_297 : i32 to index
        %parallel_loop3A_299 = arith.constant 0 : index
        %parallel_loop3A_300 = tpu.vector_load %arg8[%parallel_loop3A_298, %parallel_loop3A_299] {strides = array<i32>} : memref<640x64xf32, #tpu.memory_space<vmem>>, vector<1x16xf32>,
        %parallel_loop3A_301 = vector.shape_cast %parallel_loop3A_300 : vector<1x16xf32> to vector<16xf32>
        %parallel_loop3A_302 = arith.addf %parallel_loop3A_295, %parallel_loop3A_301 : vector<16xf32>
        %parallel_loop3A_303 = arith.constant 14 : i32
        %parallel_loop3A_304 = arith.addi %parallel_loop3A_207, %parallel_loop3A_303 : i32
        %parallel_loop3A_305 = arith.index_cast %parallel_loop3A_304 : i32 to index
        %parallel_loop3A_306 = arith.constant 0 : index
        %parallel_loop3A_307 = tpu.vector_load %arg8[%parallel_loop3A_305, %parallel_loop3A_306] {strides = array<i32>} : memref<640x64xf32, #tpu.memory_space<vmem>>, vector<1x16xf32>,
        %parallel_loop3A_308 = vector.shape_cast %parallel_loop3A_307 : vector<1x16xf32> to vector<16xf32>
        %parallel_loop3A_309 = arith.addf %parallel_loop3A_302, %parallel_loop3A_308 : vector<16xf32>
        %parallel_loop3A_310 = arith.constant 15 : i32
        %parallel_loop3A_311 = arith.addi %parallel_loop3A_207, %parallel_loop3A_310 : i32
        %parallel_loop3A_312 = arith.index_cast %parallel_loop3A_311 : i32 to index
        %parallel_loop3A_313 = arith.constant 0 : index
        %parallel_loop3A_314 = tpu.vector_load %arg8[%parallel_loop3A_312, %parallel_loop3A_313] {strides = array<i32>} : memref<640x64xf32, #tpu.memory_space<vmem>>, vector<1x16xf32>,
        %parallel_loop3A_315 = vector.shape_cast %parallel_loop3A_314 : vector<1x16xf32> to vector<16xf32>
        %parallel_loop3A_316 = arith.addf %parallel_loop3A_309, %parallel_loop3A_315 : vector<16xf32>
        %parallel_loop3A_317 = arith.constant 16 : i32
        %parallel_loop3A_318 = arith.addi %parallel_loop3A_207, %parallel_loop3A_317 : i32
        %parallel_loop3A_319 = arith.index_cast %parallel_loop3A_318 : i32 to index
        %parallel_loop3A_320 = arith.constant 0 : index
        %parallel_loop3A_321 = tpu.vector_load %arg8[%parallel_loop3A_319, %parallel_loop3A_320] {strides = array<i32>} : memref<640x64xf32, #tpu.memory_space<vmem>>, vector<1x16xf32>,
        %parallel_loop3A_322 = vector.shape_cast %parallel_loop3A_321 : vector<1x16xf32> to vector<16xf32>
        %parallel_loop3A_323 = arith.addf %parallel_loop3A_316, %parallel_loop3A_322 : vector<16xf32>
        %parallel_loop3A_324 = arith.constant 17 : i32
        %parallel_loop3A_325 = arith.addi %parallel_loop3A_207, %parallel_loop3A_324 : i32
        %parallel_loop3A_326 = arith.index_cast %parallel_loop3A_325 : i32 to index
        %parallel_loop3A_327 = arith.constant 0 : index
        %parallel_loop3A_328 = tpu.vector_load %arg8[%parallel_loop3A_326, %parallel_loop3A_327] {strides = array<i32>} : memref<640x64xf32, #tpu.memory_space<vmem>>, vector<1x16xf32>,
        %parallel_loop3A_329 = vector.shape_cast %parallel_loop3A_328 : vector<1x16xf32> to vector<16xf32>
        %parallel_loop3A_330 = arith.addf %parallel_loop3A_323, %parallel_loop3A_329 : vector<16xf32>
        %parallel_loop3A_331 = arith.constant 18 : i32
        %parallel_loop3A_332 = arith.addi %parallel_loop3A_207, %parallel_loop3A_331 : i32
        %parallel_loop3A_333 = arith.index_cast %parallel_loop3A_332 : i32 to index
        %parallel_loop3A_334 = arith.constant 0 : index
        %parallel_loop3A_335 = tpu.vector_load %arg8[%parallel_loop3A_333, %parallel_loop3A_334] {strides = array<i32>} : memref<640x64xf32, #tpu.memory_space<vmem>>, vector<1x16xf32>,
        %parallel_loop3A_336 = vector.shape_cast %parallel_loop3A_335 : vector<1x16xf32> to vector<16xf32>
        %parallel_loop3A_337 = arith.addf %parallel_loop3A_330, %parallel_loop3A_336 : vector<16xf32>
        %parallel_loop3A_338 = arith.constant 19 : i32
        %parallel_loop3A_339 = arith.addi %parallel_loop3A_207, %parallel_loop3A_338 : i32
        %parallel_loop3A_340 = arith.index_cast %parallel_loop3A_339 : i32 to index
        %parallel_loop3A_341 = arith.constant 0 : index
        %parallel_loop3A_342 = tpu.vector_load %arg8[%parallel_loop3A_340, %parallel_loop3A_341] {strides = array<i32>} : memref<640x64xf32, #tpu.memory_space<vmem>>, vector<1x16xf32>,
        %parallel_loop3A_343 = vector.shape_cast %parallel_loop3A_342 : vector<1x16xf32> to vector<16xf32>
        %parallel_loop3A_344 = arith.addf %parallel_loop3A_337, %parallel_loop3A_343 : vector<16xf32>
        %parallel_loop3A_345 = arith.constant 5.000000e-02 : f32
        %parallel_loop3A_346 = vector.broadcast %parallel_loop3A_345 : f32 to vector<16xf32>
        %parallel_loop3A_347 = arith.mulf %parallel_loop3A_344, %parallel_loop3A_346 : vector<16xf32>
        %parallel_loop3A_348 = arith.index_cast %parallel_loop3A_205 : i32 to index
        %parallel_loop3A_349 = arith.constant 0 : index
        %parallel_loop3A_350 = tpu.vector_load %arg9[%parallel_loop3A_348, %parallel_loop3A_349] {strides = array<i32>} : memref<32x64xf32, #tpu.memory_space<vmem>>, vector<1x16xf32>,
        %parallel_loop3A_351 = vector.shape_cast %parallel_loop3A_350 : vector<1x16xf32> to vector<16xf32>
        %parallel_loop3A_352 = vector.shape_cast %parallel_loop3A_347 : vector<16xf32> to vector<1x16xf32>
        tpu.vector_store %arg9[%parallel_loop3A_348, %parallel_loop3A_349], %parallel_loop3A_352 {strides = array<i32>} : memref<32x64xf32, #tpu.memory_space<vmem>>, vector<1x16xf32>,
        %parallel_loop3A_353 = arith.index_cast %parallel_loop3A_207 : i32 to index
        %parallel_loop3A_354 = arith.constant 16 : index
        %parallel_loop3A_355 = tpu.vector_load %arg8[%parallel_loop3A_353, %parallel_loop3A_354] {strides = array<i32>} : memref<640x64xf32, #tpu.memory_space<vmem>>, vector<1x16xf32>,
        %parallel_loop3A_356 = vector.shape_cast %parallel_loop3A_355 : vector<1x16xf32> to vector<16xf32>
        %parallel_loop3A_357 = arith.constant 1 : i32
        %parallel_loop3A_358 = arith.addi %parallel_loop3A_207, %parallel_loop3A_357 : i32
        %parallel_loop3A_359 = arith.index_cast %parallel_loop3A_358 : i32 to index
        %parallel_loop3A_360 = arith.constant 16 : index
        %parallel_loop3A_361 = tpu.vector_load %arg8[%parallel_loop3A_359, %parallel_loop3A_360] {strides = array<i32>} : memref<640x64xf32, #tpu.memory_space<vmem>>, vector<1x16xf32>,
        %parallel_loop3A_362 = vector.shape_cast %parallel_loop3A_361 : vector<1x16xf32> to vector<16xf32>
        %parallel_loop3A_363 = arith.addf %parallel_loop3A_356, %parallel_loop3A_362 : vector<16xf32>
        %parallel_loop3A_364 = arith.constant 2 : i32
        %parallel_loop3A_365 = arith.addi %parallel_loop3A_207, %parallel_loop3A_364 : i32
        %parallel_loop3A_366 = arith.index_cast %parallel_loop3A_365 : i32 to index
        %parallel_loop3A_367 = arith.constant 16 : index
        %parallel_loop3A_368 = tpu.vector_load %arg8[%parallel_loop3A_366, %parallel_loop3A_367] {strides = array<i32>} : memref<640x64xf32, #tpu.memory_space<vmem>>, vector<1x16xf32>,
        %parallel_loop3A_369 = vector.shape_cast %parallel_loop3A_368 : vector<1x16xf32> to vector<16xf32>
        %parallel_loop3A_370 = arith.addf %parallel_loop3A_363, %parallel_loop3A_369 : vector<16xf32>
        %parallel_loop3A_371 = arith.constant 3 : i32
        %parallel_loop3A_372 = arith.addi %parallel_loop3A_207, %parallel_loop3A_371 : i32
        %parallel_loop3A_373 = arith.index_cast %parallel_loop3A_372 : i32 to index
        %parallel_loop3A_374 = arith.constant 16 : index
        %parallel_loop3A_375 = tpu.vector_load %arg8[%parallel_loop3A_373, %parallel_loop3A_374] {strides = array<i32>} : memref<640x64xf32, #tpu.memory_space<vmem>>, vector<1x16xf32>,
        %parallel_loop3A_376 = vector.shape_cast %parallel_loop3A_375 : vector<1x16xf32> to vector<16xf32>
        %parallel_loop3A_377 = arith.addf %parallel_loop3A_370, %parallel_loop3A_376 : vector<16xf32>
        %parallel_loop3A_378 = arith.constant 4 : i32
        %parallel_loop3A_379 = arith.addi %parallel_loop3A_207, %parallel_loop3A_378 : i32
        %parallel_loop3A_380 = arith.index_cast %parallel_loop3A_379 : i32 to index
        %parallel_loop3A_381 = arith.constant 16 : index
        %parallel_loop3A_382 = tpu.vector_load %arg8[%parallel_loop3A_380, %parallel_loop3A_381] {strides = array<i32>} : memref<640x64xf32, #tpu.memory_space<vmem>>, vector<1x16xf32>,
        %parallel_loop3A_383 = vector.shape_cast %parallel_loop3A_382 : vector<1x16xf32> to vector<16xf32>
        %parallel_loop3A_384 = arith.addf %parallel_loop3A_377, %parallel_loop3A_383 : vector<16xf32>
        %parallel_loop3A_385 = arith.constant 5 : i32
        %parallel_loop3A_386 = arith.addi %parallel_loop3A_207, %parallel_loop3A_385 : i32
        %parallel_loop3A_387 = arith.index_cast %parallel_loop3A_386 : i32 to index
        %parallel_loop3A_388 = arith.constant 16 : index
        %parallel_loop3A_389 = tpu.vector_load %arg8[%parallel_loop3A_387, %parallel_loop3A_388] {strides = array<i32>} : memref<640x64xf32, #tpu.memory_space<vmem>>, vector<1x16xf32>,
        %parallel_loop3A_390 = vector.shape_cast %parallel_loop3A_389 : vector<1x16xf32> to vector<16xf32>
        %parallel_loop3A_391 = arith.addf %parallel_loop3A_384, %parallel_loop3A_390 : vector<16xf32>
        %parallel_loop3A_392 = arith.constant 6 : i32
        %parallel_loop3A_393 = arith.addi %parallel_loop3A_207, %parallel_loop3A_392 : i32
        %parallel_loop3A_394 = arith.index_cast %parallel_loop3A_393 : i32 to index
        %parallel_loop3A_395 = arith.constant 16 : index
        %parallel_loop3A_396 = tpu.vector_load %arg8[%parallel_loop3A_394, %parallel_loop3A_395] {strides = array<i32>} : memref<640x64xf32, #tpu.memory_space<vmem>>, vector<1x16xf32>,
        %parallel_loop3A_397 = vector.shape_cast %parallel_loop3A_396 : vector<1x16xf32> to vector<16xf32>
        %parallel_loop3A_398 = arith.addf %parallel_loop3A_391, %parallel_loop3A_397 : vector<16xf32>
        %parallel_loop3A_399 = arith.constant 7 : i32
        %parallel_loop3A_400 = arith.addi %parallel_loop3A_207, %parallel_loop3A_399 : i32
        %parallel_loop3A_401 = arith.index_cast %parallel_loop3A_400 : i32 to index
        %parallel_loop3A_402 = arith.constant 16 : index
        %parallel_loop3A_403 = tpu.vector_load %arg8[%parallel_loop3A_401, %parallel_loop3A_402] {strides = array<i32>} : memref<640x64xf32, #tpu.memory_space<vmem>>, vector<1x16xf32>,
        %parallel_loop3A_404 = vector.shape_cast %parallel_loop3A_403 : vector<1x16xf32> to vector<16xf32>
        %parallel_loop3A_405 = arith.addf %parallel_loop3A_398, %parallel_loop3A_404 : vector<16xf32>
        %parallel_loop3A_406 = arith.constant 8 : i32
        %parallel_loop3A_407 = arith.addi %parallel_loop3A_207, %parallel_loop3A_406 : i32
        %parallel_loop3A_408 = arith.index_cast %parallel_loop3A_407 : i32 to index
        %parallel_loop3A_409 = arith.constant 16 : index
        %parallel_loop3A_410 = tpu.vector_load %arg8[%parallel_loop3A_408, %parallel_loop3A_409] {strides = array<i32>} : memref<640x64xf32, #tpu.memory_space<vmem>>, vector<1x16xf32>,
        %parallel_loop3A_411 = vector.shape_cast %parallel_loop3A_410 : vector<1x16xf32> to vector<16xf32>
        %parallel_loop3A_412 = arith.addf %parallel_loop3A_405, %parallel_loop3A_411 : vector<16xf32>
        %parallel_loop3A_413 = arith.constant 9 : i32
        %parallel_loop3A_414 = arith.addi %parallel_loop3A_207, %parallel_loop3A_413 : i32
        %parallel_loop3A_415 = arith.index_cast %parallel_loop3A_414 : i32 to index
        %parallel_loop3A_416 = arith.constant 16 : index
        %parallel_loop3A_417 = tpu.vector_load %arg8[%parallel_loop3A_415, %parallel_loop3A_416] {strides = array<i32>} : memref<640x64xf32, #tpu.memory_space<vmem>>, vector<1x16xf32>,
        %parallel_loop3A_418 = vector.shape_cast %parallel_loop3A_417 : vector<1x16xf32> to vector<16xf32>
        %parallel_loop3A_419 = arith.addf %parallel_loop3A_412, %parallel_loop3A_418 : vector<16xf32>
        %parallel_loop3A_420 = arith.constant 10 : i32
        %parallel_loop3A_421 = arith.addi %parallel_loop3A_207, %parallel_loop3A_420 : i32
        %parallel_loop3A_422 = arith.index_cast %parallel_loop3A_421 : i32 to index
        %parallel_loop3A_423 = arith.constant 16 : index
        %parallel_loop3A_424 = tpu.vector_load %arg8[%parallel_loop3A_422, %parallel_loop3A_423] {strides = array<i32>} : memref<640x64xf32, #tpu.memory_space<vmem>>, vector<1x16xf32>,
        %parallel_loop3A_425 = vector.shape_cast %parallel_loop3A_424 : vector<1x16xf32> to vector<16xf32>
        %parallel_loop3A_426 = arith.addf %parallel_loop3A_419, %parallel_loop3A_425 : vector<16xf32>
        %parallel_loop3A_427 = arith.constant 11 : i32
        %parallel_loop3A_428 = arith.addi %parallel_loop3A_207, %parallel_loop3A_427 : i32
        %parallel_loop3A_429 = arith.index_cast %parallel_loop3A_428 : i32 to index
        %parallel_loop3A_430 = arith.constant 16 : index
        %parallel_loop3A_431 = tpu.vector_load %arg8[%parallel_loop3A_429, %parallel_loop3A_430] {strides = array<i32>} : memref<640x64xf32, #tpu.memory_space<vmem>>, vector<1x16xf32>,
        %parallel_loop3A_432 = vector.shape_cast %parallel_loop3A_431 : vector<1x16xf32> to vector<16xf32>
        %parallel_loop3A_433 = arith.addf %parallel_loop3A_426, %parallel_loop3A_432 : vector<16xf32>
        %parallel_loop3A_434 = arith.constant 12 : i32
        %parallel_loop3A_435 = arith.addi %parallel_loop3A_207, %parallel_loop3A_434 : i32
        %parallel_loop3A_436 = arith.index_cast %parallel_loop3A_435 : i32 to index
        %parallel_loop3A_437 = arith.constant 16 : index
        %parallel_loop3A_438 = tpu.vector_load %arg8[%parallel_loop3A_436, %parallel_loop3A_437] {strides = array<i32>} : memref<640x64xf32, #tpu.memory_space<vmem>>, vector<1x16xf32>,
        %parallel_loop3A_439 = vector.shape_cast %parallel_loop3A_438 : vector<1x16xf32> to vector<16xf32>
        %parallel_loop3A_440 = arith.addf %parallel_loop3A_433, %parallel_loop3A_439 : vector<16xf32>
        %parallel_loop3A_441 = arith.constant 13 : i32
        %parallel_loop3A_442 = arith.addi %parallel_loop3A_207, %parallel_loop3A_441 : i32
        %parallel_loop3A_443 = arith.index_cast %parallel_loop3A_442 : i32 to index
        %parallel_loop3A_444 = arith.constant 16 : index
        %parallel_loop3A_445 = tpu.vector_load %arg8[%parallel_loop3A_443, %parallel_loop3A_444] {strides = array<i32>} : memref<640x64xf32, #tpu.memory_space<vmem>>, vector<1x16xf32>,
        %parallel_loop3A_446 = vector.shape_cast %parallel_loop3A_445 : vector<1x16xf32> to vector<16xf32>
        %parallel_loop3A_447 = arith.addf %parallel_loop3A_440, %parallel_loop3A_446 : vector<16xf32>
        %parallel_loop3A_448 = arith.constant 14 : i32
        %parallel_loop3A_449 = arith.addi %parallel_loop3A_207, %parallel_loop3A_448 : i32
        %parallel_loop3A_450 = arith.index_cast %parallel_loop3A_449 : i32 to index
        %parallel_loop3A_451 = arith.constant 16 : index
        %parallel_loop3A_452 = tpu.vector_load %arg8[%parallel_loop3A_450, %parallel_loop3A_451] {strides = array<i32>} : memref<640x64xf32, #tpu.memory_space<vmem>>, vector<1x16xf32>,
        %parallel_loop3A_453 = vector.shape_cast %parallel_loop3A_452 : vector<1x16xf32> to vector<16xf32>
        %parallel_loop3A_454 = arith.addf %parallel_loop3A_447, %parallel_loop3A_453 : vector<16xf32>
        %parallel_loop3A_455 = arith.constant 15 : i32
        %parallel_loop3A_456 = arith.addi %parallel_loop3A_207, %parallel_loop3A_455 : i32
        %parallel_loop3A_457 = arith.index_cast %parallel_loop3A_456 : i32 to index
        %parallel_loop3A_458 = arith.constant 16 : index
        %parallel_loop3A_459 = tpu.vector_load %arg8[%parallel_loop3A_457, %parallel_loop3A_458] {strides = array<i32>} : memref<640x64xf32, #tpu.memory_space<vmem>>, vector<1x16xf32>,
        %parallel_loop3A_460 = vector.shape_cast %parallel_loop3A_459 : vector<1x16xf32> to vector<16xf32>
        %parallel_loop3A_461 = arith.addf %parallel_loop3A_454, %parallel_loop3A_460 : vector<16xf32>
        %parallel_loop3A_462 = arith.constant 16 : i32
        %parallel_loop3A_463 = arith.addi %parallel_loop3A_207, %parallel_loop3A_462 : i32
        %parallel_loop3A_464 = arith.index_cast %parallel_loop3A_463 : i32 to index
        %parallel_loop3A_465 = arith.constant 16 : index
        %parallel_loop3A_466 = tpu.vector_load %arg8[%parallel_loop3A_464, %parallel_loop3A_465] {strides = array<i32>} : memref<640x64xf32, #tpu.memory_space<vmem>>, vector<1x16xf32>,
        %parallel_loop3A_467 = vector.shape_cast %parallel_loop3A_466 : vector<1x16xf32> to vector<16xf32>
        %parallel_loop3A_468 = arith.addf %parallel_loop3A_461, %parallel_loop3A_467 : vector<16xf32>
        %parallel_loop3A_469 = arith.constant 17 : i32
        %parallel_loop3A_470 = arith.addi %parallel_loop3A_207, %parallel_loop3A_469 : i32
        %parallel_loop3A_471 = arith.index_cast %parallel_loop3A_470 : i32 to index
        %parallel_loop3A_472 = arith.constant 16 : index
        %parallel_loop3A_473 = tpu.vector_load %arg8[%parallel_loop3A_471, %parallel_loop3A_472] {strides = array<i32>} : memref<640x64xf32, #tpu.memory_space<vmem>>, vector<1x16xf32>,
        %parallel_loop3A_474 = vector.shape_cast %parallel_loop3A_473 : vector<1x16xf32> to vector<16xf32>
        %parallel_loop3A_475 = arith.addf %parallel_loop3A_468, %parallel_loop3A_474 : vector<16xf32>
        %parallel_loop3A_476 = arith.constant 18 : i32
        %parallel_loop3A_477 = arith.addi %parallel_loop3A_207, %parallel_loop3A_476 : i32
        %parallel_loop3A_478 = arith.index_cast %parallel_loop3A_477 : i32 to index
        %parallel_loop3A_479 = arith.constant 16 : index
        %parallel_loop3A_480 = tpu.vector_load %arg8[%parallel_loop3A_478, %parallel_loop3A_479] {strides = array<i32>} : memref<640x64xf32, #tpu.memory_space<vmem>>, vector<1x16xf32>,
        %parallel_loop3A_481 = vector.shape_cast %parallel_loop3A_480 : vector<1x16xf32> to vector<16xf32>
        %parallel_loop3A_482 = arith.addf %parallel_loop3A_475, %parallel_loop3A_481 : vector<16xf32>
        %parallel_loop3A_483 = arith.constant 19 : i32
        %parallel_loop3A_484 = arith.addi %parallel_loop3A_207, %parallel_loop3A_483 : i32
        %parallel_loop3A_485 = arith.index_cast %parallel_loop3A_484 : i32 to index
        %parallel_loop3A_486 = arith.constant 16 : index
        %parallel_loop3A_487 = tpu.vector_load %arg8[%parallel_loop3A_485, %parallel_loop3A_486] {strides = array<i32>} : memref<640x64xf32, #tpu.memory_space<vmem>>, vector<1x16xf32>,
        %parallel_loop3A_488 = vector.shape_cast %parallel_loop3A_487 : vector<1x16xf32> to vector<16xf32>
        %parallel_loop3A_489 = arith.addf %parallel_loop3A_482, %parallel_loop3A_488 : vector<16xf32>
        %parallel_loop3A_490 = arith.constant 5.000000e-02 : f32
        %parallel_loop3A_491 = vector.broadcast %parallel_loop3A_490 : f32 to vector<16xf32>
        %parallel_loop3A_492 = arith.mulf %parallel_loop3A_489, %parallel_loop3A_491 : vector<16xf32>
        %parallel_loop3A_493 = arith.index_cast %parallel_loop3A_205 : i32 to index
        %parallel_loop3A_494 = arith.constant 16 : index
        %parallel_loop3A_495 = tpu.vector_load %arg9[%parallel_loop3A_493, %parallel_loop3A_494] {strides = array<i32>} : memref<32x64xf32, #tpu.memory_space<vmem>>, vector<1x16xf32>,
        %parallel_loop3A_496 = vector.shape_cast %parallel_loop3A_495 : vector<1x16xf32> to vector<16xf32>
        %parallel_loop3A_497 = vector.shape_cast %parallel_loop3A_492 : vector<16xf32> to vector<1x16xf32>
        tpu.vector_store %arg9[%parallel_loop3A_493, %parallel_loop3A_494], %parallel_loop3A_497 {strides = array<i32>} : memref<32x64xf32, #tpu.memory_space<vmem>>, vector<1x16xf32>,
        %parallel_loop3A_498 = arith.index_cast %parallel_loop3A_207 : i32 to index
        %parallel_loop3A_499 = arith.constant 32 : index
        %parallel_loop3A_500 = tpu.vector_load %arg8[%parallel_loop3A_498, %parallel_loop3A_499] {strides = array<i32>} : memref<640x64xf32, #tpu.memory_space<vmem>>, vector<1x16xf32>,
        %parallel_loop3A_501 = vector.shape_cast %parallel_loop3A_500 : vector<1x16xf32> to vector<16xf32>
        %parallel_loop3A_502 = arith.constant 1 : i32
        %parallel_loop3A_503 = arith.addi %parallel_loop3A_207, %parallel_loop3A_502 : i32
        %parallel_loop3A_504 = arith.index_cast %parallel_loop3A_503 : i32 to index
        %parallel_loop3A_505 = arith.constant 32 : index
        %parallel_loop3A_506 = tpu.vector_load %arg8[%parallel_loop3A_504, %parallel_loop3A_505] {strides = array<i32>} : memref<640x64xf32, #tpu.memory_space<vmem>>, vector<1x16xf32>,
        %parallel_loop3A_507 = vector.shape_cast %parallel_loop3A_506 : vector<1x16xf32> to vector<16xf32>
        %parallel_loop3A_508 = arith.addf %parallel_loop3A_501, %parallel_loop3A_507 : vector<16xf32>
        %parallel_loop3A_509 = arith.constant 2 : i32
        %parallel_loop3A_510 = arith.addi %parallel_loop3A_207, %parallel_loop3A_509 : i32
        %parallel_loop3A_511 = arith.index_cast %parallel_loop3A_510 : i32 to index
        %parallel_loop3A_512 = arith.constant 32 : index
        %parallel_loop3A_513 = tpu.vector_load %arg8[%parallel_loop3A_511, %parallel_loop3A_512] {strides = array<i32>} : memref<640x64xf32, #tpu.memory_space<vmem>>, vector<1x16xf32>,
        %parallel_loop3A_514 = vector.shape_cast %parallel_loop3A_513 : vector<1x16xf32> to vector<16xf32>
        %parallel_loop3A_515 = arith.addf %parallel_loop3A_508, %parallel_loop3A_514 : vector<16xf32>
        %parallel_loop3A_516 = arith.constant 3 : i32
        %parallel_loop3A_517 = arith.addi %parallel_loop3A_207, %parallel_loop3A_516 : i32
        %parallel_loop3A_518 = arith.index_cast %parallel_loop3A_517 : i32 to index
        %parallel_loop3A_519 = arith.constant 32 : index
        %parallel_loop3A_520 = tpu.vector_load %arg8[%parallel_loop3A_518, %parallel_loop3A_519] {strides = array<i32>} : memref<640x64xf32, #tpu.memory_space<vmem>>, vector<1x16xf32>,
        %parallel_loop3A_521 = vector.shape_cast %parallel_loop3A_520 : vector<1x16xf32> to vector<16xf32>
        %parallel_loop3A_522 = arith.addf %parallel_loop3A_515, %parallel_loop3A_521 : vector<16xf32>
        %parallel_loop3A_523 = arith.constant 4 : i32
        %parallel_loop3A_524 = arith.addi %parallel_loop3A_207, %parallel_loop3A_523 : i32
        %parallel_loop3A_525 = arith.index_cast %parallel_loop3A_524 : i32 to index
        %parallel_loop3A_526 = arith.constant 32 : index
        %parallel_loop3A_527 = tpu.vector_load %arg8[%parallel_loop3A_525, %parallel_loop3A_526] {strides = array<i32>} : memref<640x64xf32, #tpu.memory_space<vmem>>, vector<1x16xf32>,
        %parallel_loop3A_528 = vector.shape_cast %parallel_loop3A_527 : vector<1x16xf32> to vector<16xf32>
        %parallel_loop3A_529 = arith.addf %parallel_loop3A_522, %parallel_loop3A_528 : vector<16xf32>
        %parallel_loop3A_530 = arith.constant 5 : i32
        %parallel_loop3A_531 = arith.addi %parallel_loop3A_207, %parallel_loop3A_530 : i32
        %parallel_loop3A_532 = arith.index_cast %parallel_loop3A_531 : i32 to index
        %parallel_loop3A_533 = arith.constant 32 : index
        %parallel_loop3A_534 = tpu.vector_load %arg8[%parallel_loop3A_532, %parallel_loop3A_533] {strides = array<i32>} : memref<640x64xf32, #tpu.memory_space<vmem>>, vector<1x16xf32>,
        %parallel_loop3A_535 = vector.shape_cast %parallel_loop3A_534 : vector<1x16xf32> to vector<16xf32>
        %parallel_loop3A_536 = arith.addf %parallel_loop3A_529, %parallel_loop3A_535 : vector<16xf32>
        %parallel_loop3A_537 = arith.constant 6 : i32
        %parallel_loop3A_538 = arith.addi %parallel_loop3A_207, %parallel_loop3A_537 : i32
        %parallel_loop3A_539 = arith.index_cast %parallel_loop3A_538 : i32 to index
        %parallel_loop3A_540 = arith.constant 32 : index
        %parallel_loop3A_541 = tpu.vector_load %arg8[%parallel_loop3A_539, %parallel_loop3A_540] {strides = array<i32>} : memref<640x64xf32, #tpu.memory_space<vmem>>, vector<1x16xf32>,
        %parallel_loop3A_542 = vector.shape_cast %parallel_loop3A_541 : vector<1x16xf32> to vector<16xf32>
        %parallel_loop3A_543 = arith.addf %parallel_loop3A_536, %parallel_loop3A_542 : vector<16xf32>
        %parallel_loop3A_544 = arith.constant 7 : i32
        %parallel_loop3A_545 = arith.addi %parallel_loop3A_207, %parallel_loop3A_544 : i32
        %parallel_loop3A_546 = arith.index_cast %parallel_loop3A_545 : i32 to index
        %parallel_loop3A_547 = arith.constant 32 : index
        %parallel_loop3A_548 = tpu.vector_load %arg8[%parallel_loop3A_546, %parallel_loop3A_547] {strides = array<i32>} : memref<640x64xf32, #tpu.memory_space<vmem>>, vector<1x16xf32>,
        %parallel_loop3A_549 = vector.shape_cast %parallel_loop3A_548 : vector<1x16xf32> to vector<16xf32>
        %parallel_loop3A_550 = arith.addf %parallel_loop3A_543, %parallel_loop3A_549 : vector<16xf32>
        %parallel_loop3A_551 = arith.constant 8 : i32
        %parallel_loop3A_552 = arith.addi %parallel_loop3A_207, %parallel_loop3A_551 : i32
        %parallel_loop3A_553 = arith.index_cast %parallel_loop3A_552 : i32 to index
        %parallel_loop3A_554 = arith.constant 32 : index
        %parallel_loop3A_555 = tpu.vector_load %arg8[%parallel_loop3A_553, %parallel_loop3A_554] {strides = array<i32>} : memref<640x64xf32, #tpu.memory_space<vmem>>, vector<1x16xf32>,
        %parallel_loop3A_556 = vector.shape_cast %parallel_loop3A_555 : vector<1x16xf32> to vector<16xf32>
        %parallel_loop3A_557 = arith.addf %parallel_loop3A_550, %parallel_loop3A_556 : vector<16xf32>
        %parallel_loop3A_558 = arith.constant 9 : i32
        %parallel_loop3A_559 = arith.addi %parallel_loop3A_207, %parallel_loop3A_558 : i32
        %parallel_loop3A_560 = arith.index_cast %parallel_loop3A_559 : i32 to index
        %parallel_loop3A_561 = arith.constant 32 : index
        %parallel_loop3A_562 = tpu.vector_load %arg8[%parallel_loop3A_560, %parallel_loop3A_561] {strides = array<i32>} : memref<640x64xf32, #tpu.memory_space<vmem>>, vector<1x16xf32>,
        %parallel_loop3A_563 = vector.shape_cast %parallel_loop3A_562 : vector<1x16xf32> to vector<16xf32>
        %parallel_loop3A_564 = arith.addf %parallel_loop3A_557, %parallel_loop3A_563 : vector<16xf32>
        %parallel_loop3A_565 = arith.constant 10 : i32
        %parallel_loop3A_566 = arith.addi %parallel_loop3A_207, %parallel_loop3A_565 : i32
        %parallel_loop3A_567 = arith.index_cast %parallel_loop3A_566 : i32 to index
        %parallel_loop3A_568 = arith.constant 32 : index
        %parallel_loop3A_569 = tpu.vector_load %arg8[%parallel_loop3A_567, %parallel_loop3A_568] {strides = array<i32>} : memref<640x64xf32, #tpu.memory_space<vmem>>, vector<1x16xf32>,
        %parallel_loop3A_570 = vector.shape_cast %parallel_loop3A_569 : vector<1x16xf32> to vector<16xf32>
        %parallel_loop3A_571 = arith.addf %parallel_loop3A_564, %parallel_loop3A_570 : vector<16xf32>
        %parallel_loop3A_572 = arith.constant 11 : i32
        %parallel_loop3A_573 = arith.addi %parallel_loop3A_207, %parallel_loop3A_572 : i32
        %parallel_loop3A_574 = arith.index_cast %parallel_loop3A_573 : i32 to index
        %parallel_loop3A_575 = arith.constant 32 : index
        %parallel_loop3A_576 = tpu.vector_load %arg8[%parallel_loop3A_574, %parallel_loop3A_575] {strides = array<i32>} : memref<640x64xf32, #tpu.memory_space<vmem>>, vector<1x16xf32>,
        %parallel_loop3A_577 = vector.shape_cast %parallel_loop3A_576 : vector<1x16xf32> to vector<16xf32>
        %parallel_loop3A_578 = arith.addf %parallel_loop3A_571, %parallel_loop3A_577 : vector<16xf32>
        %parallel_loop3A_579 = arith.constant 12 : i32
        %parallel_loop3A_580 = arith.addi %parallel_loop3A_207, %parallel_loop3A_579 : i32
        %parallel_loop3A_581 = arith.index_cast %parallel_loop3A_580 : i32 to index
        %parallel_loop3A_582 = arith.constant 32 : index
        %parallel_loop3A_583 = tpu.vector_load %arg8[%parallel_loop3A_581, %parallel_loop3A_582] {strides = array<i32>} : memref<640x64xf32, #tpu.memory_space<vmem>>, vector<1x16xf32>,
        %parallel_loop3A_584 = vector.shape_cast %parallel_loop3A_583 : vector<1x16xf32> to vector<16xf32>
        %parallel_loop3A_585 = arith.addf %parallel_loop3A_578, %parallel_loop3A_584 : vector<16xf32>
        %parallel_loop3A_586 = arith.constant 13 : i32
        %parallel_loop3A_587 = arith.addi %parallel_loop3A_207, %parallel_loop3A_586 : i32
        %parallel_loop3A_588 = arith.index_cast %parallel_loop3A_587 : i32 to index
        %parallel_loop3A_589 = arith.constant 32 : index
        %parallel_loop3A_590 = tpu.vector_load %arg8[%parallel_loop3A_588, %parallel_loop3A_589] {strides = array<i32>} : memref<640x64xf32, #tpu.memory_space<vmem>>, vector<1x16xf32>,
        %parallel_loop3A_591 = vector.shape_cast %parallel_loop3A_590 : vector<1x16xf32> to vector<16xf32>
        %parallel_loop3A_592 = arith.addf %parallel_loop3A_585, %parallel_loop3A_591 : vector<16xf32>
        %parallel_loop3A_593 = arith.constant 14 : i32
        %parallel_loop3A_594 = arith.addi %parallel_loop3A_207, %parallel_loop3A_593 : i32
        %parallel_loop3A_595 = arith.index_cast %parallel_loop3A_594 : i32 to index
        %parallel_loop3A_596 = arith.constant 32 : index
        %parallel_loop3A_597 = tpu.vector_load %arg8[%parallel_loop3A_595, %parallel_loop3A_596] {strides = array<i32>} : memref<640x64xf32, #tpu.memory_space<vmem>>, vector<1x16xf32>,
        %parallel_loop3A_598 = vector.shape_cast %parallel_loop3A_597 : vector<1x16xf32> to vector<16xf32>
        %parallel_loop3A_599 = arith.addf %parallel_loop3A_592, %parallel_loop3A_598 : vector<16xf32>
        %parallel_loop3A_600 = arith.constant 15 : i32
        %parallel_loop3A_601 = arith.addi %parallel_loop3A_207, %parallel_loop3A_600 : i32
        %parallel_loop3A_602 = arith.index_cast %parallel_loop3A_601 : i32 to index
        %parallel_loop3A_603 = arith.constant 32 : index
        %parallel_loop3A_604 = tpu.vector_load %arg8[%parallel_loop3A_602, %parallel_loop3A_603] {strides = array<i32>} : memref<640x64xf32, #tpu.memory_space<vmem>>, vector<1x16xf32>,
        %parallel_loop3A_605 = vector.shape_cast %parallel_loop3A_604 : vector<1x16xf32> to vector<16xf32>
        %parallel_loop3A_606 = arith.addf %parallel_loop3A_599, %parallel_loop3A_605 : vector<16xf32>
        %parallel_loop3A_607 = arith.constant 16 : i32
        %parallel_loop3A_608 = arith.addi %parallel_loop3A_207, %parallel_loop3A_607 : i32
        %parallel_loop3A_609 = arith.index_cast %parallel_loop3A_608 : i32 to index
        %parallel_loop3A_610 = arith.constant 32 : index
        %parallel_loop3A_611 = tpu.vector_load %arg8[%parallel_loop3A_609, %parallel_loop3A_610] {strides = array<i32>} : memref<640x64xf32, #tpu.memory_space<vmem>>, vector<1x16xf32>,
        %parallel_loop3A_612 = vector.shape_cast %parallel_loop3A_611 : vector<1x16xf32> to vector<16xf32>
        %parallel_loop3A_613 = arith.addf %parallel_loop3A_606, %parallel_loop3A_612 : vector<16xf32>
        %parallel_loop3A_614 = arith.constant 17 : i32
        %parallel_loop3A_615 = arith.addi %parallel_loop3A_207, %parallel_loop3A_614 : i32
        %parallel_loop3A_616 = arith.index_cast %parallel_loop3A_615 : i32 to index
        %parallel_loop3A_617 = arith.constant 32 : index
        %parallel_loop3A_618 = tpu.vector_load %arg8[%parallel_loop3A_616, %parallel_loop3A_617] {strides = array<i32>} : memref<640x64xf32, #tpu.memory_space<vmem>>, vector<1x16xf32>,
        %parallel_loop3A_619 = vector.shape_cast %parallel_loop3A_618 : vector<1x16xf32> to vector<16xf32>
        %parallel_loop3A_620 = arith.addf %parallel_loop3A_613, %parallel_loop3A_619 : vector<16xf32>
        %parallel_loop3A_621 = arith.constant 18 : i32
        %parallel_loop3A_622 = arith.addi %parallel_loop3A_207, %parallel_loop3A_621 : i32
        %parallel_loop3A_623 = arith.index_cast %parallel_loop3A_622 : i32 to index
        %parallel_loop3A_624 = arith.constant 32 : index
        %parallel_loop3A_625 = tpu.vector_load %arg8[%parallel_loop3A_623, %parallel_loop3A_624] {strides = array<i32>} : memref<640x64xf32, #tpu.memory_space<vmem>>, vector<1x16xf32>,
        %parallel_loop3A_626 = vector.shape_cast %parallel_loop3A_625 : vector<1x16xf32> to vector<16xf32>
        %parallel_loop3A_627 = arith.addf %parallel_loop3A_620, %parallel_loop3A_626 : vector<16xf32>
        %parallel_loop3A_628 = arith.constant 19 : i32
        %parallel_loop3A_629 = arith.addi %parallel_loop3A_207, %parallel_loop3A_628 : i32
        %parallel_loop3A_630 = arith.index_cast %parallel_loop3A_629 : i32 to index
        %parallel_loop3A_631 = arith.constant 32 : index
        %parallel_loop3A_632 = tpu.vector_load %arg8[%parallel_loop3A_630, %parallel_loop3A_631] {strides = array<i32>} : memref<640x64xf32, #tpu.memory_space<vmem>>, vector<1x16xf32>,
        %parallel_loop3A_633 = vector.shape_cast %parallel_loop3A_632 : vector<1x16xf32> to vector<16xf32>
        %parallel_loop3A_634 = arith.addf %parallel_loop3A_627, %parallel_loop3A_633 : vector<16xf32>
        %parallel_loop3A_635 = arith.constant 5.000000e-02 : f32
        %parallel_loop3A_636 = vector.broadcast %parallel_loop3A_635 : f32 to vector<16xf32>
        %parallel_loop3A_637 = arith.mulf %parallel_loop3A_634, %parallel_loop3A_636 : vector<16xf32>
        %parallel_loop3A_638 = arith.index_cast %parallel_loop3A_205 : i32 to index
        %parallel_loop3A_639 = arith.constant 32 : index
        %parallel_loop3A_640 = tpu.vector_load %arg9[%parallel_loop3A_638, %parallel_loop3A_639] {strides = array<i32>} : memref<32x64xf32, #tpu.memory_space<vmem>>, vector<1x16xf32>,
        %parallel_loop3A_641 = vector.shape_cast %parallel_loop3A_640 : vector<1x16xf32> to vector<16xf32>
        %parallel_loop3A_642 = vector.shape_cast %parallel_loop3A_637 : vector<16xf32> to vector<1x16xf32>
        tpu.vector_store %arg9[%parallel_loop3A_638, %parallel_loop3A_639], %parallel_loop3A_642 {strides = array<i32>} : memref<32x64xf32, #tpu.memory_space<vmem>>, vector<1x16xf32>,
        %parallel_loop3A_643 = arith.index_cast %parallel_loop3A_207 : i32 to index
        %parallel_loop3A_644 = arith.constant 48 : index
        %parallel_loop3A_645 = tpu.vector_load %arg8[%parallel_loop3A_643, %parallel_loop3A_644] {strides = array<i32>} : memref<640x64xf32, #tpu.memory_space<vmem>>, vector<1x16xf32>,
        %parallel_loop3A_646 = vector.shape_cast %parallel_loop3A_645 : vector<1x16xf32> to vector<16xf32>
        %parallel_loop3A_647 = arith.constant 1 : i32
        %parallel_loop3A_648 = arith.addi %parallel_loop3A_207, %parallel_loop3A_647 : i32
        %parallel_loop3A_649 = arith.index_cast %parallel_loop3A_648 : i32 to index
        %parallel_loop3A_650 = arith.constant 48 : index
        %parallel_loop3A_651 = tpu.vector_load %arg8[%parallel_loop3A_649, %parallel_loop3A_650] {strides = array<i32>} : memref<640x64xf32, #tpu.memory_space<vmem>>, vector<1x16xf32>,
        %parallel_loop3A_652 = vector.shape_cast %parallel_loop3A_651 : vector<1x16xf32> to vector<16xf32>
        %parallel_loop3A_653 = arith.addf %parallel_loop3A_646, %parallel_loop3A_652 : vector<16xf32>
        %parallel_loop3A_654 = arith.constant 2 : i32
        %parallel_loop3A_655 = arith.addi %parallel_loop3A_207, %parallel_loop3A_654 : i32
        %parallel_loop3A_656 = arith.index_cast %parallel_loop3A_655 : i32 to index
        %parallel_loop3A_657 = arith.constant 48 : index
        %parallel_loop3A_658 = tpu.vector_load %arg8[%parallel_loop3A_656, %parallel_loop3A_657] {strides = array<i32>} : memref<640x64xf32, #tpu.memory_space<vmem>>, vector<1x16xf32>,
        %parallel_loop3A_659 = vector.shape_cast %parallel_loop3A_658 : vector<1x16xf32> to vector<16xf32>
        %parallel_loop3A_660 = arith.addf %parallel_loop3A_653, %parallel_loop3A_659 : vector<16xf32>
        %parallel_loop3A_661 = arith.constant 3 : i32
        %parallel_loop3A_662 = arith.addi %parallel_loop3A_207, %parallel_loop3A_661 : i32
        %parallel_loop3A_663 = arith.index_cast %parallel_loop3A_662 : i32 to index
        %parallel_loop3A_664 = arith.constant 48 : index
        %parallel_loop3A_665 = tpu.vector_load %arg8[%parallel_loop3A_663, %parallel_loop3A_664] {strides = array<i32>} : memref<640x64xf32, #tpu.memory_space<vmem>>, vector<1x16xf32>,
        %parallel_loop3A_666 = vector.shape_cast %parallel_loop3A_665 : vector<1x16xf32> to vector<16xf32>
        %parallel_loop3A_667 = arith.addf %parallel_loop3A_660, %parallel_loop3A_666 : vector<16xf32>
        %parallel_loop3A_668 = arith.constant 4 : i32
        %parallel_loop3A_669 = arith.addi %parallel_loop3A_207, %parallel_loop3A_668 : i32
        %parallel_loop3A_670 = arith.index_cast %parallel_loop3A_669 : i32 to index
        %parallel_loop3A_671 = arith.constant 48 : index
        %parallel_loop3A_672 = tpu.vector_load %arg8[%parallel_loop3A_670, %parallel_loop3A_671] {strides = array<i32>} : memref<640x64xf32, #tpu.memory_space<vmem>>, vector<1x16xf32>,
        %parallel_loop3A_673 = vector.shape_cast %parallel_loop3A_672 : vector<1x16xf32> to vector<16xf32>
        %parallel_loop3A_674 = arith.addf %parallel_loop3A_667, %parallel_loop3A_673 : vector<16xf32>
        %parallel_loop3A_675 = arith.constant 5 : i32
        %parallel_loop3A_676 = arith.addi %parallel_loop3A_207, %parallel_loop3A_675 : i32
        %parallel_loop3A_677 = arith.index_cast %parallel_loop3A_676 : i32 to index
        %parallel_loop3A_678 = arith.constant 48 : index
        %parallel_loop3A_679 = tpu.vector_load %arg8[%parallel_loop3A_677, %parallel_loop3A_678] {strides = array<i32>} : memref<640x64xf32, #tpu.memory_space<vmem>>, vector<1x16xf32>,
        %parallel_loop3A_680 = vector.shape_cast %parallel_loop3A_679 : vector<1x16xf32> to vector<16xf32>
        %parallel_loop3A_681 = arith.addf %parallel_loop3A_674, %parallel_loop3A_680 : vector<16xf32>
        %parallel_loop3A_682 = arith.constant 6 : i32
        %parallel_loop3A_683 = arith.addi %parallel_loop3A_207, %parallel_loop3A_682 : i32
        %parallel_loop3A_684 = arith.index_cast %parallel_loop3A_683 : i32 to index
        %parallel_loop3A_685 = arith.constant 48 : index
        %parallel_loop3A_686 = tpu.vector_load %arg8[%parallel_loop3A_684, %parallel_loop3A_685] {strides = array<i32>} : memref<640x64xf32, #tpu.memory_space<vmem>>, vector<1x16xf32>,
        %parallel_loop3A_687 = vector.shape_cast %parallel_loop3A_686 : vector<1x16xf32> to vector<16xf32>
        %parallel_loop3A_688 = arith.addf %parallel_loop3A_681, %parallel_loop3A_687 : vector<16xf32>
        %parallel_loop3A_689 = arith.constant 7 : i32
        %parallel_loop3A_690 = arith.addi %parallel_loop3A_207, %parallel_loop3A_689 : i32
        %parallel_loop3A_691 = arith.index_cast %parallel_loop3A_690 : i32 to index
        %parallel_loop3A_692 = arith.constant 48 : index
        %parallel_loop3A_693 = tpu.vector_load %arg8[%parallel_loop3A_691, %parallel_loop3A_692] {strides = array<i32>} : memref<640x64xf32, #tpu.memory_space<vmem>>, vector<1x16xf32>,
        %parallel_loop3A_694 = vector.shape_cast %parallel_loop3A_693 : vector<1x16xf32> to vector<16xf32>
        %parallel_loop3A_695 = arith.addf %parallel_loop3A_688, %parallel_loop3A_694 : vector<16xf32>
        %parallel_loop3A_696 = arith.constant 8 : i32
        %parallel_loop3A_697 = arith.addi %parallel_loop3A_207, %parallel_loop3A_696 : i32
        %parallel_loop3A_698 = arith.index_cast %parallel_loop3A_697 : i32 to index
        %parallel_loop3A_699 = arith.constant 48 : index
        %parallel_loop3A_700 = tpu.vector_load %arg8[%parallel_loop3A_698, %parallel_loop3A_699] {strides = array<i32>} : memref<640x64xf32, #tpu.memory_space<vmem>>, vector<1x16xf32>,
        %parallel_loop3A_701 = vector.shape_cast %parallel_loop3A_700 : vector<1x16xf32> to vector<16xf32>
        %parallel_loop3A_702 = arith.addf %parallel_loop3A_695, %parallel_loop3A_701 : vector<16xf32>
        %parallel_loop3A_703 = arith.constant 9 : i32
        %parallel_loop3A_704 = arith.addi %parallel_loop3A_207, %parallel_loop3A_703 : i32
        %parallel_loop3A_705 = arith.index_cast %parallel_loop3A_704 : i32 to index
        %parallel_loop3A_706 = arith.constant 48 : index
        %parallel_loop3A_707 = tpu.vector_load %arg8[%parallel_loop3A_705, %parallel_loop3A_706] {strides = array<i32>} : memref<640x64xf32, #tpu.memory_space<vmem>>, vector<1x16xf32>,
        %parallel_loop3A_708 = vector.shape_cast %parallel_loop3A_707 : vector<1x16xf32> to vector<16xf32>
        %parallel_loop3A_709 = arith.addf %parallel_loop3A_702, %parallel_loop3A_708 : vector<16xf32>
        %parallel_loop3A_710 = arith.constant 10 : i32
        %parallel_loop3A_711 = arith.addi %parallel_loop3A_207, %parallel_loop3A_710 : i32
        %parallel_loop3A_712 = arith.index_cast %parallel_loop3A_711 : i32 to index
        %parallel_loop3A_713 = arith.constant 48 : index
        %parallel_loop3A_714 = tpu.vector_load %arg8[%parallel_loop3A_712, %parallel_loop3A_713] {strides = array<i32>} : memref<640x64xf32, #tpu.memory_space<vmem>>, vector<1x16xf32>,
        %parallel_loop3A_715 = vector.shape_cast %parallel_loop3A_714 : vector<1x16xf32> to vector<16xf32>
        %parallel_loop3A_716 = arith.addf %parallel_loop3A_709, %parallel_loop3A_715 : vector<16xf32>
        %parallel_loop3A_717 = arith.constant 11 : i32
        %parallel_loop3A_718 = arith.addi %parallel_loop3A_207, %parallel_loop3A_717 : i32
        %parallel_loop3A_719 = arith.index_cast %parallel_loop3A_718 : i32 to index
        %parallel_loop3A_720 = arith.constant 48 : index
        %parallel_loop3A_721 = tpu.vector_load %arg8[%parallel_loop3A_719, %parallel_loop3A_720] {strides = array<i32>} : memref<640x64xf32, #tpu.memory_space<vmem>>, vector<1x16xf32>,
        %parallel_loop3A_722 = vector.shape_cast %parallel_loop3A_721 : vector<1x16xf32> to vector<16xf32>
        %parallel_loop3A_723 = arith.addf %parallel_loop3A_716, %parallel_loop3A_722 : vector<16xf32>
        %parallel_loop3A_724 = arith.constant 12 : i32
        %parallel_loop3A_725 = arith.addi %parallel_loop3A_207, %parallel_loop3A_724 : i32
        %parallel_loop3A_726 = arith.index_cast %parallel_loop3A_725 : i32 to index
        %parallel_loop3A_727 = arith.constant 48 : index
        %parallel_loop3A_728 = tpu.vector_load %arg8[%parallel_loop3A_726, %parallel_loop3A_727] {strides = array<i32>} : memref<640x64xf32, #tpu.memory_space<vmem>>, vector<1x16xf32>,
        %parallel_loop3A_729 = vector.shape_cast %parallel_loop3A_728 : vector<1x16xf32> to vector<16xf32>
        %parallel_loop3A_730 = arith.addf %parallel_loop3A_723, %parallel_loop3A_729 : vector<16xf32>
        %parallel_loop3A_731 = arith.constant 13 : i32
        %parallel_loop3A_732 = arith.addi %parallel_loop3A_207, %parallel_loop3A_731 : i32
        %parallel_loop3A_733 = arith.index_cast %parallel_loop3A_732 : i32 to index
        %parallel_loop3A_734 = arith.constant 48 : index
        %parallel_loop3A_735 = tpu.vector_load %arg8[%parallel_loop3A_733, %parallel_loop3A_734] {strides = array<i32>} : memref<640x64xf32, #tpu.memory_space<vmem>>, vector<1x16xf32>,
        %parallel_loop3A_736 = vector.shape_cast %parallel_loop3A_735 : vector<1x16xf32> to vector<16xf32>
        %parallel_loop3A_737 = arith.addf %parallel_loop3A_730, %parallel_loop3A_736 : vector<16xf32>
        %parallel_loop3A_738 = arith.constant 14 : i32
        %parallel_loop3A_739 = arith.addi %parallel_loop3A_207, %parallel_loop3A_738 : i32
        %parallel_loop3A_740 = arith.index_cast %parallel_loop3A_739 : i32 to index
        %parallel_loop3A_741 = arith.constant 48 : index
        %parallel_loop3A_742 = tpu.vector_load %arg8[%parallel_loop3A_740, %parallel_loop3A_741] {strides = array<i32>} : memref<640x64xf32, #tpu.memory_space<vmem>>, vector<1x16xf32>,
        %parallel_loop3A_743 = vector.shape_cast %parallel_loop3A_742 : vector<1x16xf32> to vector<16xf32>
        %parallel_loop3A_744 = arith.addf %parallel_loop3A_737, %parallel_loop3A_743 : vector<16xf32>
        %parallel_loop3A_745 = arith.constant 15 : i32
        %parallel_loop3A_746 = arith.addi %parallel_loop3A_207, %parallel_loop3A_745 : i32
        %parallel_loop3A_747 = arith.index_cast %parallel_loop3A_746 : i32 to index
        %parallel_loop3A_748 = arith.constant 48 : index
        %parallel_loop3A_749 = tpu.vector_load %arg8[%parallel_loop3A_747, %parallel_loop3A_748] {strides = array<i32>} : memref<640x64xf32, #tpu.memory_space<vmem>>, vector<1x16xf32>,
        %parallel_loop3A_750 = vector.shape_cast %parallel_loop3A_749 : vector<1x16xf32> to vector<16xf32>
        %parallel_loop3A_751 = arith.addf %parallel_loop3A_744, %parallel_loop3A_750 : vector<16xf32>
        %parallel_loop3A_752 = arith.constant 16 : i32
        %parallel_loop3A_753 = arith.addi %parallel_loop3A_207, %parallel_loop3A_752 : i32
        %parallel_loop3A_754 = arith.index_cast %parallel_loop3A_753 : i32 to index
        %parallel_loop3A_755 = arith.constant 48 : index
        %parallel_loop3A_756 = tpu.vector_load %arg8[%parallel_loop3A_754, %parallel_loop3A_755] {strides = array<i32>} : memref<640x64xf32, #tpu.memory_space<vmem>>, vector<1x16xf32>,
        %parallel_loop3A_757 = vector.shape_cast %parallel_loop3A_756 : vector<1x16xf32> to vector<16xf32>
        %parallel_loop3A_758 = arith.addf %parallel_loop3A_751, %parallel_loop3A_757 : vector<16xf32>
        %parallel_loop3A_759 = arith.constant 17 : i32
        %parallel_loop3A_760 = arith.addi %parallel_loop3A_207, %parallel_loop3A_759 : i32
        %parallel_loop3A_761 = arith.index_cast %parallel_loop3A_760 : i32 to index
        %parallel_loop3A_762 = arith.constant 48 : index
        %parallel_loop3A_763 = tpu.vector_load %arg8[%parallel_loop3A_761, %parallel_loop3A_762] {strides = array<i32>} : memref<640x64xf32, #tpu.memory_space<vmem>>, vector<1x16xf32>,
        %parallel_loop3A_764 = vector.shape_cast %parallel_loop3A_763 : vector<1x16xf32> to vector<16xf32>
        %parallel_loop3A_765 = arith.addf %parallel_loop3A_758, %parallel_loop3A_764 : vector<16xf32>
        %parallel_loop3A_766 = arith.constant 18 : i32
        %parallel_loop3A_767 = arith.addi %parallel_loop3A_207, %parallel_loop3A_766 : i32
        %parallel_loop3A_768 = arith.index_cast %parallel_loop3A_767 : i32 to index
        %parallel_loop3A_769 = arith.constant 48 : index
        %parallel_loop3A_770 = tpu.vector_load %arg8[%parallel_loop3A_768, %parallel_loop3A_769] {strides = array<i32>} : memref<640x64xf32, #tpu.memory_space<vmem>>, vector<1x16xf32>,
        %parallel_loop3A_771 = vector.shape_cast %parallel_loop3A_770 : vector<1x16xf32> to vector<16xf32>
        %parallel_loop3A_772 = arith.addf %parallel_loop3A_765, %parallel_loop3A_771 : vector<16xf32>
        %parallel_loop3A_773 = arith.constant 19 : i32
        %parallel_loop3A_774 = arith.addi %parallel_loop3A_207, %parallel_loop3A_773 : i32
        %parallel_loop3A_775 = arith.index_cast %parallel_loop3A_774 : i32 to index
        %parallel_loop3A_776 = arith.constant 48 : index
        %parallel_loop3A_777 = tpu.vector_load %arg8[%parallel_loop3A_775, %parallel_loop3A_776] {strides = array<i32>} : memref<640x64xf32, #tpu.memory_space<vmem>>, vector<1x16xf32>,
        %parallel_loop3A_778 = vector.shape_cast %parallel_loop3A_777 : vector<1x16xf32> to vector<16xf32>
        %parallel_loop3A_779 = arith.addf %parallel_loop3A_772, %parallel_loop3A_778 : vector<16xf32>
        %parallel_loop3A_780 = arith.constant 5.000000e-02 : f32
        %parallel_loop3A_781 = vector.broadcast %parallel_loop3A_780 : f32 to vector<16xf32>
        %parallel_loop3A_782 = arith.mulf %parallel_loop3A_779, %parallel_loop3A_781 : vector<16xf32>
        %parallel_loop3A_783 = arith.index_cast %parallel_loop3A_205 : i32 to index
        %parallel_loop3A_784 = arith.constant 48 : index
        %parallel_loop3A_785 = tpu.vector_load %arg9[%parallel_loop3A_783, %parallel_loop3A_784] {strides = array<i32>} : memref<32x64xf32, #tpu.memory_space<vmem>>, vector<1x16xf32>,
        %parallel_loop3A_786 = vector.shape_cast %parallel_loop3A_785 : vector<1x16xf32> to vector<16xf32>
        %parallel_loop3A_787 = vector.shape_cast %parallel_loop3A_782 : vector<16xf32> to vector<1x16xf32>
        tpu.vector_store %arg9[%parallel_loop3A_783, %parallel_loop3A_784], %parallel_loop3A_787 {strides = array<i32>} : memref<32x64xf32, #tpu.memory_space<vmem>>, vector<1x16xf32>,
      } {sc.loop_unroll_factor = 2 : i64, sc.parallel_access}
      "tpu.region"() ({
        %run_scoped3A = tpu.sem_alloc : memref<!tpu.dma_semaphore, #tpu.memory_space<semaphore_mem>>
        %dma_start3A_205 = arith.constant 0 : i32
        %dma_start3A_206 = tpu.memref_slice %arg4[%add3A_154, %dma_start3A_205] : memref<16384x64xf32, #tpu.memory_space<hbm>> -> memref<32x64xf32, #tpu.memory_space<hbm>>
        %dma_start3A_207 = arith.constant 0 : i32
        %dma_start3A_208 = tpu.memref_slice %arg4[%add3A_154, %dma_start3A_207] : memref<16384x64xf32, #tpu.memory_space<hbm>> -> memref<32x64xf32, #tpu.memory_space<hbm>>
        tpu.enqueue_dma source(%arg9 : memref<32x64xf32, #tpu.memory_space<vmem>>) target(%dma_start3A_208 : memref<32x64xf32, #tpu.memory_space<hbm>>) target_semaphore(%run_scoped3A : memref<!tpu.dma_semaphore, #tpu.memory_space<semaphore_mem>>)
        %dma_wait3A_209 = arith.constant 0 : i32
        %dma_wait3A_210 = tpu.memref_slice %arg4[%add3A_154, %dma_wait3A_209] : memref<16384x64xf32, #tpu.memory_space<hbm>> -> memref<32x64xf32, #tpu.memory_space<hbm>>
        %dma_wait3A_211 = arith.constant 0 : i32
        %dma_wait3A_212 = tpu.memref_slice %arg4[%add3A_154, %dma_wait3A_211] : memref<16384x64xf32, #tpu.memory_space<hbm>> -> memref<32x64xf32, #tpu.memory_space<hbm>>
        tpu.wait_dma2 semaphore(%run_scoped3A : memref<!tpu.dma_semaphore, #tpu.memory_space<semaphore_mem>>) src(%arg9 : memref<32x64xf32, #tpu.memory_space<vmem>>) dst(%dma_wait3A_212 : memref<32x64xf32, #tpu.memory_space<hbm>>)
        tpu.yield
      }) : () -> ()
      %add3A_198 = arith.constant 2 : i32
      %add3A_199 = arith.addi %add3A_151, %add3A_198 : i32
      %lt3A_200 = arith.constant 16 : i32
      %lt3A_201 = arith.cmpi slt, %add3A_199, %lt3A_200 : i32
      %convert_element_type3A_202 = arith.extui %lt3A_201 : i1 to i32
      %cond3A_203 = arith.constant 0 : i32
      %cond3A_204 = arith.cmpi ne, %convert_element_type3A_202, %cond3A_203 : i32
      scf.if %cond3A_204 {
        %add3A_205 = arith.constant 2 : i32
        %add3A_206 = arith.addi %add3A_151, %add3A_205 : i32
        %mul3A_207 = arith.constant 32 : i32
        %mul3A_208 = arith.muli %add3A_206, %mul3A_207 : i32
        %add3A_209 = arith.addi %mul3A_2, %mul3A_208 : i32
        %mul3A_210 = arith.constant 20 : i32
        %mul3A_211 = arith.muli %add3A_209, %mul3A_210 : i32
        "tpu.region"() ({
          %run_scoped3A = tpu.sem_alloc : memref<!tpu.dma_semaphore, #tpu.memory_space<semaphore_mem>>
          %dma_start3A_252 = tpu.memref_slice %arg2[%mul3A_211] : memref<327680xi32, #tpu.memory_space<hbm>> -> memref<640xi32, #tpu.memory_space<hbm>>
          %dma_start3A_253 = tpu.memref_slice %arg2[%mul3A_211] : memref<327680xi32, #tpu.memory_space<hbm>> -> memref<640xi32, #tpu.memory_space<hbm>>
          tpu.enqueue_dma source(%dma_start3A_253 : memref<640xi32, #tpu.memory_space<hbm>>) target(%arg6 : memref<640xi32, #tpu.memory_space<vmem>>) target_semaphore(%run_scoped3A : memref<!tpu.dma_semaphore, #tpu.memory_space<semaphore_mem>>)
          %dma_wait3A_254 = tpu.memref_slice %arg2[%mul3A_211] : memref<327680xi32, #tpu.memory_space<hbm>> -> memref<640xi32, #tpu.memory_space<hbm>>
          %dma_wait3A_255 = tpu.memref_slice %arg2[%mul3A_211] : memref<327680xi32, #tpu.memory_space<hbm>> -> memref<640xi32, #tpu.memory_space<hbm>>
          tpu.wait_dma2 semaphore(%run_scoped3A : memref<!tpu.dma_semaphore, #tpu.memory_space<semaphore_mem>>) src(%dma_wait3A_255 : memref<640xi32, #tpu.memory_space<hbm>>) dst(%arg6 : memref<640xi32, #tpu.memory_space<vmem>>)
          tpu.yield
        }) : () -> ()
        %dma_start3A_212 = arith.constant 0 : i32
        %dma_start3A_213 = arith.constant 0 : i32
        %dma_start3A_214 = tpu.memref_slice %arg8[%dma_start3A_212, %dma_start3A_213] : memref<640x64xf32, #tpu.memory_space<vmem>> -> memref<128x64xf32, #tpu.memory_space<vmem>>
        %dma_start3A_215 = arith.constant 0 : i32
        %dma_start3A_216 = tpu.memref_slice %arg6[%dma_start3A_215] : memref<640xi32, #tpu.memory_space<vmem>> -> memref<128xi32, #tpu.memory_space<vmem>>
        %dma_start3A_217 = arith.constant 0 : i32
        %dma_start3A_218 = arith.constant 0 : i32
        %dma_start3A_219 = tpu.memref_slice %arg3[%dma_start3A_217, %dma_start3A_218] : memref<1000000x64xf32, #tpu.memory_space<hbm>> -> memref<1000000x64xf32, #tpu.memory_space<hbm>>
        tpu.enqueue_indirect_dma source(%dma_start3A_219 : memref<1000000x64xf32, #tpu.memory_space<hbm>>) target(%dma_start3A_214 : memref<128x64xf32, #tpu.memory_space<vmem>>) offsets(%dma_start3A_216 : memref<128xi32, #tpu.memory_space<vmem>>) semaphore(%arg11 : memref<!tpu.dma_semaphore, #tpu.memory_space<semaphore_mem>>)
        %dma_start3A_220 = arith.constant 128 : i32
        %dma_start3A_221 = arith.constant 0 : i32
        %dma_start3A_222 = tpu.memref_slice %arg8[%dma_start3A_220, %dma_start3A_221] : memref<640x64xf32, #tpu.memory_space<vmem>> -> memref<128x64xf32, #tpu.memory_space<vmem>>
        %dma_start3A_223 = arith.constant 128 : i32
        %dma_start3A_224 = tpu.memref_slice %arg6[%dma_start3A_223] : memref<640xi32, #tpu.memory_space<vmem>> -> memref<128xi32, #tpu.memory_space<vmem>>
        %dma_start3A_225 = arith.constant 0 : i32
        %dma_start3A_226 = arith.constant 0 : i32
        %dma_start3A_227 = tpu.memref_slice %arg3[%dma_start3A_225, %dma_start3A_226] : memref<1000000x64xf32, #tpu.memory_space<hbm>> -> memref<1000000x64xf32, #tpu.memory_space<hbm>>
        tpu.enqueue_indirect_dma source(%dma_start3A_227 : memref<1000000x64xf32, #tpu.memory_space<hbm>>) target(%dma_start3A_222 : memref<128x64xf32, #tpu.memory_space<vmem>>) offsets(%dma_start3A_224 : memref<128xi32, #tpu.memory_space<vmem>>) semaphore(%arg11 : memref<!tpu.dma_semaphore, #tpu.memory_space<semaphore_mem>>)
        %dma_start3A_228 = arith.constant 256 : i32
        %dma_start3A_229 = arith.constant 0 : i32
        %dma_start3A_230 = tpu.memref_slice %arg8[%dma_start3A_228, %dma_start3A_229] : memref<640x64xf32, #tpu.memory_space<vmem>> -> memref<128x64xf32, #tpu.memory_space<vmem>>
        %dma_start3A_231 = arith.constant 256 : i32
        %dma_start3A_232 = tpu.memref_slice %arg6[%dma_start3A_231] : memref<640xi32, #tpu.memory_space<vmem>> -> memref<128xi32, #tpu.memory_space<vmem>>
        %dma_start3A_233 = arith.constant 0 : i32
        %dma_start3A_234 = arith.constant 0 : i32
        %dma_start3A_235 = tpu.memref_slice %arg3[%dma_start3A_233, %dma_start3A_234] : memref<1000000x64xf32, #tpu.memory_space<hbm>> -> memref<1000000x64xf32, #tpu.memory_space<hbm>>
        tpu.enqueue_indirect_dma source(%dma_start3A_235 : memref<1000000x64xf32, #tpu.memory_space<hbm>>) target(%dma_start3A_230 : memref<128x64xf32, #tpu.memory_space<vmem>>) offsets(%dma_start3A_232 : memref<128xi32, #tpu.memory_space<vmem>>) semaphore(%arg11 : memref<!tpu.dma_semaphore, #tpu.memory_space<semaphore_mem>>)
        %dma_start3A_236 = arith.constant 384 : i32
        %dma_start3A_237 = arith.constant 0 : i32
        %dma_start3A_238 = tpu.memref_slice %arg8[%dma_start3A_236, %dma_start3A_237] : memref<640x64xf32, #tpu.memory_space<vmem>> -> memref<128x64xf32, #tpu.memory_space<vmem>>
        %dma_start3A_239 = arith.constant 384 : i32
        %dma_start3A_240 = tpu.memref_slice %arg6[%dma_start3A_239] : memref<640xi32, #tpu.memory_space<vmem>> -> memref<128xi32, #tpu.memory_space<vmem>>
        %dma_start3A_241 = arith.constant 0 : i32
        %dma_start3A_242 = arith.constant 0 : i32
        %dma_start3A_243 = tpu.memref_slice %arg3[%dma_start3A_241, %dma_start3A_242] : memref<1000000x64xf32, #tpu.memory_space<hbm>> -> memref<1000000x64xf32, #tpu.memory_space<hbm>>
        tpu.enqueue_indirect_dma source(%dma_start3A_243 : memref<1000000x64xf32, #tpu.memory_space<hbm>>) target(%dma_start3A_238 : memref<128x64xf32, #tpu.memory_space<vmem>>) offsets(%dma_start3A_240 : memref<128xi32, #tpu.memory_space<vmem>>) semaphore(%arg11 : memref<!tpu.dma_semaphore, #tpu.memory_space<semaphore_mem>>)
        %dma_start3A_244 = arith.constant 512 : i32
        %dma_start3A_245 = arith.constant 0 : i32
        %dma_start3A_246 = tpu.memref_slice %arg8[%dma_start3A_244, %dma_start3A_245] : memref<640x64xf32, #tpu.memory_space<vmem>> -> memref<128x64xf32, #tpu.memory_space<vmem>>
        %dma_start3A_247 = arith.constant 512 : i32
        %dma_start3A_248 = tpu.memref_slice %arg6[%dma_start3A_247] : memref<640xi32, #tpu.memory_space<vmem>> -> memref<128xi32, #tpu.memory_space<vmem>>
        %dma_start3A_249 = arith.constant 0 : i32
        %dma_start3A_250 = arith.constant 0 : i32
        %dma_start3A_251 = tpu.memref_slice %arg3[%dma_start3A_249, %dma_start3A_250] : memref<1000000x64xf32, #tpu.memory_space<hbm>> -> memref<1000000x64xf32, #tpu.memory_space<hbm>>
        tpu.enqueue_indirect_dma source(%dma_start3A_251 : memref<1000000x64xf32, #tpu.memory_space<hbm>>) target(%dma_start3A_246 : memref<128x64xf32, #tpu.memory_space<vmem>>) offsets(%dma_start3A_248 : memref<128xi32, #tpu.memory_space<vmem>>) semaphore(%arg11 : memref<!tpu.dma_semaphore, #tpu.memory_space<semaphore_mem>>)
      } else {
      }
    }
    %scan3A_94 = arith.constant 8 : i32
    return
  }
}

</mosaic_0001>

<sc_bundles>
// kernel: kernel.3.cloned.1.call-start
scs
__scs_entry_jumppad:
0x0: {  	(pc) =	sbr.rel $0x88, $3  }
0x1: {  	(tag) =	ssettag $0x0;
	lr =	simm.s32 $0x1  }
0x2: {  	[smem:$0x3F9F] =	sst lr;
	_ =	strace $0xD0000000  }
0x3: {  	_ = 	snop  }
0x4: {  	_ = 	snop  }
0x5: {  	_ = 	snop  }
0x6: {  	_ = 	snop  }
0x7: {  	_ = 	snop  }
__scs_overlays_trampoline_lowered:
0x8: {  	[smem:$0x3FAE] =	sst s0  }
0x9: {  	[smem:$0x3FAF] =	sst s1  }
0xa: {  	[smem:$0x3FB0] =	sst s2  }
0xb: {  	[smem:$0x3FB1] =	sst s3  }
0xc: {  	[smem:$0x3FB2] =	sst s4  }
0xd: {  	[smem:$0x3FB3] =	sst s5  }
0xe: {  	[smem:$0x3FB4] =	sst s6  }
0xf: {  	[smem:$0x3FB5] =	sst s7  }
0x10: {  	[smem:$0x3FB6] =	sst s8  }
0x11: {  	[smem:$0x3FB7] =	sst s9;
	s0 =	simm.s32 @!p0 $0x0  }
0x12: {  	s1 =	sld [smem:$0x3F9D];
	s0 =	simm.s32 @p0 $0x1  }
0x13: {  	[smem:$0x3FB8] =	sst s0;
	s0 =	simm.s32 @!p1 $0x0  }
0x14: {  	s2 =	sld [smem:$0x3F9C];
	s0 =	simm.s32 @p1 $0x1  }
0x15: {  	[smem:$0x3FB9] =	sst s0;
	s0 =	simm.s32 @!p2 $0x0  }
0x16: {  	s3 =	sld [smem:$0x3FDB];
	s0 =	simm.s32 @p2 $0x1  }
0x17: {  	s4 =	simm.s32 $0x1BF5;
	[smem:$0x3FBB] =	sst s0  }
0x18: {  	s0 =	sld [smem:$0x3F9E];
	_ =	swait.ge [sflag:s4], $0x0  }
0x19: {  	s7 =	sld [smem:$0x3F9F]  }
0x1a: {  	s8 =	sadd.s32 $0xFFFFE003, lr  }
0x1b: {  	s9 =	sadd.s32 $0xFFFFFEF7, lr;
	s5 =	simm.s32 $0xFFFFFFFF;
	p2 =	slt.u32 s8, $0xFFFFF086  }
0x1c: {  	p1 =	slt.u32 s9, $0xF7A;
	s5 =	simm.s32 @!p2 $0x0  }
0x1d: {  	s5 =	simm.s32 @p1 $0x1;
	p0 =	seq.s32 s7, s2  }
0x1e: {  	s7 =	smul.u32 @!p0 $0xF7A, s2;
	p2 =	seq.s32 @!p0 s5, $0x0  }
0x1f: {  	s9 =	smul.u32 $0xF7A, s1;
	s8 =	simm.s32 @!p0 $0x1BF5;
	p2 =	por !p2, p0  }
0x20: {  	[sflag:s8] =	ssyncset.s32 @!p0 $0xFFFFF086;
	s6 =	sadd.s32 @!p0 s3, s7;
	s7 =	simm.s32 @!p0 $0x108  }
0x21: {  	s3 =	sadd.s32 s3, s9;
	s6 =	sadd.s32 @!p0 $0x88, s6;
	s7 =	simm.s32 @p2 $0x1082  }
0x22: {  	[simem:s7], [sflag:s8] =	dma.local @!p0 [hbm:s6], $0xF7A  }
0x23: {  	s9 =	sor.u32 $0xD0000000, s2;
	s6 =	simm.s32 $0x108;
	_ =	swait.ge @!p0 [sflag:s8], $0x0  }
0x24: {  	s3 =	sadd.s32 $0x88, s3;
	s6 =	simm.s32 @!p1 $0x1082;
	[sflag:s4] =	ssyncset.s32 $0xFFFFF086  }
0x25: {  	[simem:s6], [sflag:s4] =	dma.local [hbm:s3], $0xF7A  }
0x26: {  	[smem:$0x3F9F] =	sst s1;
	(tag) =	ssettag s2;
	_ =	strace s9  }
0x27: {  	s1 =	sld [smem:$0x3FAF]  }
0x28: {  	s2 =	sld [smem:$0x3FB0]  }
0x29: {  	s4 =	sld [smem:$0x3FB2]  }
0x2a: {  	p0 =	seq.s32 s5, $0x0;
	s5 =	sld [smem:$0x3FB3]  }
0x2b: {  	s6 =	sld [smem:$0x3FB4]  }
0x2c: {  	s7 =	sld [smem:$0x3FB5]  }
0x2d: {  	s3 =	simm.s32 $0x108;
	s8 =	sld [smem:$0x3FB6]  }
0x2e: {  	s3 =	simm.s32 @!p0 $0x1082;
	s9 =	sld [smem:$0x3FB7]  }
0x2f: {  	lr =	sadd.s32 s0, s3;
	s0 =	sld [smem:$0x3FAE]  }
0x30: {  	s3 =	sld [smem:$0x3FB1]  }
0x31: {  	[smem:$0x3FBA] =	sst s10  }
0x32: {  	s10 =	sld [smem:$0x3FB8];
	_ =	sdelay $0x3  }
0x33: {  	p0 =	seq.s32 s10, $0x1;
	s10 =	sld [smem:$0x3FBA];
	_ =	sdelay $0x3  }
0x34: {  	[smem:$0x3FBA] =	sst s10  }
0x35: {  	s10 =	sld [smem:$0x3FB9];
	_ =	sdelay $0x3  }
0x36: {  	p1 =	seq.s32 s10, $0x1;
	s10 =	sld [smem:$0x3FBA];
	_ =	sdelay $0x3  }
0x37: {  	[smem:$0x3FBA] =	sst s10  }
0x38: {  	s10 =	sld [smem:$0x3FBB]  }
0x39: {  	_ = 	snop;
	(pc) =	sbr.ind lr, $3  }
0x3a: {  	_ = 	snop  }
0x3b: {  	_ = 	snop  }
0x3c: {  	p2 =	seq.s32 s10, $0x1;
	s10 =	sld [smem:$0x3FBA]  }
0x3d: {  	_ =	shalt  }
0x3e: {  	_ =	shalt  }
0x3f: {  	_ =	shalt  }
0x40: {  	_ =	shalt  }
0x41: {  	_ =	shalt  }
0x42: {  	_ =	shalt  }
0x43: {  	_ =	shalt  }
0x44: {  	_ =	shalt  }
0x45: {  	_ =	shalt  }
0x46: {  	_ =	shalt  }
0x47: {  	_ =	shalt  }
0x48: {  	_ =	shalt  }
0x49: {  	_ =	shalt  }
0x4a: {  	_ =	shalt  }
0x4b: {  	_ =	shalt  }
0x4c: {  	_ =	shalt  }
0x4d: {  	_ =	shalt  }
0x4e: {  	_ =	shalt  }
0x4f: {  	_ =	shalt  }
0x50: {  	_ =	shalt  }
0x51: {  	_ =	shalt  }
0x52: {  	_ =	shalt  }
0x53: {  	_ =	shalt  }
0x54: {  	_ =	shalt  }
0x55: {  	_ =	shalt  }
0x56: {  	_ =	shalt  }
0x57: {  	_ =	shalt  }
0x58: {  	_ =	shalt  }
0x59: {  	_ =	shalt  }
0x5a: {  	_ =	shalt  }
0x5b: {  	_ =	shalt  }
0x5c: {  	_ =	shalt  }
0x5d: {  	_ =	shalt  }
0x5e: {  	_ =	shalt  }
0x5f: {  	_ =	shalt  }
0x60: {  	_ =	shalt  }
0x61: {  	_ =	shalt  }
0x62: {  	_ =	shalt  }
0x63: {  	_ =	shalt  }
0x64: {  	_ =	shalt  }
0x65: {  	_ =	shalt  }
0x66: {  	_ =	shalt  }
0x67: {  	_ =	shalt  }
0x68: {  	_ =	shalt  }
0x69: {  	_ =	shalt  }
0x6a: {  	_ =	shalt  }
0x6b: {  	_ =	shalt  }
0x6c: {  	_ =	shalt  }
0x6d: {  	_ =	shalt  }
0x6e: {  	_ =	shalt  }
0x6f: {  	_ =	shalt  }
0x70: {  	_ =	shalt  }
0x71: {  	_ =	shalt  }
0x72: {  	_ =	shalt  }
0x73: {  	_ =	shalt  }
0x74: {  	_ =	shalt  }
0x75: {  	_ =	shalt  }
0x76: {  	_ =	shalt  }
0x77: {  	_ =	shalt  }
0x78: {  	_ =	shalt  }
0x79: {  	_ =	shalt  }
0x7a: {  	_ =	shalt  }
0x7b: {  	_ =	shalt  }
0x7c: {  	_ =	shalt  }
0x7d: {  	_ =	shalt  }
0x7e: {  	_ =	shalt  }
0x7f: {  	_ =	shalt  }
0x80: {  	_ =	shalt  }
0x81: {  	_ =	shalt  }
0x82: {  	_ =	shalt  }
0x83: {  	_ =	shalt  }
0x84: {  	_ =	shalt  }
0x85: {  	_ =	shalt  }
0x86: {  	_ =	shalt  }
0x87: {  	_ =	shalt  }
.Lfunc_end0:
.L_simem_size_0:
called_computation_lowered:
.L_overlay_start_0:
0x88: {  	s2 =	sld [smem:$0x3FD9]  }
0x89: {  	s3 =	sld [smem:$0x3FFE];
	_ =	sdelay $0x1  }
0x8a: {  	s1 =	srdreg.scid  }
0x8b: {  	s0 =	sand.u32 $0x1, s1  }
0x8c: {  	s17 =	sshll.u32 s0, $0xA;
	s2 =	sadd.s32 s3, s2  }
0x8d: {  	s2 =	sadd.s32 s2, s17  }
0x8e: {  	[smem:$0x3FC6] =	sst s2  }
0x8f: {  	_ = 	snop  }
0x90: {  	s2 =	sld [smem:$0x3FD0];
	(tm) =	ssettm $0x1  }
0x91: {  	s18 =	sld [smem:$0x3FFB];
	_ =	sdelay $0x3  }
0x92: {  	_ =	strace s18  }
0x93: {  	s3 =	sld [smem:$0x3FFC];
	_ =	sdelay $0x3  }
0x94: {  	_ =	strace s3  }
0x95: {  	s3 =	sld [smem:$0x3FFD];
	_ =	sdelay $0x3  }
0x96: {  	_ =	strace s3  }
0x97: {  	_ =	strace $0x8FFFFFFF  }
0x98: {  	s19 =	sld [smem:$0x3FDB];
	_ =	sdelay $0x1  }
0x99: {  	s4 =	simm.s32 $_scs_section_size  }
0x9a: {  	s5 =	simm.s32 $_size__tile_overlayer_lowered;
	s6 =	simm.s32 $_tile_overlayer_lowered  }
0x9b: {  	s22 =	simm.s32 $0x1BFF;
	s21 =	sshll.u32 s6, $0x1;
	s3 =	sadd.s32 s4, s19  }
0x9c: {  	s7 =	simm.s32 $0x0;
	s20 =	sshll.u32 s5, $0x1;
	s5 =	sadd.s32 s21, s3  }
0x9d: {  	[timem:s7], [sflag:s22] =	dma.local [hbm:s5], s20  }
0x9e: {  	_ =	swait.ge [sflag:s22], s20  }
0x9f: {  	s4 =	ssub.s32 $0x0, s20;
	[sflag:s22] =	ssyncset.done $0x0  }
0xa0: {  	[sflag:s22] =	ssyncadd.s32 s4;
	_ =	sdelay $0x1  }
0xa1: {  	s23 =	simm.s32 $0x1B8B  }
0xa2: {  	_ =	swait.ge [sflag:s23], $0x1  }
0xa3: {  	[sflag:s23] =	ssyncset.done $0x0  }
0xa4: {  	s25 =	simm.s32 $0x1B8E;
	s24 =	sld [smem:$0x3FFE];
	[sflag:s23] =	ssyncadd.s32 $0xFFFFFFFF  }
0xa5: {  	s26 =	simm.s32 $execute0_lowered;
	[smem:$0x3FD2] =	sst s25  }
0xa6: {  	s5 =	sshll.u32 s26, $0x1;
	_ =	strace $0x80000046;
	[dreg:$0x1] =	wrdreg $0xFFFFFFFF  }
0xa7: {  	s28 =	simm.s32 $_size_execute0_lowered;
	s3 =	sadd.s32 s3, s5;
	[dreg:$0x0] =	wrdreg $0x0  }
0xa8: {  	s5 =	sshll.u32 s28, $0x1;
	[dreg:$0x2] =	wrdreg s3  }
0xa9: {  	[dreg:$0x3] =	wrdreg s5  }
0xaa: {  	[dreg:$0x4] =	wrdreg $0xC0  }
0xab: {  	_ =	task [dreg:s7], $0x5FFFF  }
0xac: {  	[dreg:$0x1] =	wrdreg $0xFFFFFFFF  }
0xad: {  	[dreg:$0x0] =	wrdreg $0x60  }
0xae: {  	[dreg:$0x2] =	wrdreg s24  }
0xaf: {  	[dreg:$0x3] =	wrdreg s2  }
0xb0: {  	[dreg:$0x4] =	wrdreg $0x9  }
0xb1: {  	_ =	task.clear_ibuf [dreg:s7], $0x5FFFF;
	_ =	strace $0x90000046  }
0xb2: {  	s29 =	simm.s32 $0x9;
	_ =	strace $0x80000048  }
0xb3: {  	_ =	swait.ge [sflag:s29], $0x1  }
0xb4: {  	[sflag:s29] =	ssyncadd.s32 $0xFFFFFFFF  }
0xb5: {  	_ =	strace $0x90000048  }
0xb6: {  	_ =	sfence  }
0xb7: {  	s30 =	sld [smem:$0x0];
	_ =	sdelay $0x2  }
0xb8: {  	s31 =	sshll.u32 s1, $0xD;
	s1 =	sshrl.u32 s1, $0x2  }
0xb9: {  	s3 =	sand.u32 $0x4000, s31;
	s1 =	sadd.s32 s1, s30  }
0xba: {  	s0 =	sor.u32 s3, s0;
	s1 =	sshll.u32 s1, $0x11  }
0xbb: {  	s0 =	sor.u32 s1, s0  }
0xbc: {  	s0 =	sadd.s32 $0x8F2B, s0  }
0xbd: {  	[sflag:s0] =	ssyncadd.remote.s32 $0x1  }
0xbe: {  	_ =	sfence.sel $0xFFFF  }
0xbf: {  	[dreg:$0x0] =	wrdreg $0xFFFFFFFF;
	(pc) =	sbr.abs _section_cstart, $3  }
0xc0: {  	[dreg:$0x1] =	wrdreg $0xFFFFFFFF  }
0xc1: {  	_ =	task.clear_ibuf [dreg:s7], $0x2FFFF;
	_ =	strace $0x9FFFFFFF  }
0xc2: {  	(tm) =	ssettm $0x7FFFFFFF  }
0xc3: {  	_ =	shalt  }
tec
execute0_lowered:
.L_overlay_start_1:
0x0: {  	(tag) =	ssettag $0x1  }
0x1: {  	s0 =	rddreg [dreg:$0x0]  }
0x2: {  	s2 =	rddreg [dreg:$0x1]  }
0x3: {  	s1 =	srdreg.scid;
	s4 =	stileid.u32;
	s3 =	simm.s32 $0x0  }
0x4: {  	s13 =	simm.s32 $0x3;
	s14 =	simm.s32 $0x80;
	s23 =	simm.s32 $0x280  }
0x5: {  	s28 =	simm.s32 $0x380;
	s29 =	simm.s32 $0xE500;
	s30 =	simm.s32 $0x400  }
0x6: {  	s31 =	simm.s32 $0x10500;
	s15 =	simm.s32 $0x1;
	s16 =	simm.s32 $0x14500  }
0x7: {  	s17 =	simm.s32 $0x2;
	s18 =	simm.s32 $0x0;
	s1 =	sand.u32 $0x1, s1  }
0x8: {  	s4 =	sshll.u32 s4, $0x1;
	[smem:$0x7FF] =	sst s3;
	s5 =	sadd.s32 $0xF42A00, s0  }
0x9: {  	s6 =	sor.u32 s1, s4;
	_ =	strace $0x80000047;
	s1 =	ssub.s32 $0x2, s1  }
0xa: {  	s4 =	sadd.s32 $0x600, s0;
	s24 =	sshrl.u32 s1, $0x1;
	s25 =	sshll.u32 s6, $0xC  }
0xb: {  	s7 =	smul.u32 $0x500, s6;
	s0 =	ssub.s32 s1, s24;
	s9 =	sadd.s32 s2, s25  }
.Ltmp0:
0xc: {  	s24 =	simm.s32 $0xA500;
	s25 =	simm.s32 $0x300;
	(pc) =	sbr.rel .LBB2_1-.Ltmp0, $4  }
0xd: {  	s1 =	simm.s32 $0x12500;
	s8 =	sadd.s32 s4, s7;
	s7 =	sshll.u32 s6, $0x9  }
0xe: {  	s0 =	smax.u32 s0, $0x1;
	[dreg:$0x3] =	wrdreg s8;
	s26 =	sadd.s32 $0x50, s8  }
0xf: {  	s10 =	sor.u32 $0x40, s7;
	s11 =	sor.u32 $0x60, s7;
	[dreg:$0x5] =	wrdreg s0  }
0x10: {  	s0 =	simm.s32 $0x480;
	[dreg:$0x4] =	wrdreg s26;
	s26 =	simm.s32 $0xC500  }
.LBB2_8:
0x11: {  	s18 =	sadd.s32 $0x1, s18;
	s6 =	rddreg [dreg:$0x5]  }
0x12: {  	p0 =	sne.s32 s18, s6  }
.Ltmp1:
0x13: {  	_ = 	snop;
	(pc) =	sbr.rel @!p0 .LBB2_9-.Ltmp1, $1  }
0x14: {  	_ =	sdelay $0x3  }
.LBB2_1:
0x15: {  	s6 =	rddreg [dreg:$0x3]  }
0x16: {  	[tilespmem:s3], [sflag:$0x3] =	stream.linear.gather [hbm4b:s6+s3], $0x280, $0x38;
	[tilespmem:$0x14D00] =	vst v63  }
0x17: {  	_ =	swait.ge [sflag:s13], $0x280  }
0x18: {  	[sflag:s13] =	ssyncset.done $0x0  }
0x19: {  	s20 =	simm.s32 $0x500;
	[sflag:s13] =	ssyncadd.s32 $0xFFFFFD80  }
0x1a: {  	[tilespmem:s20], [sflag:$0x1] =	stream.indirect.gather [hbm4b:s5+s14], $0x40, s3, s14, $0xb8;
	[tilespmem:$0x14D00] =	vst v63  }
0x1b: {  	s21 =	simm.s32 $0x2500  }
0x1c: {  	[tilespmem:s21], [sflag:$0x1] =	stream.indirect.gather [hbm4b:s5+s14], $0x40, s14, s14, $0xb8;
	[tilespmem:$0x14D00] =	vst v63  }
0x1d: {  	s22 =	simm.s32 $0x100;
	s8 =	simm.s32 $0x4500  }
0x1e: {  	[tilespmem:s8], [sflag:$0x1] =	stream.indirect.gather [hbm4b:s5+s14], $0x40, s22, s14, $0xb8;
	[tilespmem:$0x14D00] =	vst v63  }
0x1f: {  	s12 =	simm.s32 $0x180;
	s19 =	simm.s32 $0x6500  }
0x20: {  	[tilespmem:s19], [sflag:$0x1] =	stream.indirect.gather [hbm4b:s5+s14], $0x40, s12, s14, $0xb8;
	[tilespmem:$0x14D00] =	vst v63  }
0x21: {  	s20 =	simm.s32 $0x200;
	s21 =	simm.s32 $0x8500  }
0x22: {  	[tilespmem:s21], [sflag:$0x1] =	stream.indirect.gather [hbm4b:s5+s14], $0x40, s20, s14, $0xb8;
	[tilespmem:$0x14D00] =	vst v63  }
0x23: {  	s22 =	rddreg [dreg:$0x4]  }
0x24: {  	[tilespmem:s23], [sflag:$0x3] =	stream.linear.gather [hbm4b:s22+s3], $0x280, $0x38;
	[tilespmem:$0x14D00] =	vst v63  }
0x25: {  	_ =	swait.ge [sflag:s13], $0x280  }
0x26: {  	[sflag:s13] =	ssyncset.done $0x0  }
0x27: {  	[sflag:s13] =	ssyncadd.s32 $0xFFFFFD80  }
0x28: {  	[tilespmem:s24], [sflag:$0x2] =	stream.indirect.gather [hbm4b:s5+s14], $0x40, s23, s14, $0xb8;
	[tilespmem:$0x14D00] =	vst v63  }
0x29: {  	_ = 	snop  }
0x2a: {  	[tilespmem:s26], [sflag:$0x2] =	stream.indirect.gather [hbm4b:s5+s14], $0x40, s25, s14, $0xb8;
	[tilespmem:$0x14D00] =	vst v63  }
0x2b: {  	_ = 	snop  }
0x2c: {  	[tilespmem:s29], [sflag:$0x2] =	stream.indirect.gather [hbm4b:s5+s14], $0x40, s28, s14, $0xb8;
	[tilespmem:$0x14D00] =	vst v63  }
0x2d: {  	_ = 	snop  }
0x2e: {  	[tilespmem:s31], [sflag:$0x2] =	stream.indirect.gather [hbm4b:s5+s14], $0x40, s30, s14, $0xb8;
	[tilespmem:$0x14D00] =	vst v63  }
0x2f: {  	s19 =	simm.s32 $0x0  }
0x30: {  	[tilespmem:s1], [sflag:$0x2] =	stream.indirect.gather [hbm4b:s5+s14], $0x40, s0, s14, $0xb8;
	[tilespmem:$0x14D00] =	vst v63  }
.LBB2_2:
0x31: {  	_ =	swait.ge [sflag:s15], $0x2000  }
0x32: {  	[sflag:s15] =	ssyncset.done $0x0  }
0x33: {  	[sflag:s15] =	ssyncadd.s32 $0xFFFFE000  }
0x34: {  	_ =	swait.ge [sflag:s15], $0x2000  }
0x35: {  	[sflag:s15] =	ssyncset.done $0x0  }
0x36: {  	[sflag:s15] =	ssyncadd.s32 $0xFFFFE000  }
0x37: {  	_ =	swait.ge [sflag:s15], $0x2000  }
0x38: {  	[sflag:s15] =	ssyncset.done $0x0  }
0x39: {  	[sflag:s15] =	ssyncadd.s32 $0xFFFFE000  }
0x3a: {  	_ =	swait.ge [sflag:s15], $0x2000  }
0x3b: {  	[sflag:s15] =	ssyncset.done $0x0  }
0x3c: {  	[sflag:s15] =	ssyncadd.s32 $0xFFFFE000  }
0x3d: {  	_ =	swait.ge [sflag:s15], $0x2000  }
0x3e: {  	[sflag:s15] =	ssyncset.done $0x0  }
0x3f: {  	s22 =	simm.s32 $0xA00;
	[sflag:s15] =	ssyncadd.s32 $0xFFFFE000  }
0x40: {  	v0 =	vld [tilespmem:s22+$0x0]  }
0x41: {  	v1 =	vld [tilespmem:s22+$0x40];
	_ =	sdelay $0x1  }
0x42: {  	v2 =	vld [tilespmem:s22+$0x80];
	_ =	sdelay $0x1  }
0x43: {  	v3 =	vld [tilespmem:s22+$0xC0]  }
0x44: {  	v0 =	vadd.f32 v1, v0  }
0x45: {  	v1 =	vld [tilespmem:s22+$0x100]  }
0x46: {  	v0 =	vadd.f32 v2, v0  }
0x47: {  	v2 =	vld [tilespmem:s22+$0x140]  }
0x48: {  	v0 =	vadd.f32 v3, v0  }
0x49: {  	v3 =	vld [tilespmem:s22+$0x180]  }
0x4a: {  	v0 =	vadd.f32 v1, v0  }
0x4b: {  	v1 =	vld [tilespmem:s22+$0x1C0]  }
0x4c: {  	v0 =	vadd.f32 v2, v0  }
0x4d: {  	v2 =	vld [tilespmem:s22+$0x200]  }
0x4e: {  	v0 =	vadd.f32 v3, v0  }
0x4f: {  	v3 =	vld [tilespmem:s22+$0x240]  }
0x50: {  	v4 =	vld [tilespmem:s22+$0xFFFFFB40];
	v0 =	vadd.f32 v1, v0  }
0x51: {  	v1 =	vld [tilespmem:s22+$0x280]  }
0x52: {  	v5 =	vld [tilespmem:s22+$0xFFFFFB00];
	v0 =	vadd.f32 v2, v0  }
0x53: {  	v2 =	vld [tilespmem:s22+$0x2C0]  }
0x54: {  	v6 =	vld [tilespmem:s22+$0xFFFFFB80];
	v0 =	vadd.f32 v3, v0  }
0x55: {  	v3 =	vld [tilespmem:s22+$0x300]  }
0x56: {  	v7 =	vld [tilespmem:s22+$0xFFFFFBC0];
	v0 =	vadd.f32 v1, v0  }
0x57: {  	s21 =	simm.s32 $0x1400;
	v1 =	vld [tilespmem:s22+$0x340]  }
0x58: {  	v43 =	vld [tilespmem:s21+$0x180];
	v0 =	vadd.f32 v2, v0  }
0x59: {  	v2 =	vld [tilespmem:s22+$0x380]  }
0x5a: {  	v4 =	vadd.f32 v4, v5;
	v5 =	vld [tilespmem:s22+$0xFFFFFC00];
	v0 =	vadd.f32 v3, v0  }
0x5b: {  	v3 =	vld [tilespmem:s22+$0x3C0]  }
0x5c: {  	v4 =	vadd.f32 v6, v4;
	v6 =	vld [tilespmem:s22+$0xFFFFFC40];
	v0 =	vadd.f32 v1, v0  }
0x5d: {  	v1 =	vld [tilespmem:s22+$0x400]  }
0x5e: {  	v4 =	vadd.f32 v7, v4;
	v7 =	vld [tilespmem:s22+$0xFFFFFC80];
	v0 =	vadd.f32 v2, v0  }
0x5f: {  	v2 =	vld [tilespmem:s22+$0x440]  }
0x60: {  	v4 =	vadd.f32 v5, v4;
	v5 =	vld [tilespmem:s22+$0xFFFFFCC0];
	v0 =	vadd.f32 v3, v0  }
0x61: {  	v3 =	vld [tilespmem:s22+$0x480]  }
0x62: {  	v4 =	vadd.f32 v6, v4;
	v6 =	vld [tilespmem:s22+$0xFFFFFD00];
	v0 =	vadd.f32 v1, v0  }
0x63: {  	v1 =	vld [tilespmem:s22+$0x4C0]  }
0x64: {  	v44 =	vld [tilespmem:s21+$0x1C0];
	v4 =	vadd.f32 v7, v4;
	v0 =	vadd.f32 v2, v0  }
0x65: {  	v2 =	vld [tilespmem:s22+$0xFFFFFD40]  }
0x66: {  	v45 =	vld [tilespmem:s21+$0x200];
	v4 =	vadd.f32 v5, v4;
	v0 =	vadd.f32 v3, v0  }
0x67: {  	v3 =	vld [tilespmem:s22+$0xFFFFFD80]  }
0x68: {  	v47 =	vld [tilespmem:s21+$0x240];
	v4 =	vadd.f32 v6, v4;
	v0 =	vadd.f32 v1, v0  }
0x69: {  	v1 =	vld [tilespmem:s22+$0xFFFFFDC0]  }
0x6a: {  	v48 =	vld [tilespmem:s21+$0x280];
	v2 =	vadd.f32 v2, v4;
	v0 =	vmul.f32 $5.000000070e-02, v0  }
0x6b: {  	s20 =	simm.s32 $0x14540;
	v4 =	vld [tilespmem:s22+$0xFFFFFE00]  }
0x6c: {  	v5 =	vld [tilespmem:s22+$0xFFFFFE40];
	v2 =	vadd.f32 v3, v2;
	[tilespmem:s20+$0x0] =	vst v0  }
0x6d: {  	v0 =	vld [tilespmem:s22+$0x10]  }
0x6e: {  	v1 =	vadd.f32 v1, v2;
	v2 =	vld [tilespmem:s22+$0x50]  }
0x6f: {  	v3 =	vld [tilespmem:s22+$0xFFFFFE80]  }
0x70: {  	v1 =	vadd.f32 v4, v1;
	v4 =	vld [tilespmem:s22+$0x90]  }
0x71: {  	v6 =	vld [tilespmem:s22+$0xFFFFFEC0]  }
0x72: {  	v1 =	vadd.f32 v5, v1;
	v5 =	vld [tilespmem:s22+$0xD0]  }
0x73: {  	v7 =	vld [tilespmem:s22+$0xFFFFFF00];
	v0 =	vadd.f32 v2, v0  }
0x74: {  	v2 =	vld [tilespmem:s22+$0x110];
	v1 =	vadd.f32 v3, v1  }
0x75: {  	v3 =	vld [tilespmem:s22+$0xFFFFFF40];
	v0 =	vadd.f32 v4, v0  }
0x76: {  	v4 =	vld [tilespmem:s22+$0x150];
	v1 =	vadd.f32 v6, v1  }
0x77: {  	v6 =	vld [tilespmem:s22+$0xFFFFFF80];
	v0 =	vadd.f32 v5, v0  }
0x78: {  	v5 =	vld [tilespmem:s22+$0x190];
	v1 =	vadd.f32 v7, v1  }
0x79: {  	v7 =	vld [tilespmem:s22+$0xFFFFFFC0];
	v0 =	vadd.f32 v2, v0  }
0x7a: {  	v2 =	vld [tilespmem:s22+$0x1D0];
	v1 =	vadd.f32 v3, v1  }
0x7b: {  	v49 =	vld [tilespmem:s21+$0xFFFFFB40];
	v0 =	vadd.f32 v4, v0  }
0x7c: {  	v3 =	vld [tilespmem:s22+$0x210];
	v1 =	vadd.f32 v6, v1  }
0x7d: {  	v50 =	vld [tilespmem:s21+$0x2C0];
	v0 =	vadd.f32 v5, v0  }
0x7e: {  	v4 =	vld [tilespmem:s22+$0x250];
	v1 =	vadd.f32 v7, v1  }
0x7f: {  	v51 =	vld [tilespmem:s21+$0xFFFFFB00];
	v0 =	vadd.f32 v2, v0  }
0x80: {  	v2 =	vld [tilespmem:s22+$0x290];
	v1 =	vmul.f32 $5.000000070e-02, v1  }
0x81: {  	v52 =	vld [tilespmem:s21+$0x300];
	v0 =	vadd.f32 v3, v0  }
0x82: {  	[tilespmem:s20+$0xFFFFFFC0] =	vst v1;
	v1 =	vld [tilespmem:s22+$0x2D0]  }
0x83: {  	v3 =	vld [tilespmem:s22+$0xFFFFFB10];
	v0 =	vadd.f32 v4, v0  }
0x84: {  	v4 =	vld [tilespmem:s22+$0x310]  }
0x85: {  	v5 =	vld [tilespmem:s22+$0xFFFFFB50];
	v0 =	vadd.f32 v2, v0  }
0x86: {  	v2 =	vld [tilespmem:s22+$0x350]  }
0x87: {  	v6 =	vld [tilespmem:s22+$0xFFFFFB90];
	v0 =	vadd.f32 v1, v0  }
0x88: {  	v1 =	vld [tilespmem:s22+$0x390]  }
0x89: {  	v7 =	vld [tilespmem:s22+$0xFFFFFBD0];
	v0 =	vadd.f32 v4, v0  }
0x8a: {  	v4 =	vld [tilespmem:s22+$0x3D0]  }
0x8b: {  	v3 =	vadd.f32 v5, v3;
	v5 =	vld [tilespmem:s22+$0xFFFFFC10];
	v0 =	vadd.f32 v2, v0  }
0x8c: {  	v2 =	vld [tilespmem:s22+$0x410]  }
0x8d: {  	v3 =	vadd.f32 v6, v3;
	v6 =	vld [tilespmem:s22+$0xFFFFFC50];
	v0 =	vadd.f32 v1, v0  }
0x8e: {  	v1 =	vld [tilespmem:s22+$0x450]  }
0x8f: {  	v3 =	vadd.f32 v7, v3;
	v7 =	vld [tilespmem:s22+$0xFFFFFC90];
	v0 =	vadd.f32 v4, v0  }
0x90: {  	v4 =	vld [tilespmem:s22+$0x490]  }
0x91: {  	v3 =	vadd.f32 v5, v3;
	v5 =	vld [tilespmem:s22+$0xFFFFFCD0];
	v0 =	vadd.f32 v2, v0  }
0x92: {  	v2 =	vld [tilespmem:s22+$0x4D0]  }
0x93: {  	v53 =	vld [tilespmem:s21+$0xFFFFFB80];
	v3 =	vadd.f32 v6, v3;
	v0 =	vadd.f32 v1, v0  }
0x94: {  	v1 =	vld [tilespmem:s22+$0xFFFFFD10]  }
0x95: {  	v54 =	vld [tilespmem:s21+$0x340];
	v3 =	vadd.f32 v7, v3;
	v0 =	vadd.f32 v4, v0  }
0x96: {  	v4 =	vld [tilespmem:s22+$0xFFFFFD50]  }
0x97: {  	v55 =	vld [tilespmem:s21+$0xFFFFFBC0];
	v3 =	vadd.f32 v5, v3;
	v0 =	vadd.f32 v2, v0  }
0x98: {  	v2 =	vld [tilespmem:s22+$0xFFFFFD90]  }
0x99: {  	v56 =	vld [tilespmem:s21+$0x380];
	v1 =	vadd.f32 v1, v3;
	v0 =	vmul.f32 $5.000000070e-02, v0  }
0x9a: {  	v3 =	vld [tilespmem:s22+$0xFFFFFDD0]  }
0x9b: {  	v5 =	vld [tilespmem:s22+$0xFFFFFE10];
	v1 =	vadd.f32 v4, v1;
	[tilespmem:s20+$0x10] =	vst v0  }
0x9c: {  	v0 =	vld [tilespmem:s22+$0x20]  }
0x9d: {  	v1 =	vadd.f32 v2, v1;
	v2 =	vld [tilespmem:s22+$0x60]  }
0x9e: {  	v4 =	vld [tilespmem:s22+$0xFFFFFE50]  }
0x9f: {  	v1 =	vadd.f32 v3, v1;
	v3 =	vld [tilespmem:s22+$0xA0]  }
0xa0: {  	v6 =	vld [tilespmem:s22+$0xFFFFFE90]  }
0xa1: {  	v1 =	vadd.f32 v5, v1;
	v5 =	vld [tilespmem:s22+$0xE0]  }
0xa2: {  	v7 =	vld [tilespmem:s22+$0xFFFFFED0];
	v0 =	vadd.f32 v2, v0  }
0xa3: {  	v2 =	vld [tilespmem:s22+$0x120];
	v1 =	vadd.f32 v4, v1  }
0xa4: {  	v4 =	vld [tilespmem:s22+$0xFFFFFF10];
	v0 =	vadd.f32 v3, v0  }
0xa5: {  	v3 =	vld [tilespmem:s22+$0x160];
	v1 =	vadd.f32 v6, v1  }
0xa6: {  	v6 =	vld [tilespmem:s22+$0xFFFFFF50];
	v0 =	vadd.f32 v5, v0  }
0xa7: {  	v5 =	vld [tilespmem:s22+$0x1A0];
	v1 =	vadd.f32 v7, v1  }
0xa8: {  	v7 =	vld [tilespmem:s22+$0xFFFFFF90];
	v0 =	vadd.f32 v2, v0  }
0xa9: {  	v2 =	vld [tilespmem:s22+$0x1E0];
	v1 =	vadd.f32 v4, v1  }
0xaa: {  	v4 =	vld [tilespmem:s22+$0xFFFFFFD0];
	v0 =	vadd.f32 v3, v0  }
0xab: {  	v3 =	vld [tilespmem:s22+$0x220];
	v1 =	vadd.f32 v6, v1  }
0xac: {  	v57 =	vld [tilespmem:s21+$0xFFFFFC00];
	v0 =	vadd.f32 v5, v0  }
0xad: {  	v5 =	vld [tilespmem:s22+$0x260];
	v1 =	vadd.f32 v7, v1  }
0xae: {  	v58 =	vld [tilespmem:s21+$0x3C0];
	v0 =	vadd.f32 v2, v0  }
0xaf: {  	v2 =	vld [tilespmem:s22+$0x2A0];
	v1 =	vadd.f32 v4, v1  }
0xb0: {  	v59 =	vld [tilespmem:s21+$0xFFFFFC40];
	v0 =	vadd.f32 v3, v0  }
0xb1: {  	v3 =	vld [tilespmem:s22+$0x2E0];
	v1 =	vmul.f32 $5.000000070e-02, v1  }
0xb2: {  	v60 =	vld [tilespmem:s21+$0x400];
	v0 =	vadd.f32 v5, v0  }
0xb3: {  	[tilespmem:s20+$0xFFFFFFD0] =	vst v1;
	v1 =	vld [tilespmem:s22+$0x320]  }
0xb4: {  	v61 =	vld [tilespmem:s21+$0xFFFFFC80];
	v0 =	vadd.f32 v2, v0  }
0xb5: {  	v2 =	vld [tilespmem:s22+$0x360]  }
0xb6: {  	v62 =	vld [tilespmem:s21+$0x440];
	v0 =	vadd.f32 v3, v0  }
0xb7: {  	v3 =	vld [tilespmem:s22+$0x3A0]  }
0xb8: {  	v63 =	vld [tilespmem:s21+$0xFFFFFCC0];
	v0 =	vadd.f32 v1, v0  }
0xb9: {  	v1 =	vld [tilespmem:s22+$0x3E0]  }
0xba: {  	v40 =	vld [tilespmem:s21+$0x4C0];
	v0 =	vadd.f32 v2, v0  }
0xbb: {  	v2 =	vld [tilespmem:s22+$0x420]  }
0xbc: {  	v41 =	vld [tilespmem:s21+$0xFFFFFD40];
	v0 =	vadd.f32 v3, v0  }
0xbd: {  	v3 =	vld [tilespmem:s22+$0x460]  }
0xbe: {  	v42 =	vld [tilespmem:s21+$0xFFFFFD80];
	v0 =	vadd.f32 v1, v0  }
0xbf: {  	v1 =	vld [tilespmem:s22+$0x4A0]  }
0xc0: {  	v20 =	vld [tilespmem:s22+$0xFFFFFB20];
	v0 =	vadd.f32 v2, v0  }
0xc1: {  	v2 =	vld [tilespmem:s22+$0x4E0]  }
0xc2: {  	v21 =	vld [tilespmem:s22+$0xFFFFFB60];
	v0 =	vadd.f32 v3, v0  }
0xc3: {  	v22 =	vld [tilespmem:s22+$0xFFFFFBA0]  }
0xc4: {  	v23 =	vld [tilespmem:s22+$0xFFFFFBE0];
	v0 =	vadd.f32 v1, v0  }
0xc5: {  	v24 =	vld [tilespmem:s22+$0xFFFFFC20]  }
0xc6: {  	v25 =	vld [tilespmem:s22+$0xFFFFFC60];
	v0 =	vadd.f32 v2, v0  }
0xc7: {  	v26 =	vld [tilespmem:s22+$0xFFFFFCA0]  }
0xc8: {  	v27 =	vld [tilespmem:s22+$0xFFFFFCE0];
	v0 =	vmul.f32 $5.000000070e-02, v0  }
0xc9: {  	v1 =	vld [tilespmem:s21+$0x40]  }
0xca: {  	[tilespmem:s20+$0x20] =	vst v0;
	v0 =	vld [tilespmem:s21+$0x0]  }
0xcb: {  	v28 =	vld [tilespmem:s22+$0xFFFFFD20]  }
0xcc: {  	v2 =	vld [tilespmem:s21+$0x80]  }
0xcd: {  	v29 =	vld [tilespmem:s22+$0xFFFFFD60]  }
0xce: {  	v3 =	vld [tilespmem:s21+$0xC0]  }
0xcf: {  	v30 =	vld [tilespmem:s22+$0xFFFFFDA0];
	v0 =	vadd.f32 v1, v0  }
0xd0: {  	v1 =	vld [tilespmem:s21+$0x100]  }
0xd1: {  	v31 =	vld [tilespmem:s22+$0xFFFFFDE0];
	v0 =	vadd.f32 v2, v0  }
0xd2: {  	v2 =	vld [tilespmem:s21+$0x140]  }
0xd3: {  	v32 =	vld [tilespmem:s22+$0xFFFFFE20];
	v0 =	vadd.f32 v3, v0  }
0xd4: {  	v33 =	vld [tilespmem:s22+$0xFFFFFE60]  }
0xd5: {  	v34 =	vld [tilespmem:s22+$0xFFFFFEA0];
	v0 =	vadd.f32 v1, v0  }
0xd6: {  	v35 =	vld [tilespmem:s22+$0xFFFFFEE0];
	v20 =	vadd.f32 v21, v20  }
0xd7: {  	v36 =	vld [tilespmem:s22+$0xFFFFFF20];
	v0 =	vadd.f32 v2, v0  }
0xd8: {  	v37 =	vld [tilespmem:s22+$0xFFFFFF60];
	v1 =	vadd.f32 v22, v20  }
0xd9: {  	v38 =	vld [tilespmem:s22+$0xFFFFFFA0];
	v0 =	vadd.f32 v43, v0  }
0xda: {  	v39 =	vld [tilespmem:s22+$0xFFFFFFE0];
	v22 =	vadd.f32 v23, v1  }
0xdb: {  	v18 =	vld [tilespmem:s22+$0x30];
	v20 =	vadd.f32 v44, v0  }
0xdc: {  	v19 =	vld [tilespmem:s22+$0x70];
	v46 =	vadd.f32 v24, v22  }
0xdd: {  	v17 =	vld [tilespmem:s22+$0xB0];
	v20 =	vadd.f32 v45, v20  }
0xde: {  	v16 =	vld [tilespmem:s22+$0xF0];
	v21 =	vadd.f32 v25, v46  }
0xdf: {  	v15 =	vld [tilespmem:s22+$0x130];
	v20 =	vadd.f32 v47, v20  }
0xe0: {  	v14 =	vld [tilespmem:s22+$0x170];
	v21 =	vadd.f32 v26, v21  }
0xe1: {  	v13 =	vld [tilespmem:s22+$0x1B0];
	v20 =	vadd.f32 v48, v20  }
0xe2: {  	v12 =	vld [tilespmem:s22+$0x1F0];
	v21 =	vadd.f32 v27, v21  }
0xe3: {  	v11 =	vld [tilespmem:s22+$0x230];
	v20 =	vadd.f32 v50, v20  }
0xe4: {  	v10 =	vld [tilespmem:s22+$0x270];
	v21 =	vadd.f32 v28, v21  }
0xe5: {  	v9 =	vld [tilespmem:s22+$0x2B0];
	v20 =	vadd.f32 v52, v20  }
0xe6: {  	v8 =	vld [tilespmem:s22+$0x2F0];
	v25 =	vadd.f32 v49, v51;
	v21 =	vadd.f32 v29, v21  }
0xe7: {  	v7 =	vld [tilespmem:s22+$0x330];
	v20 =	vadd.f32 v54, v20  }
0xe8: {  	v6 =	vld [tilespmem:s22+$0x370];
	v25 =	vadd.f32 v53, v25;
	v21 =	vadd.f32 v30, v21  }
0xe9: {  	v5 =	vld [tilespmem:s22+$0x3B0];
	v20 =	vadd.f32 v56, v20  }
0xea: {  	v4 =	vld [tilespmem:s22+$0x3F0];
	v25 =	vadd.f32 v55, v25;
	v21 =	vadd.f32 v31, v21  }
0xeb: {  	v3 =	vld [tilespmem:s22+$0x430];
	v20 =	vadd.f32 v58, v20  }
0xec: {  	v25 =	vadd.f32 v57, v25;
	v21 =	vadd.f32 v32, v21;
	v32 =	vld [tilespmem:s21+$0x480]  }
0xed: {  	v2 =	vld [tilespmem:s22+$0x470];
	v20 =	vadd.f32 v60, v20  }
0xee: {  	v1 =	vld [tilespmem:s22+$0x4B0];
	v25 =	vadd.f32 v59, v25  }
0xef: {  	v43 =	vld [tilespmem:s21+$0xFFFFFDC0];
	v20 =	vadd.f32 v62, v20  }
0xf0: {  	v25 =	vadd.f32 v61, v25;
	v21 =	vadd.f32 v33, v21;
	v33 =	vld [tilespmem:s21+$0xFFFFFD00]  }
0xf1: {  	v0 =	vld [tilespmem:s22+$0x4F0];
	v20 =	vadd.f32 v32, v20  }
0xf2: {  	v44 =	vld [tilespmem:s21+$0xFFFFFE00];
	v25 =	vadd.f32 v63, v25  }
0xf3: {  	v46 =	vld [tilespmem:s21+$0xFFFFFE80];
	v21 =	vadd.f32 v34, v21;
	v20 =	vadd.f32 v40, v20  }
0xf4: {  	v49 =	vld [tilespmem:s21+$0xFFFFFF00]  }
0xf5: {  	v45 =	vld [tilespmem:s21+$0xFFFFFE40];
	v21 =	vadd.f32 v35, v21;
	v25 =	vadd.f32 v33, v25;
	v20 =	vmul.f32 $5.000000070e-02, v20  }
0xf6: {  	s8 =	simm.s32 $0x145C0;
	v48 =	vld [tilespmem:s21+$0xFFFFFEC0]  }
0xf7: {  	v50 =	vld [tilespmem:s21+$0xFFFFFF40];
	v21 =	vadd.f32 v36, v21;
	v47 =	vadd.f32 v41, v25;
	[tilespmem:s8+$0x0] =	vst v20  }
0xf8: {  	v20 =	vld [tilespmem:s21+$0x10]  }
0xf9: {  	v21 =	vadd.f32 v37, v21;
	v23 =	vadd.f32 v42, v47;
	v51 =	vld [tilespmem:s21+$0x50]  }
0xfa: {  	v52 =	vld [tilespmem:s21+$0xFFFFFF80]  }
0xfb: {  	v21 =	vadd.f32 v38, v21;
	v23 =	vadd.f32 v43, v23;
	v53 =	vld [tilespmem:s21+$0x90]  }
0xfc: {  	v54 =	vld [tilespmem:s21+$0xFFFFFFC0]  }
0xfd: {  	v21 =	vadd.f32 v39, v21;
	v22 =	vadd.f32 v44, v23;
	v56 =	vld [tilespmem:s21+$0xD0]  }
0xfe: {  	v57 =	vld [tilespmem:s21+$0x110];
	v20 =	vadd.f32 v51, v20  }
0xff: {  	v58 =	vld [tilespmem:s21+$0x150];
	v21 =	vmul.f32 $5.000000070e-02, v21;
	v55 =	vadd.f32 v45, v22  }
0x100: {  	v59 =	vld [tilespmem:s21+$0x190];
	v20 =	vadd.f32 v53, v20  }
0x101: {  	v60 =	vld [tilespmem:s21+$0x1D0];
	[tilespmem:s20+$0xFFFFFFE0] =	vst v21;
	v21 =	vadd.f32 v46, v55  }
0x102: {  	v61 =	vld [tilespmem:s21+$0x210];
	v20 =	vadd.f32 v56, v20  }
0x103: {  	v63 =	vld [tilespmem:s21+$0x250];
	v21 =	vadd.f32 v48, v21  }
0x104: {  	v37 =	vld [tilespmem:s21+$0x290];
	v20 =	vadd.f32 v57, v20  }
0x105: {  	v38 =	vld [tilespmem:s21+$0x2D0];
	v21 =	vadd.f32 v49, v21  }
0x106: {  	v40 =	vld [tilespmem:s21+$0x310];
	v20 =	vadd.f32 v58, v20  }
0x107: {  	v42 =	vld [tilespmem:s21+$0x350];
	v21 =	vadd.f32 v50, v21  }
0x108: {  	v44 =	vld [tilespmem:s21+$0x390];
	v20 =	vadd.f32 v59, v20  }
0x109: {  	v24 =	vld [tilespmem:s22+$0xFFFFFB30];
	v21 =	vadd.f32 v52, v21  }
0x10a: {  	v27 =	vld [tilespmem:s22+$0xFFFFFB70];
	v20 =	vadd.f32 v60, v20  }
0x10b: {  	v26 =	vld [tilespmem:s22+$0xFFFFFBB0];
	v62 =	vadd.f32 v54, v21  }
0x10c: {  	v25 =	vld [tilespmem:s22+$0xFFFFFBF0];
	v29 =	vadd.f32 v61, v20  }
0x10d: {  	v23 =	vld [tilespmem:s22+$0xFFFFFC30];
	v36 =	vmul.f32 $5.000000070e-02, v62  }
0x10e: {  	v22 =	vld [tilespmem:s22+$0xFFFFFC70];
	v29 =	vadd.f32 v63, v29  }
0x10f: {  	v46 =	vld [tilespmem:s21+$0x3D0];
	[tilespmem:s8+$0xFFFFFFC0] =	vst v36  }
0x110: {  	v39 =	vld [tilespmem:s21+$0xFFFFFB10];
	v29 =	vadd.f32 v37, v29  }
0x111: {  	v41 =	vld [tilespmem:s21+$0xFFFFFB50]  }
0x112: {  	v31 =	vld [tilespmem:s22+$0xFFFFFD30];
	v28 =	vadd.f32 v38, v29  }
0x113: {  	v43 =	vld [tilespmem:s21+$0xFFFFFB90]  }
0x114: {  	v33 =	vld [tilespmem:s22+$0xFFFFFD70];
	v28 =	vadd.f32 v40, v28  }
0x115: {  	v45 =	vld [tilespmem:s21+$0xFFFFFBD0]  }
0x116: {  	v48 =	vld [tilespmem:s21+$0x410];
	v32 =	vadd.f32 v41, v39;
	v28 =	vadd.f32 v42, v28  }
0x117: {  	v47 =	vld [tilespmem:s21+$0xFFFFFC10]  }
0x118: {  	v50 =	vld [tilespmem:s21+$0x450];
	v32 =	vadd.f32 v43, v32;
	v28 =	vadd.f32 v44, v28  }
0x119: {  	v49 =	vld [tilespmem:s21+$0xFFFFFC50]  }
0x11a: {  	v52 =	vld [tilespmem:s21+$0x490];
	v32 =	vadd.f32 v45, v32;
	v28 =	vadd.f32 v46, v28  }
0x11b: {  	v51 =	vld [tilespmem:s21+$0xFFFFFC90]  }
0x11c: {  	v54 =	vld [tilespmem:s21+$0x4D0];
	v32 =	vadd.f32 v47, v32;
	v28 =	vadd.f32 v48, v28  }
0x11d: {  	v53 =	vld [tilespmem:s21+$0xFFFFFCD0]  }
0x11e: {  	v30 =	vld [tilespmem:s22+$0xFFFFFDB0];
	v32 =	vadd.f32 v49, v32;
	v28 =	vadd.f32 v50, v28  }
0x11f: {  	v55 =	vld [tilespmem:s21+$0xFFFFFD10]  }
0x120: {  	v34 =	vld [tilespmem:s22+$0xFFFFFDF0];
	v32 =	vadd.f32 v51, v32;
	v28 =	vadd.f32 v52, v28  }
0x121: {  	v56 =	vld [tilespmem:s21+$0xFFFFFD50]  }
0x122: {  	v35 =	vld [tilespmem:s22+$0xFFFFFE30];
	v32 =	vadd.f32 v53, v32;
	v28 =	vadd.f32 v54, v28  }
0x123: {  	v57 =	vld [tilespmem:s21+$0xFFFFFD90]  }
0x124: {  	v21 =	vld [tilespmem:s22+$0xFFFFFCB0];
	v32 =	vadd.f32 v55, v32;
	v28 =	vmul.f32 $5.000000070e-02, v28  }
0x125: {  	v58 =	vld [tilespmem:s21+$0xFFFFFDD0]  }
0x126: {  	v59 =	vld [tilespmem:s21+$0xFFFFFE10];
	v29 =	vadd.f32 v56, v32;
	[tilespmem:s8+$0x10] =	vst v28  }
0x127: {  	v28 =	vld [tilespmem:s21+$0x20]  }
0x128: {  	v29 =	vadd.f32 v57, v29;
	v42 =	vld [tilespmem:s21+$0x60]  }
0x129: {  	v60 =	vld [tilespmem:s21+$0xFFFFFE50]  }
0x12a: {  	v29 =	vadd.f32 v58, v29;
	v44 =	vld [tilespmem:s21+$0xA0]  }
0x12b: {  	v61 =	vld [tilespmem:s21+$0xFFFFFE90]  }
0x12c: {  	v29 =	vadd.f32 v59, v29;
	v46 =	vld [tilespmem:s21+$0xE0]  }
0x12d: {  	v62 =	vld [tilespmem:s21+$0xFFFFFED0];
	v28 =	vadd.f32 v42, v28  }
0x12e: {  	v48 =	vld [tilespmem:s21+$0x120];
	v29 =	vadd.f32 v60, v29  }
0x12f: {  	v63 =	vld [tilespmem:s21+$0xFFFFFF10];
	v28 =	vadd.f32 v44, v28  }
0x130: {  	v18 =	vadd.f32 v19, v18;
	v49 =	vld [tilespmem:s21+$0x160];
	v29 =	vadd.f32 v61, v29  }
0x131: {  	v43 =	vld [tilespmem:s21+$0xFFFFFF50];
	v28 =	vadd.f32 v46, v28  }
0x132: {  	v17 =	vadd.f32 v17, v18;
	v50 =	vld [tilespmem:s21+$0x1A0];
	v29 =	vadd.f32 v62, v29  }
0x133: {  	v45 =	vld [tilespmem:s21+$0xFFFFFF90];
	v28 =	vadd.f32 v48, v28  }
0x134: {  	v16 =	vadd.f32 v16, v17;
	v51 =	vld [tilespmem:s21+$0x1E0];
	v29 =	vadd.f32 v63, v29  }
0x135: {  	v47 =	vld [tilespmem:s21+$0xFFFFFFD0];
	v28 =	vadd.f32 v49, v28  }
0x136: {  	v15 =	vadd.f32 v15, v16;
	v52 =	vld [tilespmem:s21+$0x220];
	v29 =	vadd.f32 v43, v29  }
0x137: {  	v36 =	vld [tilespmem:s22+$0xFFFFFEB0];
	v28 =	vadd.f32 v50, v28  }
0x138: {  	v14 =	vadd.f32 v14, v15;
	v53 =	vld [tilespmem:s21+$0x260];
	v29 =	vadd.f32 v45, v29  }
0x139: {  	v20 =	vld [tilespmem:s22+$0xFFFFFCF0];
	v28 =	vadd.f32 v51, v28  }
0x13a: {  	v13 =	vadd.f32 v13, v14;
	v54 =	vld [tilespmem:s21+$0x2A0];
	v29 =	vadd.f32 v47, v29  }
0x13b: {  	v37 =	vld [tilespmem:s22+$0xFFFFFEF0];
	v28 =	vadd.f32 v52, v28  }
0x13c: {  	v12 =	vadd.f32 v12, v13;
	v55 =	vld [tilespmem:s21+$0x2E0];
	v29 =	vmul.f32 $5.000000070e-02, v29  }
0x13d: {  	v56 =	vld [tilespmem:s21+$0x320];
	v28 =	vadd.f32 v53, v28  }
0x13e: {  	v11 =	vadd.f32 v11, v12;
	v57 =	vld [tilespmem:s21+$0x360];
	[tilespmem:s8+$0xFFFFFFD0] =	vst v29  }
0x13f: {  	v29 =	vld [tilespmem:s21+$0xFFFFFB20];
	v28 =	vadd.f32 v54, v28  }
0x140: {  	v10 =	vadd.f32 v10, v11;
	v58 =	vld [tilespmem:s21+$0xFFFFFB60]  }
0x141: {  	v59 =	vld [tilespmem:s21+$0x3A0];
	v28 =	vadd.f32 v55, v28  }
0x142: {  	v9 =	vadd.f32 v9, v10;
	v60 =	vld [tilespmem:s21+$0xFFFFFBA0]  }
0x143: {  	v61 =	vld [tilespmem:s21+$0x3E0];
	v19 =	vadd.f32 v56, v28  }
0x144: {  	v8 =	vadd.f32 v8, v9;
	v62 =	vld [tilespmem:s21+$0xFFFFFBE0]  }
0x145: {  	v38 =	vld [tilespmem:s21+$0x420];
	v63 =	vadd.f32 v58, v29;
	v18 =	vadd.f32 v57, v19  }
0x146: {  	v7 =	vadd.f32 v7, v8;
	v24 =	vadd.f32 v27, v24;
	v39 =	vld [tilespmem:s21+$0xFFFFFC20]  }
0x147: {  	v41 =	vld [tilespmem:s21+$0x460];
	v40 =	vadd.f32 v60, v63;
	v17 =	vadd.f32 v59, v18  }
0x148: {  	v6 =	vadd.f32 v6, v7;
	v24 =	vadd.f32 v26, v24;
	v42 =	vld [tilespmem:s21+$0xFFFFFC60]  }
0x149: {  	v44 =	vld [tilespmem:s21+$0x4A0];
	v43 =	vadd.f32 v62, v40;
	v16 =	vadd.f32 v61, v17  }
0x14a: {  	v5 =	vadd.f32 v5, v6;
	v45 =	vadd.f32 v25, v24;
	v46 =	vld [tilespmem:s21+$0xFFFFFCA0]  }
0x14b: {  	v48 =	vld [tilespmem:s21+$0x4E0];
	v47 =	vadd.f32 v39, v43;
	v16 =	vadd.f32 v38, v16  }
0x14c: {  	v4 =	vadd.f32 v4, v5;
	v49 =	vadd.f32 v23, v45;
	v50 =	vld [tilespmem:s21+$0xFFFFFCE0]  }
0x14d: {  	v32 =	vld [tilespmem:s22+$0xFFFFFE70];
	v11 =	vadd.f32 v42, v47;
	v15 =	vadd.f32 v41, v16  }
0x14e: {  	v4 =	vadd.f32 v3, v4;
	v51 =	vld [tilespmem:s21+$0xFFFFFD20];
	v52 =	vadd.f32 v22, v49  }
0x14f: {  	v3 =	vld [tilespmem:s21+$0xFFFFFFA0];
	v10 =	vadd.f32 v46, v11;
	v14 =	vadd.f32 v44, v15  }
0x150: {  	v4 =	vadd.f32 v2, v4;
	v53 =	vld [tilespmem:s21+$0xFFFFFD60];
	v17 =	vadd.f32 v21, v52  }
0x151: {  	v2 =	vld [tilespmem:s21+$0xFFFFFFE0];
	v9 =	vadd.f32 v50, v10;
	v13 =	vadd.f32 v48, v14  }
0x152: {  	v11 =	vld [tilespmem:s21+$0xFFFFFDA0];
	v55 =	vadd.f32 v20, v17  }
0x153: {  	v54 =	vld [tilespmem:s21+$0xFFFFFDE0];
	v8 =	vadd.f32 v51, v9;
	v13 =	vmul.f32 $5.000000070e-02, v13  }
0x154: {  	v58 =	vld [tilespmem:s21+$0xFFFFFEE0];
	v57 =	vadd.f32 v31, v55  }
0x155: {  	v10 =	vld [tilespmem:s21+$0xFFFFFE20];
	v7 =	vadd.f32 v53, v8;
	[tilespmem:s8+$0x20] =	vst v13  }
0x156: {  	v12 =	vadd.f32 v33, v57;
	v8 =	vld [tilespmem:s21+$0x30]  }
0x157: {  	v6 =	vadd.f32 v11, v7;
	v59 =	vld [tilespmem:s21+$0x70]  }
0x158: {  	v56 =	vld [tilespmem:s21+$0xFFFFFE60];
	v11 =	vadd.f32 v30, v12  }
0x159: {  	v5 =	vadd.f32 v54, v6;
	v60 =	vld [tilespmem:s21+$0xB0]  }
0x15a: {  	v9 =	vld [tilespmem:s21+$0xFFFFFEA0];
	v6 =	vadd.f32 v34, v11  }
0x15b: {  	v11 =	vld [tilespmem:s21+$0xF0];
	v5 =	vadd.f32 v10, v5  }
0x15c: {  	v61 =	vld [tilespmem:s21+$0xFFFFFF60];
	v6 =	vadd.f32 v35, v6;
	v8 =	vadd.f32 v59, v8  }
0x15d: {  	v10 =	vld [tilespmem:s21+$0x130];
	v5 =	vadd.f32 v56, v5  }
0x15e: {  	v7 =	vld [tilespmem:s21+$0xFFFFFF20];
	v6 =	vadd.f32 v32, v6;
	v8 =	vadd.f32 v60, v8  }
0x15f: {  	v1 =	vadd.f32 v1, v4;
	v62 =	vld [tilespmem:s21+$0x170];
	v4 =	vadd.f32 v9, v5  }
0x160: {  	v9 =	vld [tilespmem:s22+$0xFFFFFF30];
	v5 =	vadd.f32 v36, v6;
	v6 =	vadd.f32 v11, v8  }
0x161: {  	v1 =	vadd.f32 v0, v1;
	v8 =	vld [tilespmem:s21+$0x1B0]  }
0x162: {  	v0 =	vadd.f32 v58, v4;
	v4 =	vld [tilespmem:s22+$0xFFFFFF70];
	v6 =	vadd.f32 v10, v6  }
0x163: {  	v11 =	vadd.f32 v37, v5;
	v5 =	vld [tilespmem:s21+$0x1F0]  }
0x164: {  	v7 =	vadd.f32 v7, v0;
	v0 =	vld [tilespmem:s22+$0xFFFFFFB0];
	v10 =	vadd.f32 v62, v6  }
0x165: {  	v63 =	vmul.f32 $5.000000070e-02, v1;
	v11 =	vadd.f32 v9, v11;
	v6 =	vld [tilespmem:s21+$0x230]  }
0x166: {  	v1 =	vld [tilespmem:s22+$0xFFFFFFF0];
	v9 =	vadd.f32 v61, v7;
	v8 =	vadd.f32 v8, v10  }
0x167: {  	s12 =	simm.s32 $0x2;
	[tilespmem:s20+$0x30] =	vst v63;
	s22 =	simm.s32 $0x1E00;
	v7 =	vld [tilespmem:s21+$0x270];
	v4 =	vadd.f32 v4, v11  }
.LBB2_3:
0x168: {  	v10 =	vld [tilespmem:s22+$0x0];
	v3 =	vadd.f32 v3, v9;
	v5 =	vadd.f32 v5, v8  }
0x169: {  	v8 =	vld [tilespmem:s21+$0x2B0];
	v0 =	vadd.f32 v0, v4  }
0x16a: {  	v4 =	vld [tilespmem:s22+$0x40];
	v2 =	vadd.f32 v2, v3;
	v3 =	vadd.f32 v6, v5  }
0x16b: {  	v5 =	vld [tilespmem:s21+$0x2F0];
	v0 =	vadd.f32 v1, v0  }
0x16c: {  	v1 =	vld [tilespmem:s22+$0x80];
	v2 =	vmul.f32 $5.000000070e-02, v2;
	v3 =	vadd.f32 v7, v3  }
0x16d: {  	s12 =	sadd.s32 $0x2, s12;
	v6 =	vld [tilespmem:s21+$0x330];
	v0 =	vmul.f32 $5.000000070e-02, v0  }
0x16e: {  	p0 =	slt.u32 s12, $0x1E;
	v7 =	vld [tilespmem:s22+$0xC0];
	[tilespmem:s8+$0xFFFFFFE0] =	vst v2;
	v2 =	vadd.f32 v8, v3  }
0x16f: {  	v3 =	vadd.f32 v4, v10;
	v4 =	vld [tilespmem:s21+$0x370];
	[tilespmem:s20+$0xFFFFFFF0] =	vst v0;
	s20 =	smov.u32 s8  }
0x170: {  	v0 =	vld [tilespmem:s22+$0x100];
	v2 =	vadd.f32 v5, v2  }
0x171: {  	v1 =	vadd.f32 v1, v3;
	v3 =	vld [tilespmem:s21+$0x3B0]  }
0x172: {  	v5 =	vld [tilespmem:s22+$0x140];
	v2 =	vadd.f32 v6, v2  }
0x173: {  	v1 =	vadd.f32 v7, v1;
	v6 =	vld [tilespmem:s21+$0x3F0]  }
0x174: {  	v7 =	vld [tilespmem:s22+$0x180];
	v2 =	vadd.f32 v4, v2  }
0x175: {  	v0 =	vadd.f32 v0, v1;
	v1 =	vld [tilespmem:s21+$0x430]  }
0x176: {  	v4 =	vld [tilespmem:s22+$0x1C0];
	v2 =	vadd.f32 v3, v2  }
0x177: {  	v0 =	vadd.f32 v5, v0;
	v3 =	vld [tilespmem:s21+$0x470]  }
0x178: {  	v5 =	vld [tilespmem:s22+$0x200];
	v2 =	vadd.f32 v6, v2  }
0x179: {  	v0 =	vadd.f32 v7, v0;
	v6 =	vld [tilespmem:s21+$0x4B0]  }
0x17a: {  	v7 =	vld [tilespmem:s22+$0x240];
	v1 =	vadd.f32 v1, v2  }
0x17b: {  	v0 =	vadd.f32 v4, v0;
	v2 =	vld [tilespmem:s21+$0x4F0]  }
0x17c: {  	v4 =	vld [tilespmem:s22+$0x280];
	v1 =	vadd.f32 v3, v1  }
0x17d: {  	v3 =	vld [tilespmem:s22+$0xFFFFFB40];
	v0 =	vadd.f32 v5, v0  }
0x17e: {  	v5 =	vld [tilespmem:s22+$0x2C0];
	v1 =	vadd.f32 v6, v1  }
0x17f: {  	v6 =	vld [tilespmem:s22+$0xFFFFFB00];
	v0 =	vadd.f32 v7, v0  }
0x180: {  	v7 =	vld [tilespmem:s22+$0x300];
	v1 =	vadd.f32 v2, v1  }
0x181: {  	v2 =	vld [tilespmem:s22+$0xFFFFFB80];
	v0 =	vadd.f32 v4, v0  }
0x182: {  	v4 =	vld [tilespmem:s22+$0x340];
	v1 =	vmul.f32 $5.000000070e-02, v1  }
0x183: {  	v8 =	vld [tilespmem:s22+$0xFFFFFBC0];
	v0 =	vadd.f32 v5, v0  }
0x184: {  	v3 =	vadd.f32 v3, v6;
	v5 =	vld [tilespmem:s22+$0x380];
	[tilespmem:s8+$0x30] =	vst v1  }
0x185: {  	v1 =	vld [tilespmem:s22+$0xFFFFFC00];
	v0 =	vadd.f32 v7, v0  }
0x186: {  	v2 =	vadd.f32 v2, v3;
	v3 =	vld [tilespmem:s22+$0x3C0]  }
0x187: {  	v6 =	vld [tilespmem:s22+$0xFFFFFC40];
	v0 =	vadd.f32 v4, v0  }
0x188: {  	v2 =	vadd.f32 v8, v2;
	v4 =	vld [tilespmem:s22+$0x400]  }
0x189: {  	v7 =	vld [tilespmem:s22+$0xFFFFFC80];
	v0 =	vadd.f32 v5, v0  }
0x18a: {  	v1 =	vadd.f32 v1, v2;
	v2 =	vld [tilespmem:s22+$0x440]  }
0x18b: {  	v5 =	vld [tilespmem:s22+$0xFFFFFCC0];
	v0 =	vadd.f32 v3, v0  }
0x18c: {  	v1 =	vadd.f32 v6, v1;
	v3 =	vld [tilespmem:s22+$0x480]  }
0x18d: {  	v6 =	vld [tilespmem:s22+$0xFFFFFD00];
	v0 =	vadd.f32 v4, v0  }
0x18e: {  	v1 =	vadd.f32 v7, v1;
	v4 =	vld [tilespmem:s22+$0x4C0]  }
0x18f: {  	v7 =	vld [tilespmem:s22+$0xFFFFFD40];
	v0 =	vadd.f32 v2, v0  }
0x190: {  	v1 =	vadd.f32 v5, v1;
	v2 =	vld [tilespmem:s22+$0xFFFFFD80]  }
0x191: {  	v5 =	vld [tilespmem:s22+$0xFFFFFDC0];
	v0 =	vadd.f32 v3, v0  }
0x192: {  	v1 =	vadd.f32 v6, v1;
	v3 =	vld [tilespmem:s22+$0xFFFFFE00]  }
0x193: {  	v6 =	vld [tilespmem:s22+$0xFFFFFE40];
	v0 =	vadd.f32 v4, v0  }
0x194: {  	v1 =	vadd.f32 v7, v1;
	v4 =	vld [tilespmem:s22+$0xFFFFFE80]  }
0x195: {  	v7 =	vld [tilespmem:s22+$0xFFFFFEC0];
	v0 =	vmul.f32 $5.000000070e-02, v0  }
0x196: {  	s8 =	sadd.s32 $0x80, s8;
	v1 =	vadd.f32 v2, v1;
	v2 =	vld [tilespmem:s22+$0xFFFFFF00]  }
0x197: {  	v8 =	vld [tilespmem:s22+$0xFFFFFF40];
	[tilespmem:s8+$0x0] =	vst v0  }
0x198: {  	v0 =	vadd.f32 v5, v1;
	v1 =	vld [tilespmem:s22+$0x10]  }
0x199: {  	v5 =	vld [tilespmem:s22+$0x50]  }
0x19a: {  	v0 =	vadd.f32 v3, v0;
	v3 =	vld [tilespmem:s22+$0xFFFFFF80]  }
0x19b: {  	v9 =	vld [tilespmem:s22+$0x90]  }
0x19c: {  	v0 =	vadd.f32 v6, v0;
	v6 =	vld [tilespmem:s22+$0xFFFFFFC0]  }
0x19d: {  	v10 =	vld [tilespmem:s22+$0xD0]  }
0x19e: {  	v0 =	vadd.f32 v4, v0;
	v1 =	vadd.f32 v5, v1;
	v4 =	vld [tilespmem:s21+$0xFFFFFB30]  }
0x19f: {  	v5 =	vld [tilespmem:s22+$0x110]  }
0x1a0: {  	v0 =	vadd.f32 v7, v0;
	v1 =	vadd.f32 v9, v1;
	v7 =	vld [tilespmem:s21+$0xFFFFFB70]  }
0x1a1: {  	v9 =	vld [tilespmem:s22+$0x150]  }
0x1a2: {  	v0 =	vadd.f32 v2, v0;
	v1 =	vadd.f32 v10, v1;
	v2 =	vld [tilespmem:s21+$0xFFFFFBB0]  }
0x1a3: {  	v10 =	vld [tilespmem:s22+$0x190]  }
0x1a4: {  	v0 =	vadd.f32 v8, v0;
	v1 =	vadd.f32 v5, v1;
	v5 =	vld [tilespmem:s21+$0xFFFFFBF0]  }
0x1a5: {  	v8 =	vld [tilespmem:s22+$0x1D0];
	v4 =	vadd.f32 v7, v4  }
0x1a6: {  	v0 =	vadd.f32 v3, v0;
	v1 =	vadd.f32 v9, v1;
	v3 =	vld [tilespmem:s21+$0xFFFFFC30]  }
0x1a7: {  	v7 =	vld [tilespmem:s22+$0x210];
	v2 =	vadd.f32 v2, v4  }
0x1a8: {  	v0 =	vadd.f32 v6, v0;
	v1 =	vadd.f32 v10, v1;
	v4 =	vld [tilespmem:s21+$0xFFFFFC70]  }
0x1a9: {  	v6 =	vld [tilespmem:s22+$0x250];
	v2 =	vadd.f32 v5, v2  }
0x1aa: {  	v0 =	vmul.f32 $5.000000070e-02, v0;
	v1 =	vadd.f32 v8, v1;
	v5 =	vld [tilespmem:s21+$0xFFFFFCB0]  }
0x1ab: {  	v8 =	vld [tilespmem:s22+$0x290];
	v2 =	vadd.f32 v3, v2  }
0x1ac: {  	[tilespmem:s8+$0xFFFFFFC0] =	vst v0;
	v0 =	vadd.f32 v7, v1;
	v1 =	vld [tilespmem:s21+$0xFFFFFCF0]  }
0x1ad: {  	v3 =	vld [tilespmem:s22+$0x2D0];
	v2 =	vadd.f32 v4, v2  }
0x1ae: {  	v4 =	vld [tilespmem:s22+$0xFFFFFB10];
	v0 =	vadd.f32 v6, v0  }
0x1af: {  	v6 =	vld [tilespmem:s22+$0x310];
	v2 =	vadd.f32 v5, v2  }
0x1b0: {  	v5 =	vld [tilespmem:s22+$0xFFFFFB50];
	v0 =	vadd.f32 v8, v0  }
0x1b1: {  	v7 =	vld [tilespmem:s22+$0x350];
	v1 =	vadd.f32 v1, v2  }
0x1b2: {  	v2 =	vld [tilespmem:s22+$0xFFFFFB90];
	v0 =	vadd.f32 v3, v0  }
0x1b3: {  	v3 =	vld [tilespmem:s22+$0x390]  }
0x1b4: {  	v8 =	vld [tilespmem:s22+$0xFFFFFBD0];
	v0 =	vadd.f32 v6, v0  }
0x1b5: {  	v4 =	vadd.f32 v5, v4;
	v5 =	vld [tilespmem:s22+$0x3D0]  }
0x1b6: {  	v6 =	vld [tilespmem:s22+$0xFFFFFC10];
	v0 =	vadd.f32 v7, v0  }
0x1b7: {  	v2 =	vadd.f32 v2, v4;
	v4 =	vld [tilespmem:s22+$0x410]  }
0x1b8: {  	v7 =	vld [tilespmem:s22+$0xFFFFFC50];
	v0 =	vadd.f32 v3, v0  }
0x1b9: {  	v2 =	vadd.f32 v8, v2;
	v3 =	vld [tilespmem:s22+$0x450]  }
0x1ba: {  	v8 =	vld [tilespmem:s22+$0xFFFFFC90];
	v0 =	vadd.f32 v5, v0  }
0x1bb: {  	v2 =	vadd.f32 v6, v2;
	v5 =	vld [tilespmem:s22+$0x490]  }
0x1bc: {  	v6 =	vld [tilespmem:s22+$0xFFFFFCD0];
	v0 =	vadd.f32 v4, v0  }
0x1bd: {  	v2 =	vadd.f32 v7, v2;
	v4 =	vld [tilespmem:s22+$0x4D0]  }
0x1be: {  	v7 =	vld [tilespmem:s22+$0xFFFFFD10];
	v0 =	vadd.f32 v3, v0  }
0x1bf: {  	v2 =	vadd.f32 v8, v2;
	v3 =	vld [tilespmem:s22+$0xFFFFFD50]  }
0x1c0: {  	v8 =	vld [tilespmem:s22+$0xFFFFFD90];
	v0 =	vadd.f32 v5, v0  }
0x1c1: {  	v2 =	vadd.f32 v6, v2;
	v5 =	vld [tilespmem:s22+$0xFFFFFDD0]  }
0x1c2: {  	v6 =	vld [tilespmem:s22+$0xFFFFFE10];
	v0 =	vadd.f32 v4, v0  }
0x1c3: {  	v2 =	vadd.f32 v7, v2;
	v4 =	vld [tilespmem:s22+$0xFFFFFE50]  }
0x1c4: {  	v7 =	vld [tilespmem:s22+$0xFFFFFE90];
	v0 =	vmul.f32 $5.000000070e-02, v0  }
0x1c5: {  	v2 =	vadd.f32 v3, v2;
	v3 =	vld [tilespmem:s22+$0xFFFFFED0]  }
0x1c6: {  	v9 =	vld [tilespmem:s22+$0xFFFFFF10];
	[tilespmem:s8+$0x10] =	vst v0  }
0x1c7: {  	v0 =	vadd.f32 v8, v2;
	v2 =	vld [tilespmem:s22+$0x20]  }
0x1c8: {  	v8 =	vld [tilespmem:s22+$0x60]  }
0x1c9: {  	v0 =	vadd.f32 v5, v0;
	v5 =	vld [tilespmem:s22+$0xFFFFFF50]  }
0x1ca: {  	v10 =	vld [tilespmem:s22+$0xA0]  }
0x1cb: {  	v0 =	vadd.f32 v6, v0;
	v6 =	vld [tilespmem:s22+$0xFFFFFF90]  }
0x1cc: {  	v11 =	vld [tilespmem:s22+$0xE0]  }
0x1cd: {  	v0 =	vadd.f32 v4, v0;
	v4 =	vld [tilespmem:s22+$0xFFFFFFD0];
	v2 =	vadd.f32 v8, v2  }
0x1ce: {  	v8 =	vld [tilespmem:s22+$0x120]  }
0x1cf: {  	v0 =	vadd.f32 v7, v0;
	v2 =	vadd.f32 v10, v2;
	v7 =	vld [tilespmem:s21+$0xFFFFFD30]  }
0x1d0: {  	v10 =	vld [tilespmem:s22+$0x160]  }
0x1d1: {  	v0 =	vadd.f32 v3, v0;
	v2 =	vadd.f32 v11, v2;
	v3 =	vld [tilespmem:s21+$0xFFFFFD70]  }
0x1d2: {  	v11 =	vld [tilespmem:s22+$0x1A0]  }
0x1d3: {  	v0 =	vadd.f32 v9, v0;
	v2 =	vadd.f32 v8, v2;
	v8 =	vld [tilespmem:s21+$0xFFFFFDB0]  }
0x1d4: {  	v9 =	vld [tilespmem:s22+$0x1E0];
	v1 =	vadd.f32 v7, v1  }
0x1d5: {  	v0 =	vadd.f32 v5, v0;
	v2 =	vadd.f32 v10, v2;
	v5 =	vld [tilespmem:s21+$0xFFFFFDF0]  }
0x1d6: {  	v7 =	vld [tilespmem:s22+$0x220];
	v1 =	vadd.f32 v3, v1  }
0x1d7: {  	v0 =	vadd.f32 v6, v0;
	v2 =	vadd.f32 v11, v2;
	v3 =	vld [tilespmem:s21+$0xFFFFFE30]  }
0x1d8: {  	v6 =	vld [tilespmem:s22+$0x260];
	v1 =	vadd.f32 v8, v1  }
0x1d9: {  	v0 =	vadd.f32 v4, v0;
	v2 =	vadd.f32 v9, v2;
	v4 =	vld [tilespmem:s21+$0xFFFFFE70]  }
0x1da: {  	v8 =	vld [tilespmem:s22+$0x2A0];
	v1 =	vadd.f32 v5, v1  }
0x1db: {  	v0 =	vmul.f32 $5.000000070e-02, v0;
	v2 =	vadd.f32 v7, v2;
	v5 =	vld [tilespmem:s21+$0xFFFFFEB0]  }
0x1dc: {  	v7 =	vld [tilespmem:s22+$0x2E0];
	v1 =	vadd.f32 v3, v1  }
0x1dd: {  	[tilespmem:s8+$0xFFFFFFD0] =	vst v0;
	v0 =	vadd.f32 v6, v2;
	v2 =	vld [tilespmem:s21+$0xFFFFFEF0]  }
0x1de: {  	v3 =	vld [tilespmem:s22+$0x320];
	v1 =	vadd.f32 v4, v1  }
0x1df: {  	v4 =	vld [tilespmem:s22+$0xFFFFFB20];
	v0 =	vadd.f32 v8, v0  }
0x1e0: {  	v6 =	vld [tilespmem:s22+$0x360];
	v1 =	vadd.f32 v5, v1  }
0x1e1: {  	v5 =	vld [tilespmem:s22+$0xFFFFFB60];
	v0 =	vadd.f32 v7, v0  }
0x1e2: {  	v7 =	vld [tilespmem:s22+$0x3A0];
	v1 =	vadd.f32 v2, v1  }
0x1e3: {  	v2 =	vld [tilespmem:s22+$0xFFFFFBA0];
	v0 =	vadd.f32 v3, v0  }
0x1e4: {  	v3 =	vld [tilespmem:s22+$0x3E0]  }
0x1e5: {  	v8 =	vld [tilespmem:s22+$0xFFFFFBE0];
	v0 =	vadd.f32 v6, v0  }
0x1e6: {  	v4 =	vadd.f32 v5, v4;
	v5 =	vld [tilespmem:s22+$0x420]  }
0x1e7: {  	v6 =	vld [tilespmem:s22+$0xFFFFFC20];
	v0 =	vadd.f32 v7, v0  }
0x1e8: {  	v2 =	vadd.f32 v2, v4;
	v4 =	vld [tilespmem:s22+$0x460]  }
0x1e9: {  	v7 =	vld [tilespmem:s22+$0xFFFFFC60];
	v0 =	vadd.f32 v3, v0  }
0x1ea: {  	v2 =	vadd.f32 v8, v2;
	v3 =	vld [tilespmem:s22+$0x4A0]  }
0x1eb: {  	v8 =	vld [tilespmem:s22+$0xFFFFFCA0];
	v0 =	vadd.f32 v5, v0  }
0x1ec: {  	v2 =	vadd.f32 v6, v2;
	v5 =	vld [tilespmem:s22+$0x4E0]  }
0x1ed: {  	v6 =	vld [tilespmem:s22+$0xFFFFFCE0];
	v0 =	vadd.f32 v4, v0  }
0x1ee: {  	v2 =	vadd.f32 v7, v2;
	v4 =	vld [tilespmem:s22+$0xFFFFFD20]  }
0x1ef: {  	v7 =	vld [tilespmem:s22+$0xFFFFFD60];
	v0 =	vadd.f32 v3, v0  }
0x1f0: {  	v2 =	vadd.f32 v8, v2;
	v3 =	vld [tilespmem:s22+$0xFFFFFDA0]  }
0x1f1: {  	v8 =	vld [tilespmem:s22+$0xFFFFFDE0];
	v0 =	vadd.f32 v5, v0  }
0x1f2: {  	v2 =	vadd.f32 v6, v2;
	v5 =	vld [tilespmem:s22+$0xFFFFFE20]  }
0x1f3: {  	v6 =	vld [tilespmem:s22+$0xFFFFFE60];
	v0 =	vmul.f32 $5.000000070e-02, v0  }
0x1f4: {  	v2 =	vadd.f32 v4, v2;
	v4 =	vld [tilespmem:s22+$0xFFFFFEA0]  }
0x1f5: {  	v9 =	vld [tilespmem:s22+$0xFFFFFEE0];
	[tilespmem:s8+$0x20] =	vst v0  }
0x1f6: {  	v0 =	vadd.f32 v7, v2;
	v2 =	vld [tilespmem:s22+$0x30]  }
0x1f7: {  	v7 =	vld [tilespmem:s22+$0x70]  }
0x1f8: {  	v0 =	vadd.f32 v3, v0;
	v10 =	vld [tilespmem:s22+$0xFFFFFF20]  }
0x1f9: {  	v11 =	vld [tilespmem:s22+$0xB0]  }
0x1fa: {  	v0 =	vadd.f32 v8, v0;
	v8 =	vld [tilespmem:s22+$0xFFFFFF60]  }
0x1fb: {  	v12 =	vld [tilespmem:s22+$0xF0]  }
0x1fc: {  	v0 =	vadd.f32 v5, v0;
	v3 =	vld [tilespmem:s22+$0xFFFFFFA0];
	v5 =	vadd.f32 v7, v2  }
0x1fd: {  	v7 =	vld [tilespmem:s22+$0x130]  }
0x1fe: {  	v0 =	vadd.f32 v6, v0;
	v2 =	vld [tilespmem:s22+$0xFFFFFFE0];
	v5 =	vadd.f32 v11, v5  }
0x1ff: {  	v6 =	vld [tilespmem:s22+$0x170]  }
0x200: {  	v0 =	vadd.f32 v4, v0;
	v4 =	vadd.f32 v12, v5;
	v11 =	vld [tilespmem:s21+$0xFFFFFF30]  }
0x201: {  	v12 =	vld [tilespmem:s22+$0x1B0]  }
0x202: {  	v0 =	vadd.f32 v9, v0;
	v4 =	vadd.f32 v7, v4;
	v13 =	vld [tilespmem:s21+$0xFFFFFF70]  }
.Ltmp2:
0x203: {  	v5 =	vld [tilespmem:s22+$0x1F0];
	(pc) =	sbr.rel @p0 .LBB2_3-.Ltmp2, $4  }
0x204: {  	v7 =	vadd.f32 v10, v0;
	v4 =	vadd.f32 v6, v4;
	v0 =	vld [tilespmem:s21+$0xFFFFFFB0]  }
0x205: {  	v6 =	vld [tilespmem:s22+$0x230];
	v10 =	vadd.f32 v11, v1  }
0x206: {  	v9 =	vadd.f32 v8, v7;
	v8 =	vadd.f32 v12, v4;
	v1 =	vld [tilespmem:s21+$0xFFFFFFF0];
	s21 =	smov.u32 s22  }
0x207: {  	s22 =	sadd.s32 $0xA00, s22;
	v7 =	vld [tilespmem:s21+$0x270];
	v4 =	vadd.f32 v13, v10  }
0x208: {  	v3 =	vadd.f32 v3, v9;
	_ =	sdelay $0x1  }
0x209: {  	v2 =	vadd.f32 v2, v3;
	_ =	sdelay $0x1  }
0x20a: {  	v2 =	vmul.f32 $5.000000070e-02, v2;
	_ =	sdelay $0x1  }
0x20b: {  	[tilespmem:s8+$0xFFFFFFE0] =	vst v2  }
0x20c: {  	v2 =	vld [tilespmem:s21+$0xFFFFFB30]  }
0x20d: {  	v3 =	vld [tilespmem:s21+$0xFFFFFB70];
	_ =	sdelay $0x1  }
0x20e: {  	v9 =	vld [tilespmem:s21+$0xFFFFFBB0];
	_ =	sdelay $0x1  }
0x20f: {  	v10 =	vld [tilespmem:s21+$0xFFFFFBF0]  }
0x210: {  	v2 =	vadd.f32 v3, v2  }
0x211: {  	v3 =	vld [tilespmem:s21+$0xFFFFFC30]  }
0x212: {  	v2 =	vadd.f32 v9, v2  }
0x213: {  	v9 =	vld [tilespmem:s21+$0xFFFFFC70]  }
0x214: {  	v2 =	vadd.f32 v10, v2  }
0x215: {  	v10 =	vld [tilespmem:s21+$0xFFFFFCB0]  }
0x216: {  	v2 =	vadd.f32 v3, v2  }
0x217: {  	v3 =	vld [tilespmem:s21+$0xFFFFFCF0]  }
0x218: {  	v2 =	vadd.f32 v9, v2  }
0x219: {  	v9 =	vld [tilespmem:s21+$0xFFFFFD30]  }
0x21a: {  	v2 =	vadd.f32 v10, v2  }
0x21b: {  	v5 =	vadd.f32 v5, v8;
	v8 =	vld [tilespmem:s21+$0xFFFFFD70]  }
0x21c: {  	v10 =	vld [tilespmem:s21+$0x2B0];
	v2 =	vadd.f32 v3, v2  }
0x21d: {  	v3 =	vadd.f32 v6, v5;
	v5 =	vld [tilespmem:s21+$0xFFFFFDB0]  }
0x21e: {  	v6 =	vld [tilespmem:s21+$0x2F0];
	v2 =	vadd.f32 v9, v2  }
0x21f: {  	v3 =	vadd.f32 v7, v3;
	v7 =	vld [tilespmem:s21+$0xFFFFFDF0]  }
0x220: {  	v9 =	vld [tilespmem:s21+$0x330];
	v2 =	vadd.f32 v8, v2  }
0x221: {  	v3 =	vadd.f32 v10, v3;
	v8 =	vld [tilespmem:s21+$0xFFFFFE30]  }
0x222: {  	v10 =	vld [tilespmem:s21+$0x370];
	v2 =	vadd.f32 v5, v2  }
0x223: {  	v3 =	vadd.f32 v6, v3;
	v5 =	vld [tilespmem:s21+$0xFFFFFE70]  }
0x224: {  	v6 =	vld [tilespmem:s21+$0x3B0];
	v2 =	vadd.f32 v7, v2  }
0x225: {  	v3 =	vadd.f32 v9, v3;
	v7 =	vld [tilespmem:s21+$0xFFFFFEB0]  }
0x226: {  	v9 =	vld [tilespmem:s21+$0x3F0];
	v2 =	vadd.f32 v8, v2  }
0x227: {  	v3 =	vadd.f32 v10, v3;
	v8 =	vld [tilespmem:s21+$0xFFFFFEF0]  }
0x228: {  	v10 =	vld [tilespmem:s21+$0x430];
	v2 =	vadd.f32 v5, v2  }
0x229: {  	v3 =	vadd.f32 v6, v3;
	v5 =	vld [tilespmem:s21+$0xFFFFFF30]  }
0x22a: {  	v6 =	vld [tilespmem:s21+$0x470];
	v2 =	vadd.f32 v7, v2  }
0x22b: {  	v3 =	vadd.f32 v9, v3;
	v7 =	vld [tilespmem:s21+$0xFFFFFF70]  }
0x22c: {  	v9 =	vld [tilespmem:s21+$0x4B0];
	v2 =	vadd.f32 v8, v2  }
0x22d: {  	v3 =	vadd.f32 v10, v3;
	v8 =	vld [tilespmem:s21+$0xFFFFFFB0]  }
0x22e: {  	v10 =	vld [tilespmem:s21+$0x4F0];
	v2 =	vadd.f32 v5, v2  }
0x22f: {  	v3 =	vadd.f32 v6, v3;
	v5 =	vld [tilespmem:s21+$0xFFFFFFF0]  }
0x230: {  	v0 =	vadd.f32 v0, v4;
	v2 =	vadd.f32 v7, v2  }
0x231: {  	v3 =	vadd.f32 v9, v3  }
0x232: {  	v0 =	vadd.f32 v1, v0;
	v1 =	vadd.f32 v8, v2  }
0x233: {  	v2 =	vadd.f32 v10, v3  }
0x234: {  	v0 =	vmul.f32 $5.000000070e-02, v0;
	v1 =	vadd.f32 v5, v1  }
0x235: {  	v2 =	vmul.f32 $5.000000070e-02, v2  }
0x236: {  	[tilespmem:s20+$0xFFFFFFF0] =	vst v0;
	v0 =	vmul.f32 $5.000000070e-02, v1  }
0x237: {  	s6 =	sshll.u32 s19, $0x9;
	[tilespmem:s8+$0x30] =	vst v2  }
0x238: {  	p0 =	seq.s32 s19, $0x7;
	s6 =	sadd.s32 s6, s9;
	s20 =	sshll.u32 s19, $0x6;
	[tilespmem:s8+$0xFFFFFFF0] =	vst v0  }
0x239: {  	[hbm4b:s6+s3] =	stream.linear.scatter [tilespmem:s16], [sflag:$0x3], $0x800, $0x38;
	[tilespmem:$0x14D00] =	vst v63  }
0x23a: {  	s6 =	sadd.s32 @!p0 s20, s10  }
0x23b: {  	s6 =	smul.u32 @!p0 $0x14, s6  }
0x23c: {  	_ =	swait.ge [sflag:s13], $0x800  }
0x23d: {  	[sflag:s13] =	ssyncset.done $0x0;
	s6 =	sshrl.u32 @!p0 s6, $0x3  }
0x23e: {  	s8 =	simm.s32 @!p0 $0x0;
	[sflag:s13] =	ssyncadd.s32 $0xFFFFF800;
	s6 =	sadd.s32 @!p0 s4, s6  }
0x23f: {  	[tilespmem:s8], [sflag:$0x3] =	stream.linear.gather @!p0 [hbm4b:s6+s8], $0x280, $0x38;
	[tilespmem:$0x14D00] =	vst v63  }
0x240: {  	s6 =	simm.s32 @!p0 $0x3  }
0x241: {  	_ =	swait.ge @!p0 [sflag:s6], $0x280  }
0x242: {  	[sflag:s6] =	ssyncset.done @!p0 $0x0  }
0x243: {  	s12 =	simm.s32 @!p0 $0x500;
	[sflag:s6] =	ssyncadd.s32 @!p0 $0xFFFFFD80;
	s6 =	simm.s32 @!p0 $0x80  }
0x244: {  	[tilespmem:s12], [sflag:$0x1] =	stream.indirect.gather @!p0 [hbm4b:s5+s6], $0x40, s8, s6, $0xb8;
	[tilespmem:$0x14D00] =	vst v63  }
0x245: {  	s8 =	simm.s32 @!p0 $0x2500  }
0x246: {  	[tilespmem:s8], [sflag:$0x1] =	stream.indirect.gather @!p0 [hbm4b:s5+s6], $0x40, s6, s6, $0xb8;
	[tilespmem:$0x14D00] =	vst v63  }
0x247: {  	s12 =	simm.s32 @!p0 $0x4500;
	s8 =	simm.s32 @!p0 $0x100  }
0x248: {  	[tilespmem:s12], [sflag:$0x1] =	stream.indirect.gather @!p0 [hbm4b:s5+s6], $0x40, s8, s6, $0xb8;
	[tilespmem:$0x14D00] =	vst v63  }
0x249: {  	s8 =	simm.s32 @!p0 $0x180;
	s12 =	simm.s32 @!p0 $0x6500  }
0x24a: {  	[tilespmem:s12], [sflag:$0x1] =	stream.indirect.gather @!p0 [hbm4b:s5+s6], $0x40, s8, s6, $0xb8;
	[tilespmem:$0x14D00] =	vst v63  }
0x24b: {  	s8 =	simm.s32 @!p0 $0x200;
	s12 =	simm.s32 @!p0 $0x8500  }
0x24c: {  	[tilespmem:s12], [sflag:$0x1] =	stream.indirect.gather @!p0 [hbm4b:s5+s6], $0x40, s8, s6, $0xb8;
	[tilespmem:$0x14D00] =	vst v63  }
0x24d: {  	_ =	swait.ge [sflag:s17], $0x2000  }
0x24e: {  	[sflag:s17] =	ssyncset.done $0x0  }
0x24f: {  	[sflag:s17] =	ssyncadd.s32 $0xFFFFE000  }
0x250: {  	_ =	swait.ge [sflag:s17], $0x2000  }
0x251: {  	[sflag:s17] =	ssyncset.done $0x0  }
0x252: {  	[sflag:s17] =	ssyncadd.s32 $0xFFFFE000  }
0x253: {  	_ =	swait.ge [sflag:s17], $0x2000  }
0x254: {  	[sflag:s17] =	ssyncset.done $0x0  }
0x255: {  	[sflag:s17] =	ssyncadd.s32 $0xFFFFE000  }
0x256: {  	_ =	swait.ge [sflag:s17], $0x2000  }
0x257: {  	[sflag:s17] =	ssyncset.done $0x0  }
0x258: {  	[sflag:s17] =	ssyncadd.s32 $0xFFFFE000  }
0x259: {  	_ =	swait.ge [sflag:s17], $0x2000  }
0x25a: {  	[sflag:s17] =	ssyncset.done $0x0  }
0x25b: {  	s6 =	simm.s32 $0xAA00;
	[sflag:s17] =	ssyncadd.s32 $0xFFFFE000  }
0x25c: {  	v0 =	vld [tilespmem:s6+$0x0]  }
0x25d: {  	v1 =	vld [tilespmem:s6+$0x40];
	_ =	sdelay $0x1  }
0x25e: {  	v2 =	vld [tilespmem:s6+$0x80];
	_ =	sdelay $0x1  }
0x25f: {  	v3 =	vld [tilespmem:s6+$0xC0]  }
0x260: {  	v0 =	vadd.f32 v1, v0  }
0x261: {  	v1 =	vld [tilespmem:s6+$0x100]  }
0x262: {  	v0 =	vadd.f32 v2, v0  }
0x263: {  	v2 =	vld [tilespmem:s6+$0x140]  }
0x264: {  	v0 =	vadd.f32 v3, v0  }
0x265: {  	v3 =	vld [tilespmem:s6+$0x180]  }
0x266: {  	v0 =	vadd.f32 v1, v0  }
0x267: {  	v1 =	vld [tilespmem:s6+$0x1C0]  }
0x268: {  	v0 =	vadd.f32 v2, v0  }
0x269: {  	v2 =	vld [tilespmem:s6+$0x200]  }
0x26a: {  	v0 =	vadd.f32 v3, v0  }
0x26b: {  	v3 =	vld [tilespmem:s6+$0x240]  }
0x26c: {  	v4 =	vld [tilespmem:s6+$0xFFFFFB40];
	v0 =	vadd.f32 v1, v0  }
0x26d: {  	v1 =	vld [tilespmem:s6+$0x280]  }
0x26e: {  	v5 =	vld [tilespmem:s6+$0xFFFFFB00];
	v0 =	vadd.f32 v2, v0  }
0x26f: {  	v2 =	vld [tilespmem:s6+$0x2C0]  }
0x270: {  	v6 =	vld [tilespmem:s6+$0xFFFFFB80];
	v0 =	vadd.f32 v3, v0  }
0x271: {  	v3 =	vld [tilespmem:s6+$0x300]  }
0x272: {  	v7 =	vld [tilespmem:s6+$0xFFFFFBC0];
	v0 =	vadd.f32 v1, v0  }
0x273: {  	s22 =	simm.s32 $0xB400;
	v1 =	vld [tilespmem:s6+$0x340]  }
0x274: {  	v43 =	vld [tilespmem:s22+$0x180];
	v0 =	vadd.f32 v2, v0  }
0x275: {  	v2 =	vld [tilespmem:s6+$0x380]  }
0x276: {  	v4 =	vadd.f32 v4, v5;
	v5 =	vld [tilespmem:s6+$0xFFFFFC00];
	v0 =	vadd.f32 v3, v0  }
0x277: {  	v3 =	vld [tilespmem:s6+$0x3C0]  }
0x278: {  	v4 =	vadd.f32 v6, v4;
	v6 =	vld [tilespmem:s6+$0xFFFFFC40];
	v0 =	vadd.f32 v1, v0  }
0x279: {  	v1 =	vld [tilespmem:s6+$0x400]  }
0x27a: {  	v4 =	vadd.f32 v7, v4;
	v7 =	vld [tilespmem:s6+$0xFFFFFC80];
	v0 =	vadd.f32 v2, v0  }
0x27b: {  	v2 =	vld [tilespmem:s6+$0x440]  }
0x27c: {  	v4 =	vadd.f32 v5, v4;
	v5 =	vld [tilespmem:s6+$0xFFFFFCC0];
	v0 =	vadd.f32 v3, v0  }
0x27d: {  	v3 =	vld [tilespmem:s6+$0x480]  }
0x27e: {  	v4 =	vadd.f32 v6, v4;
	v6 =	vld [tilespmem:s6+$0xFFFFFD00];
	v0 =	vadd.f32 v1, v0  }
0x27f: {  	v1 =	vld [tilespmem:s6+$0x4C0]  }
0x280: {  	v44 =	vld [tilespmem:s22+$0x1C0];
	v4 =	vadd.f32 v7, v4;
	v0 =	vadd.f32 v2, v0  }
0x281: {  	v2 =	vld [tilespmem:s6+$0xFFFFFD40]  }
0x282: {  	v45 =	vld [tilespmem:s22+$0x200];
	v4 =	vadd.f32 v5, v4;
	v0 =	vadd.f32 v3, v0  }
0x283: {  	v3 =	vld [tilespmem:s6+$0xFFFFFD80]  }
0x284: {  	v47 =	vld [tilespmem:s22+$0x240];
	v4 =	vadd.f32 v6, v4;
	v0 =	vadd.f32 v1, v0  }
0x285: {  	v1 =	vld [tilespmem:s6+$0xFFFFFDC0]  }
0x286: {  	v48 =	vld [tilespmem:s22+$0x280];
	v2 =	vadd.f32 v2, v4;
	v0 =	vmul.f32 $5.000000070e-02, v0  }
0x287: {  	s21 =	simm.s32 $0x14540;
	v4 =	vld [tilespmem:s6+$0xFFFFFE00]  }
0x288: {  	v5 =	vld [tilespmem:s6+$0xFFFFFE40];
	v2 =	vadd.f32 v3, v2;
	[tilespmem:s21+$0x0] =	vst v0  }
0x289: {  	v0 =	vld [tilespmem:s6+$0x10]  }
0x28a: {  	v1 =	vadd.f32 v1, v2;
	v2 =	vld [tilespmem:s6+$0x50]  }
0x28b: {  	v3 =	vld [tilespmem:s6+$0xFFFFFE80]  }
0x28c: {  	v1 =	vadd.f32 v4, v1;
	v4 =	vld [tilespmem:s6+$0x90]  }
0x28d: {  	v6 =	vld [tilespmem:s6+$0xFFFFFEC0]  }
0x28e: {  	v1 =	vadd.f32 v5, v1;
	v5 =	vld [tilespmem:s6+$0xD0]  }
0x28f: {  	v7 =	vld [tilespmem:s6+$0xFFFFFF00];
	v0 =	vadd.f32 v2, v0  }
0x290: {  	v2 =	vld [tilespmem:s6+$0x110];
	v1 =	vadd.f32 v3, v1  }
0x291: {  	v3 =	vld [tilespmem:s6+$0xFFFFFF40];
	v0 =	vadd.f32 v4, v0  }
0x292: {  	v4 =	vld [tilespmem:s6+$0x150];
	v1 =	vadd.f32 v6, v1  }
0x293: {  	v6 =	vld [tilespmem:s6+$0xFFFFFF80];
	v0 =	vadd.f32 v5, v0  }
0x294: {  	v5 =	vld [tilespmem:s6+$0x190];
	v1 =	vadd.f32 v7, v1  }
0x295: {  	v7 =	vld [tilespmem:s6+$0xFFFFFFC0];
	v0 =	vadd.f32 v2, v0  }
0x296: {  	v2 =	vld [tilespmem:s6+$0x1D0];
	v1 =	vadd.f32 v3, v1  }
0x297: {  	v49 =	vld [tilespmem:s22+$0xFFFFFB40];
	v0 =	vadd.f32 v4, v0  }
0x298: {  	v3 =	vld [tilespmem:s6+$0x210];
	v1 =	vadd.f32 v6, v1  }
0x299: {  	v50 =	vld [tilespmem:s22+$0x2C0];
	v0 =	vadd.f32 v5, v0  }
0x29a: {  	v4 =	vld [tilespmem:s6+$0x250];
	v1 =	vadd.f32 v7, v1  }
0x29b: {  	v51 =	vld [tilespmem:s22+$0xFFFFFB00];
	v0 =	vadd.f32 v2, v0  }
0x29c: {  	v2 =	vld [tilespmem:s6+$0x290];
	v1 =	vmul.f32 $5.000000070e-02, v1  }
0x29d: {  	v52 =	vld [tilespmem:s22+$0x300];
	v0 =	vadd.f32 v3, v0  }
0x29e: {  	[tilespmem:s21+$0xFFFFFFC0] =	vst v1;
	v1 =	vld [tilespmem:s6+$0x2D0]  }
0x29f: {  	v3 =	vld [tilespmem:s6+$0xFFFFFB10];
	v0 =	vadd.f32 v4, v0  }
0x2a0: {  	v4 =	vld [tilespmem:s6+$0x310]  }
0x2a1: {  	v5 =	vld [tilespmem:s6+$0xFFFFFB50];
	v0 =	vadd.f32 v2, v0  }
0x2a2: {  	v2 =	vld [tilespmem:s6+$0x350]  }
0x2a3: {  	v6 =	vld [tilespmem:s6+$0xFFFFFB90];
	v0 =	vadd.f32 v1, v0  }
0x2a4: {  	v1 =	vld [tilespmem:s6+$0x390]  }
0x2a5: {  	v7 =	vld [tilespmem:s6+$0xFFFFFBD0];
	v0 =	vadd.f32 v4, v0  }
0x2a6: {  	v4 =	vld [tilespmem:s6+$0x3D0]  }
0x2a7: {  	v3 =	vadd.f32 v5, v3;
	v5 =	vld [tilespmem:s6+$0xFFFFFC10];
	v0 =	vadd.f32 v2, v0  }
0x2a8: {  	v2 =	vld [tilespmem:s6+$0x410]  }
0x2a9: {  	v3 =	vadd.f32 v6, v3;
	v6 =	vld [tilespmem:s6+$0xFFFFFC50];
	v0 =	vadd.f32 v1, v0  }
0x2aa: {  	v1 =	vld [tilespmem:s6+$0x450]  }
0x2ab: {  	v3 =	vadd.f32 v7, v3;
	v7 =	vld [tilespmem:s6+$0xFFFFFC90];
	v0 =	vadd.f32 v4, v0  }
0x2ac: {  	v4 =	vld [tilespmem:s6+$0x490]  }
0x2ad: {  	v3 =	vadd.f32 v5, v3;
	v5 =	vld [tilespmem:s6+$0xFFFFFCD0];
	v0 =	vadd.f32 v2, v0  }
0x2ae: {  	v2 =	vld [tilespmem:s6+$0x4D0]  }
0x2af: {  	v53 =	vld [tilespmem:s22+$0xFFFFFB80];
	v3 =	vadd.f32 v6, v3;
	v0 =	vadd.f32 v1, v0  }
0x2b0: {  	v1 =	vld [tilespmem:s6+$0xFFFFFD10]  }
0x2b1: {  	v54 =	vld [tilespmem:s22+$0x340];
	v3 =	vadd.f32 v7, v3;
	v0 =	vadd.f32 v4, v0  }
0x2b2: {  	v4 =	vld [tilespmem:s6+$0xFFFFFD50]  }
0x2b3: {  	v55 =	vld [tilespmem:s22+$0xFFFFFBC0];
	v3 =	vadd.f32 v5, v3;
	v0 =	vadd.f32 v2, v0  }
0x2b4: {  	v2 =	vld [tilespmem:s6+$0xFFFFFD90]  }
0x2b5: {  	v56 =	vld [tilespmem:s22+$0x380];
	v1 =	vadd.f32 v1, v3;
	v0 =	vmul.f32 $5.000000070e-02, v0  }
0x2b6: {  	v3 =	vld [tilespmem:s6+$0xFFFFFDD0]  }
0x2b7: {  	v5 =	vld [tilespmem:s6+$0xFFFFFE10];
	v1 =	vadd.f32 v4, v1;
	[tilespmem:s21+$0x10] =	vst v0  }
0x2b8: {  	v0 =	vld [tilespmem:s6+$0x20]  }
0x2b9: {  	v1 =	vadd.f32 v2, v1;
	v2 =	vld [tilespmem:s6+$0x60]  }
0x2ba: {  	v4 =	vld [tilespmem:s6+$0xFFFFFE50]  }
0x2bb: {  	v1 =	vadd.f32 v3, v1;
	v3 =	vld [tilespmem:s6+$0xA0]  }
0x2bc: {  	v6 =	vld [tilespmem:s6+$0xFFFFFE90]  }
0x2bd: {  	v1 =	vadd.f32 v5, v1;
	v5 =	vld [tilespmem:s6+$0xE0]  }
0x2be: {  	v7 =	vld [tilespmem:s6+$0xFFFFFED0];
	v0 =	vadd.f32 v2, v0  }
0x2bf: {  	v2 =	vld [tilespmem:s6+$0x120];
	v1 =	vadd.f32 v4, v1  }
0x2c0: {  	v4 =	vld [tilespmem:s6+$0xFFFFFF10];
	v0 =	vadd.f32 v3, v0  }
0x2c1: {  	v3 =	vld [tilespmem:s6+$0x160];
	v1 =	vadd.f32 v6, v1  }
0x2c2: {  	v6 =	vld [tilespmem:s6+$0xFFFFFF50];
	v0 =	vadd.f32 v5, v0  }
0x2c3: {  	v5 =	vld [tilespmem:s6+$0x1A0];
	v1 =	vadd.f32 v7, v1  }
0x2c4: {  	v7 =	vld [tilespmem:s6+$0xFFFFFF90];
	v0 =	vadd.f32 v2, v0  }
0x2c5: {  	v2 =	vld [tilespmem:s6+$0x1E0];
	v1 =	vadd.f32 v4, v1  }
0x2c6: {  	v4 =	vld [tilespmem:s6+$0xFFFFFFD0];
	v0 =	vadd.f32 v3, v0  }
0x2c7: {  	v3 =	vld [tilespmem:s6+$0x220];
	v1 =	vadd.f32 v6, v1  }
0x2c8: {  	v57 =	vld [tilespmem:s22+$0xFFFFFC00];
	v0 =	vadd.f32 v5, v0  }
0x2c9: {  	v5 =	vld [tilespmem:s6+$0x260];
	v1 =	vadd.f32 v7, v1  }
0x2ca: {  	v58 =	vld [tilespmem:s22+$0x3C0];
	v0 =	vadd.f32 v2, v0  }
0x2cb: {  	v2 =	vld [tilespmem:s6+$0x2A0];
	v1 =	vadd.f32 v4, v1  }
0x2cc: {  	v59 =	vld [tilespmem:s22+$0xFFFFFC40];
	v0 =	vadd.f32 v3, v0  }
0x2cd: {  	v3 =	vld [tilespmem:s6+$0x2E0];
	v1 =	vmul.f32 $5.000000070e-02, v1  }
0x2ce: {  	v60 =	vld [tilespmem:s22+$0x400];
	v0 =	vadd.f32 v5, v0  }
0x2cf: {  	[tilespmem:s21+$0xFFFFFFD0] =	vst v1;
	v1 =	vld [tilespmem:s6+$0x320]  }
0x2d0: {  	v61 =	vld [tilespmem:s22+$0xFFFFFC80];
	v0 =	vadd.f32 v2, v0  }
0x2d1: {  	v2 =	vld [tilespmem:s6+$0x360]  }
0x2d2: {  	v62 =	vld [tilespmem:s22+$0x440];
	v0 =	vadd.f32 v3, v0  }
0x2d3: {  	v3 =	vld [tilespmem:s6+$0x3A0]  }
0x2d4: {  	v63 =	vld [tilespmem:s22+$0xFFFFFCC0];
	v0 =	vadd.f32 v1, v0  }
0x2d5: {  	v1 =	vld [tilespmem:s6+$0x3E0]  }
0x2d6: {  	v40 =	vld [tilespmem:s22+$0x4C0];
	v0 =	vadd.f32 v2, v0  }
0x2d7: {  	v2 =	vld [tilespmem:s6+$0x420]  }
0x2d8: {  	v41 =	vld [tilespmem:s22+$0xFFFFFD40];
	v0 =	vadd.f32 v3, v0  }
0x2d9: {  	v3 =	vld [tilespmem:s6+$0x460]  }
0x2da: {  	v42 =	vld [tilespmem:s22+$0xFFFFFD80];
	v0 =	vadd.f32 v1, v0  }
0x2db: {  	v1 =	vld [tilespmem:s6+$0x4A0]  }
0x2dc: {  	v20 =	vld [tilespmem:s6+$0xFFFFFB20];
	v0 =	vadd.f32 v2, v0  }
0x2dd: {  	v2 =	vld [tilespmem:s6+$0x4E0]  }
0x2de: {  	v21 =	vld [tilespmem:s6+$0xFFFFFB60];
	v0 =	vadd.f32 v3, v0  }
0x2df: {  	v22 =	vld [tilespmem:s6+$0xFFFFFBA0]  }
0x2e0: {  	v23 =	vld [tilespmem:s6+$0xFFFFFBE0];
	v0 =	vadd.f32 v1, v0  }
0x2e1: {  	v24 =	vld [tilespmem:s6+$0xFFFFFC20]  }
0x2e2: {  	v25 =	vld [tilespmem:s6+$0xFFFFFC60];
	v0 =	vadd.f32 v2, v0  }
0x2e3: {  	v26 =	vld [tilespmem:s6+$0xFFFFFCA0]  }
0x2e4: {  	v27 =	vld [tilespmem:s6+$0xFFFFFCE0];
	v0 =	vmul.f32 $5.000000070e-02, v0  }
0x2e5: {  	v1 =	vld [tilespmem:s22+$0x40]  }
0x2e6: {  	[tilespmem:s21+$0x20] =	vst v0;
	v0 =	vld [tilespmem:s22+$0x0]  }
0x2e7: {  	v28 =	vld [tilespmem:s6+$0xFFFFFD20]  }
0x2e8: {  	v2 =	vld [tilespmem:s22+$0x80]  }
0x2e9: {  	v29 =	vld [tilespmem:s6+$0xFFFFFD60]  }
0x2ea: {  	v3 =	vld [tilespmem:s22+$0xC0]  }
0x2eb: {  	v30 =	vld [tilespmem:s6+$0xFFFFFDA0];
	v0 =	vadd.f32 v1, v0  }
0x2ec: {  	v1 =	vld [tilespmem:s22+$0x100]  }
0x2ed: {  	v31 =	vld [tilespmem:s6+$0xFFFFFDE0];
	v0 =	vadd.f32 v2, v0  }
0x2ee: {  	v2 =	vld [tilespmem:s22+$0x140]  }
0x2ef: {  	v32 =	vld [tilespmem:s6+$0xFFFFFE20];
	v0 =	vadd.f32 v3, v0  }
0x2f0: {  	v33 =	vld [tilespmem:s6+$0xFFFFFE60]  }
0x2f1: {  	v34 =	vld [tilespmem:s6+$0xFFFFFEA0];
	v0 =	vadd.f32 v1, v0  }
0x2f2: {  	v35 =	vld [tilespmem:s6+$0xFFFFFEE0];
	v20 =	vadd.f32 v21, v20  }
0x2f3: {  	v36 =	vld [tilespmem:s6+$0xFFFFFF20];
	v0 =	vadd.f32 v2, v0  }
0x2f4: {  	v37 =	vld [tilespmem:s6+$0xFFFFFF60];
	v1 =	vadd.f32 v22, v20  }
0x2f5: {  	v38 =	vld [tilespmem:s6+$0xFFFFFFA0];
	v0 =	vadd.f32 v43, v0  }
0x2f6: {  	v39 =	vld [tilespmem:s6+$0xFFFFFFE0];
	v22 =	vadd.f32 v23, v1  }
0x2f7: {  	v18 =	vld [tilespmem:s6+$0x30];
	v20 =	vadd.f32 v44, v0  }
0x2f8: {  	v19 =	vld [tilespmem:s6+$0x70];
	v46 =	vadd.f32 v24, v22  }
0x2f9: {  	v17 =	vld [tilespmem:s6+$0xB0];
	v20 =	vadd.f32 v45, v20  }
0x2fa: {  	v16 =	vld [tilespmem:s6+$0xF0];
	v21 =	vadd.f32 v25, v46  }
0x2fb: {  	v15 =	vld [tilespmem:s6+$0x130];
	v20 =	vadd.f32 v47, v20  }
0x2fc: {  	v14 =	vld [tilespmem:s6+$0x170];
	v21 =	vadd.f32 v26, v21  }
0x2fd: {  	v13 =	vld [tilespmem:s6+$0x1B0];
	v20 =	vadd.f32 v48, v20  }
0x2fe: {  	v12 =	vld [tilespmem:s6+$0x1F0];
	v21 =	vadd.f32 v27, v21  }
0x2ff: {  	v11 =	vld [tilespmem:s6+$0x230];
	v20 =	vadd.f32 v50, v20  }
0x300: {  	v10 =	vld [tilespmem:s6+$0x270];
	v21 =	vadd.f32 v28, v21  }
0x301: {  	v9 =	vld [tilespmem:s6+$0x2B0];
	v20 =	vadd.f32 v52, v20  }
0x302: {  	v8 =	vld [tilespmem:s6+$0x2F0];
	v25 =	vadd.f32 v49, v51;
	v21 =	vadd.f32 v29, v21  }
0x303: {  	v7 =	vld [tilespmem:s6+$0x330];
	v20 =	vadd.f32 v54, v20  }
0x304: {  	v6 =	vld [tilespmem:s6+$0x370];
	v25 =	vadd.f32 v53, v25;
	v21 =	vadd.f32 v30, v21  }
0x305: {  	v5 =	vld [tilespmem:s6+$0x3B0];
	v20 =	vadd.f32 v56, v20  }
0x306: {  	v4 =	vld [tilespmem:s6+$0x3F0];
	v25 =	vadd.f32 v55, v25;
	v21 =	vadd.f32 v31, v21  }
0x307: {  	v3 =	vld [tilespmem:s6+$0x430];
	v20 =	vadd.f32 v58, v20  }
0x308: {  	v25 =	vadd.f32 v57, v25;
	v21 =	vadd.f32 v32, v21;
	v32 =	vld [tilespmem:s22+$0x480]  }
0x309: {  	v2 =	vld [tilespmem:s6+$0x470];
	v20 =	vadd.f32 v60, v20  }
0x30a: {  	v1 =	vld [tilespmem:s6+$0x4B0];
	v25 =	vadd.f32 v59, v25  }
0x30b: {  	v43 =	vld [tilespmem:s22+$0xFFFFFDC0];
	v20 =	vadd.f32 v62, v20  }
0x30c: {  	v25 =	vadd.f32 v61, v25;
	v21 =	vadd.f32 v33, v21;
	v33 =	vld [tilespmem:s22+$0xFFFFFD00]  }
0x30d: {  	v0 =	vld [tilespmem:s6+$0x4F0];
	v20 =	vadd.f32 v32, v20  }
0x30e: {  	v44 =	vld [tilespmem:s22+$0xFFFFFE00];
	v25 =	vadd.f32 v63, v25  }
0x30f: {  	v46 =	vld [tilespmem:s22+$0xFFFFFE80];
	v21 =	vadd.f32 v34, v21;
	v20 =	vadd.f32 v40, v20  }
0x310: {  	v49 =	vld [tilespmem:s22+$0xFFFFFF00]  }
0x311: {  	v45 =	vld [tilespmem:s22+$0xFFFFFE40];
	v21 =	vadd.f32 v35, v21;
	v25 =	vadd.f32 v33, v25;
	v20 =	vmul.f32 $5.000000070e-02, v20  }
0x312: {  	s8 =	simm.s32 $0x145C0;
	v48 =	vld [tilespmem:s22+$0xFFFFFEC0]  }
0x313: {  	v50 =	vld [tilespmem:s22+$0xFFFFFF40];
	v21 =	vadd.f32 v36, v21;
	v47 =	vadd.f32 v41, v25;
	[tilespmem:s8+$0x0] =	vst v20  }
0x314: {  	v20 =	vld [tilespmem:s22+$0x10]  }
0x315: {  	v21 =	vadd.f32 v37, v21;
	v23 =	vadd.f32 v42, v47;
	v51 =	vld [tilespmem:s22+$0x50]  }
0x316: {  	v52 =	vld [tilespmem:s22+$0xFFFFFF80]  }
0x317: {  	v21 =	vadd.f32 v38, v21;
	v23 =	vadd.f32 v43, v23;
	v53 =	vld [tilespmem:s22+$0x90]  }
0x318: {  	v54 =	vld [tilespmem:s22+$0xFFFFFFC0]  }
0x319: {  	v21 =	vadd.f32 v39, v21;
	v22 =	vadd.f32 v44, v23;
	v56 =	vld [tilespmem:s22+$0xD0]  }
0x31a: {  	v57 =	vld [tilespmem:s22+$0x110];
	v20 =	vadd.f32 v51, v20  }
0x31b: {  	v58 =	vld [tilespmem:s22+$0x150];
	v21 =	vmul.f32 $5.000000070e-02, v21;
	v55 =	vadd.f32 v45, v22  }
0x31c: {  	v59 =	vld [tilespmem:s22+$0x190];
	v20 =	vadd.f32 v53, v20  }
0x31d: {  	v60 =	vld [tilespmem:s22+$0x1D0];
	[tilespmem:s21+$0xFFFFFFE0] =	vst v21;
	v21 =	vadd.f32 v46, v55  }
0x31e: {  	v61 =	vld [tilespmem:s22+$0x210];
	v20 =	vadd.f32 v56, v20  }
0x31f: {  	v63 =	vld [tilespmem:s22+$0x250];
	v21 =	vadd.f32 v48, v21  }
0x320: {  	v37 =	vld [tilespmem:s22+$0x290];
	v20 =	vadd.f32 v57, v20  }
0x321: {  	v38 =	vld [tilespmem:s22+$0x2D0];
	v21 =	vadd.f32 v49, v21  }
0x322: {  	v40 =	vld [tilespmem:s22+$0x310];
	v20 =	vadd.f32 v58, v20  }
0x323: {  	v42 =	vld [tilespmem:s22+$0x350];
	v21 =	vadd.f32 v50, v21  }
0x324: {  	v44 =	vld [tilespmem:s22+$0x390];
	v20 =	vadd.f32 v59, v20  }
0x325: {  	v24 =	vld [tilespmem:s6+$0xFFFFFB30];
	v21 =	vadd.f32 v52, v21  }
0x326: {  	v27 =	vld [tilespmem:s6+$0xFFFFFB70];
	v20 =	vadd.f32 v60, v20  }
0x327: {  	v26 =	vld [tilespmem:s6+$0xFFFFFBB0];
	v62 =	vadd.f32 v54, v21  }
0x328: {  	v25 =	vld [tilespmem:s6+$0xFFFFFBF0];
	v29 =	vadd.f32 v61, v20  }
0x329: {  	v23 =	vld [tilespmem:s6+$0xFFFFFC30];
	v36 =	vmul.f32 $5.000000070e-02, v62  }
0x32a: {  	v22 =	vld [tilespmem:s6+$0xFFFFFC70];
	v29 =	vadd.f32 v63, v29  }
0x32b: {  	v46 =	vld [tilespmem:s22+$0x3D0];
	[tilespmem:s8+$0xFFFFFFC0] =	vst v36  }
0x32c: {  	v39 =	vld [tilespmem:s22+$0xFFFFFB10];
	v29 =	vadd.f32 v37, v29  }
0x32d: {  	v41 =	vld [tilespmem:s22+$0xFFFFFB50]  }
0x32e: {  	v31 =	vld [tilespmem:s6+$0xFFFFFD30];
	v28 =	vadd.f32 v38, v29  }
0x32f: {  	v43 =	vld [tilespmem:s22+$0xFFFFFB90]  }
0x330: {  	v33 =	vld [tilespmem:s6+$0xFFFFFD70];
	v28 =	vadd.f32 v40, v28  }
0x331: {  	v45 =	vld [tilespmem:s22+$0xFFFFFBD0]  }
0x332: {  	v48 =	vld [tilespmem:s22+$0x410];
	v32 =	vadd.f32 v41, v39;
	v28 =	vadd.f32 v42, v28  }
0x333: {  	v47 =	vld [tilespmem:s22+$0xFFFFFC10]  }
0x334: {  	v50 =	vld [tilespmem:s22+$0x450];
	v32 =	vadd.f32 v43, v32;
	v28 =	vadd.f32 v44, v28  }
0x335: {  	v49 =	vld [tilespmem:s22+$0xFFFFFC50]  }
0x336: {  	v52 =	vld [tilespmem:s22+$0x490];
	v32 =	vadd.f32 v45, v32;
	v28 =	vadd.f32 v46, v28  }
0x337: {  	v51 =	vld [tilespmem:s22+$0xFFFFFC90]  }
0x338: {  	v54 =	vld [tilespmem:s22+$0x4D0];
	v32 =	vadd.f32 v47, v32;
	v28 =	vadd.f32 v48, v28  }
0x339: {  	v53 =	vld [tilespmem:s22+$0xFFFFFCD0]  }
0x33a: {  	v30 =	vld [tilespmem:s6+$0xFFFFFDB0];
	v32 =	vadd.f32 v49, v32;
	v28 =	vadd.f32 v50, v28  }
0x33b: {  	v55 =	vld [tilespmem:s22+$0xFFFFFD10]  }
0x33c: {  	v34 =	vld [tilespmem:s6+$0xFFFFFDF0];
	v32 =	vadd.f32 v51, v32;
	v28 =	vadd.f32 v52, v28  }
0x33d: {  	v56 =	vld [tilespmem:s22+$0xFFFFFD50]  }
0x33e: {  	v35 =	vld [tilespmem:s6+$0xFFFFFE30];
	v32 =	vadd.f32 v53, v32;
	v28 =	vadd.f32 v54, v28  }
0x33f: {  	v57 =	vld [tilespmem:s22+$0xFFFFFD90]  }
0x340: {  	v21 =	vld [tilespmem:s6+$0xFFFFFCB0];
	v32 =	vadd.f32 v55, v32;
	v28 =	vmul.f32 $5.000000070e-02, v28  }
0x341: {  	v58 =	vld [tilespmem:s22+$0xFFFFFDD0]  }
0x342: {  	v59 =	vld [tilespmem:s22+$0xFFFFFE10];
	v29 =	vadd.f32 v56, v32;
	[tilespmem:s8+$0x10] =	vst v28  }
0x343: {  	v28 =	vld [tilespmem:s22+$0x20]  }
0x344: {  	v29 =	vadd.f32 v57, v29;
	v42 =	vld [tilespmem:s22+$0x60]  }
0x345: {  	v60 =	vld [tilespmem:s22+$0xFFFFFE50]  }
0x346: {  	v29 =	vadd.f32 v58, v29;
	v44 =	vld [tilespmem:s22+$0xA0]  }
0x347: {  	v61 =	vld [tilespmem:s22+$0xFFFFFE90]  }
0x348: {  	v29 =	vadd.f32 v59, v29;
	v46 =	vld [tilespmem:s22+$0xE0]  }
0x349: {  	v62 =	vld [tilespmem:s22+$0xFFFFFED0];
	v28 =	vadd.f32 v42, v28  }
0x34a: {  	v48 =	vld [tilespmem:s22+$0x120];
	v29 =	vadd.f32 v60, v29  }
0x34b: {  	v63 =	vld [tilespmem:s22+$0xFFFFFF10];
	v28 =	vadd.f32 v44, v28  }
0x34c: {  	v18 =	vadd.f32 v19, v18;
	v49 =	vld [tilespmem:s22+$0x160];
	v29 =	vadd.f32 v61, v29  }
0x34d: {  	v43 =	vld [tilespmem:s22+$0xFFFFFF50];
	v28 =	vadd.f32 v46, v28  }
0x34e: {  	v17 =	vadd.f32 v17, v18;
	v50 =	vld [tilespmem:s22+$0x1A0];
	v29 =	vadd.f32 v62, v29  }
0x34f: {  	v45 =	vld [tilespmem:s22+$0xFFFFFF90];
	v28 =	vadd.f32 v48, v28  }
0x350: {  	v16 =	vadd.f32 v16, v17;
	v51 =	vld [tilespmem:s22+$0x1E0];
	v29 =	vadd.f32 v63, v29  }
0x351: {  	v47 =	vld [tilespmem:s22+$0xFFFFFFD0];
	v28 =	vadd.f32 v49, v28  }
0x352: {  	v15 =	vadd.f32 v15, v16;
	v52 =	vld [tilespmem:s22+$0x220];
	v29 =	vadd.f32 v43, v29  }
0x353: {  	v36 =	vld [tilespmem:s6+$0xFFFFFEB0];
	v28 =	vadd.f32 v50, v28  }
0x354: {  	v14 =	vadd.f32 v14, v15;
	v53 =	vld [tilespmem:s22+$0x260];
	v29 =	vadd.f32 v45, v29  }
0x355: {  	v20 =	vld [tilespmem:s6+$0xFFFFFCF0];
	v28 =	vadd.f32 v51, v28  }
0x356: {  	v13 =	vadd.f32 v13, v14;
	v54 =	vld [tilespmem:s22+$0x2A0];
	v29 =	vadd.f32 v47, v29  }
0x357: {  	v37 =	vld [tilespmem:s6+$0xFFFFFEF0];
	v28 =	vadd.f32 v52, v28  }
0x358: {  	v12 =	vadd.f32 v12, v13;
	v55 =	vld [tilespmem:s22+$0x2E0];
	v29 =	vmul.f32 $5.000000070e-02, v29  }
0x359: {  	v56 =	vld [tilespmem:s22+$0x320];
	v28 =	vadd.f32 v53, v28  }
0x35a: {  	v11 =	vadd.f32 v11, v12;
	v57 =	vld [tilespmem:s22+$0x360];
	[tilespmem:s8+$0xFFFFFFD0] =	vst v29  }
0x35b: {  	v29 =	vld [tilespmem:s22+$0xFFFFFB20];
	v28 =	vadd.f32 v54, v28  }
0x35c: {  	v10 =	vadd.f32 v10, v11;
	v58 =	vld [tilespmem:s22+$0xFFFFFB60]  }
0x35d: {  	v59 =	vld [tilespmem:s22+$0x3A0];
	v28 =	vadd.f32 v55, v28  }
0x35e: {  	v9 =	vadd.f32 v9, v10;
	v60 =	vld [tilespmem:s22+$0xFFFFFBA0]  }
0x35f: {  	v61 =	vld [tilespmem:s22+$0x3E0];
	v19 =	vadd.f32 v56, v28  }
0x360: {  	v8 =	vadd.f32 v8, v9;
	v62 =	vld [tilespmem:s22+$0xFFFFFBE0]  }
0x361: {  	v38 =	vld [tilespmem:s22+$0x420];
	v63 =	vadd.f32 v58, v29;
	v18 =	vadd.f32 v57, v19  }
0x362: {  	v7 =	vadd.f32 v7, v8;
	v24 =	vadd.f32 v27, v24;
	v39 =	vld [tilespmem:s22+$0xFFFFFC20]  }
0x363: {  	v41 =	vld [tilespmem:s22+$0x460];
	v40 =	vadd.f32 v60, v63;
	v17 =	vadd.f32 v59, v18  }
0x364: {  	v6 =	vadd.f32 v6, v7;
	v24 =	vadd.f32 v26, v24;
	v42 =	vld [tilespmem:s22+$0xFFFFFC60]  }
0x365: {  	v44 =	vld [tilespmem:s22+$0x4A0];
	v43 =	vadd.f32 v62, v40;
	v16 =	vadd.f32 v61, v17  }
0x366: {  	v5 =	vadd.f32 v5, v6;
	v45 =	vadd.f32 v25, v24;
	v46 =	vld [tilespmem:s22+$0xFFFFFCA0]  }
0x367: {  	v48 =	vld [tilespmem:s22+$0x4E0];
	v47 =	vadd.f32 v39, v43;
	v16 =	vadd.f32 v38, v16  }
0x368: {  	v4 =	vadd.f32 v4, v5;
	v49 =	vadd.f32 v23, v45;
	v50 =	vld [tilespmem:s22+$0xFFFFFCE0]  }
0x369: {  	v32 =	vld [tilespmem:s6+$0xFFFFFE70];
	v11 =	vadd.f32 v42, v47;
	v15 =	vadd.f32 v41, v16  }
0x36a: {  	v4 =	vadd.f32 v3, v4;
	v51 =	vld [tilespmem:s22+$0xFFFFFD20];
	v52 =	vadd.f32 v22, v49  }
0x36b: {  	v3 =	vld [tilespmem:s22+$0xFFFFFFA0];
	v10 =	vadd.f32 v46, v11;
	v14 =	vadd.f32 v44, v15  }
0x36c: {  	v4 =	vadd.f32 v2, v4;
	v53 =	vld [tilespmem:s22+$0xFFFFFD60];
	v17 =	vadd.f32 v21, v52  }
0x36d: {  	v2 =	vld [tilespmem:s22+$0xFFFFFFE0];
	v9 =	vadd.f32 v50, v10;
	v13 =	vadd.f32 v48, v14  }
0x36e: {  	v11 =	vld [tilespmem:s22+$0xFFFFFDA0];
	v55 =	vadd.f32 v20, v17  }
0x36f: {  	v54 =	vld [tilespmem:s22+$0xFFFFFDE0];
	v8 =	vadd.f32 v51, v9;
	v13 =	vmul.f32 $5.000000070e-02, v13  }
0x370: {  	v58 =	vld [tilespmem:s22+$0xFFFFFEE0];
	v57 =	vadd.f32 v31, v55  }
0x371: {  	v10 =	vld [tilespmem:s22+$0xFFFFFE20];
	v7 =	vadd.f32 v53, v8;
	[tilespmem:s8+$0x20] =	vst v13  }
0x372: {  	v12 =	vadd.f32 v33, v57;
	v8 =	vld [tilespmem:s22+$0x30]  }
0x373: {  	v6 =	vadd.f32 v11, v7;
	v59 =	vld [tilespmem:s22+$0x70]  }
0x374: {  	v56 =	vld [tilespmem:s22+$0xFFFFFE60];
	v11 =	vadd.f32 v30, v12  }
0x375: {  	v5 =	vadd.f32 v54, v6;
	v60 =	vld [tilespmem:s22+$0xB0]  }
0x376: {  	v9 =	vld [tilespmem:s22+$0xFFFFFEA0];
	v6 =	vadd.f32 v34, v11  }
0x377: {  	v11 =	vld [tilespmem:s22+$0xF0];
	v5 =	vadd.f32 v10, v5  }
0x378: {  	v61 =	vld [tilespmem:s22+$0xFFFFFF60];
	v6 =	vadd.f32 v35, v6;
	v8 =	vadd.f32 v59, v8  }
0x379: {  	v10 =	vld [tilespmem:s22+$0x130];
	v5 =	vadd.f32 v56, v5  }
0x37a: {  	v7 =	vld [tilespmem:s22+$0xFFFFFF20];
	v6 =	vadd.f32 v32, v6;
	v8 =	vadd.f32 v60, v8  }
0x37b: {  	v1 =	vadd.f32 v1, v4;
	v62 =	vld [tilespmem:s22+$0x170];
	v4 =	vadd.f32 v9, v5  }
0x37c: {  	v9 =	vld [tilespmem:s6+$0xFFFFFF30];
	v5 =	vadd.f32 v36, v6;
	v6 =	vadd.f32 v11, v8  }
0x37d: {  	v1 =	vadd.f32 v0, v1;
	v8 =	vld [tilespmem:s22+$0x1B0]  }
0x37e: {  	v0 =	vadd.f32 v58, v4;
	v4 =	vld [tilespmem:s6+$0xFFFFFF70];
	v6 =	vadd.f32 v10, v6  }
0x37f: {  	v11 =	vadd.f32 v37, v5;
	v5 =	vld [tilespmem:s22+$0x1F0]  }
0x380: {  	v7 =	vadd.f32 v7, v0;
	v0 =	vld [tilespmem:s6+$0xFFFFFFB0];
	v10 =	vadd.f32 v62, v6  }
0x381: {  	v63 =	vmul.f32 $5.000000070e-02, v1;
	v11 =	vadd.f32 v9, v11;
	v6 =	vld [tilespmem:s22+$0x230]  }
0x382: {  	v1 =	vld [tilespmem:s6+$0xFFFFFFF0];
	v9 =	vadd.f32 v61, v7;
	v8 =	vadd.f32 v8, v10  }
0x383: {  	s12 =	simm.s32 $0x2;
	[tilespmem:s21+$0x30] =	vst v63;
	s6 =	simm.s32 $0xBE00;
	v7 =	vld [tilespmem:s22+$0x270];
	v4 =	vadd.f32 v4, v11  }
.LBB2_5:
0x384: {  	v10 =	vld [tilespmem:s6+$0x0];
	v3 =	vadd.f32 v3, v9;
	v5 =	vadd.f32 v5, v8  }
0x385: {  	v8 =	vld [tilespmem:s22+$0x2B0];
	v0 =	vadd.f32 v0, v4  }
0x386: {  	v4 =	vld [tilespmem:s6+$0x40];
	v2 =	vadd.f32 v2, v3;
	v3 =	vadd.f32 v6, v5  }
0x387: {  	v5 =	vld [tilespmem:s22+$0x2F0];
	v0 =	vadd.f32 v1, v0  }
0x388: {  	v1 =	vld [tilespmem:s6+$0x80];
	v2 =	vmul.f32 $5.000000070e-02, v2;
	v3 =	vadd.f32 v7, v3  }
0x389: {  	s12 =	sadd.s32 $0x2, s12;
	v6 =	vld [tilespmem:s22+$0x330];
	v0 =	vmul.f32 $5.000000070e-02, v0  }
0x38a: {  	p1 =	slt.u32 s12, $0x1E;
	v7 =	vld [tilespmem:s6+$0xC0];
	[tilespmem:s8+$0xFFFFFFE0] =	vst v2;
	v2 =	vadd.f32 v8, v3  }
0x38b: {  	v3 =	vadd.f32 v4, v10;
	v4 =	vld [tilespmem:s22+$0x370];
	[tilespmem:s21+$0xFFFFFFF0] =	vst v0;
	s21 =	smov.u32 s8  }
0x38c: {  	v0 =	vld [tilespmem:s6+$0x100];
	v2 =	vadd.f32 v5, v2  }
0x38d: {  	v1 =	vadd.f32 v1, v3;
	v3 =	vld [tilespmem:s22+$0x3B0]  }
0x38e: {  	v5 =	vld [tilespmem:s6+$0x140];
	v2 =	vadd.f32 v6, v2  }
0x38f: {  	v1 =	vadd.f32 v7, v1;
	v6 =	vld [tilespmem:s22+$0x3F0]  }
0x390: {  	v7 =	vld [tilespmem:s6+$0x180];
	v2 =	vadd.f32 v4, v2  }
0x391: {  	v0 =	vadd.f32 v0, v1;
	v1 =	vld [tilespmem:s22+$0x430]  }
0x392: {  	v4 =	vld [tilespmem:s6+$0x1C0];
	v2 =	vadd.f32 v3, v2  }
0x393: {  	v0 =	vadd.f32 v5, v0;
	v3 =	vld [tilespmem:s22+$0x470]  }
0x394: {  	v5 =	vld [tilespmem:s6+$0x200];
	v2 =	vadd.f32 v6, v2  }
0x395: {  	v0 =	vadd.f32 v7, v0;
	v6 =	vld [tilespmem:s22+$0x4B0]  }
0x396: {  	v7 =	vld [tilespmem:s6+$0x240];
	v1 =	vadd.f32 v1, v2  }
0x397: {  	v0 =	vadd.f32 v4, v0;
	v2 =	vld [tilespmem:s22+$0x4F0]  }
0x398: {  	v4 =	vld [tilespmem:s6+$0x280];
	v1 =	vadd.f32 v3, v1  }
0x399: {  	v3 =	vld [tilespmem:s6+$0xFFFFFB40];
	v0 =	vadd.f32 v5, v0  }
0x39a: {  	v5 =	vld [tilespmem:s6+$0x2C0];
	v1 =	vadd.f32 v6, v1  }
0x39b: {  	v6 =	vld [tilespmem:s6+$0xFFFFFB00];
	v0 =	vadd.f32 v7, v0  }
0x39c: {  	v7 =	vld [tilespmem:s6+$0x300];
	v1 =	vadd.f32 v2, v1  }
0x39d: {  	v2 =	vld [tilespmem:s6+$0xFFFFFB80];
	v0 =	vadd.f32 v4, v0  }
0x39e: {  	v4 =	vld [tilespmem:s6+$0x340];
	v1 =	vmul.f32 $5.000000070e-02, v1  }
0x39f: {  	v8 =	vld [tilespmem:s6+$0xFFFFFBC0];
	v0 =	vadd.f32 v5, v0  }
0x3a0: {  	v3 =	vadd.f32 v3, v6;
	v5 =	vld [tilespmem:s6+$0x380];
	[tilespmem:s8+$0x30] =	vst v1  }
0x3a1: {  	v1 =	vld [tilespmem:s6+$0xFFFFFC00];
	v0 =	vadd.f32 v7, v0  }
0x3a2: {  	v2 =	vadd.f32 v2, v3;
	v3 =	vld [tilespmem:s6+$0x3C0]  }
0x3a3: {  	v6 =	vld [tilespmem:s6+$0xFFFFFC40];
	v0 =	vadd.f32 v4, v0  }
0x3a4: {  	v2 =	vadd.f32 v8, v2;
	v4 =	vld [tilespmem:s6+$0x400]  }
0x3a5: {  	v7 =	vld [tilespmem:s6+$0xFFFFFC80];
	v0 =	vadd.f32 v5, v0  }
0x3a6: {  	v1 =	vadd.f32 v1, v2;
	v2 =	vld [tilespmem:s6+$0x440]  }
0x3a7: {  	v5 =	vld [tilespmem:s6+$0xFFFFFCC0];
	v0 =	vadd.f32 v3, v0  }
0x3a8: {  	v1 =	vadd.f32 v6, v1;
	v3 =	vld [tilespmem:s6+$0x480]  }
0x3a9: {  	v6 =	vld [tilespmem:s6+$0xFFFFFD00];
	v0 =	vadd.f32 v4, v0  }
0x3aa: {  	v1 =	vadd.f32 v7, v1;
	v4 =	vld [tilespmem:s6+$0x4C0]  }
0x3ab: {  	v7 =	vld [tilespmem:s6+$0xFFFFFD40];
	v0 =	vadd.f32 v2, v0  }
0x3ac: {  	v1 =	vadd.f32 v5, v1;
	v2 =	vld [tilespmem:s6+$0xFFFFFD80]  }
0x3ad: {  	v5 =	vld [tilespmem:s6+$0xFFFFFDC0];
	v0 =	vadd.f32 v3, v0  }
0x3ae: {  	v1 =	vadd.f32 v6, v1;
	v3 =	vld [tilespmem:s6+$0xFFFFFE00]  }
0x3af: {  	v6 =	vld [tilespmem:s6+$0xFFFFFE40];
	v0 =	vadd.f32 v4, v0  }
0x3b0: {  	v1 =	vadd.f32 v7, v1;
	v4 =	vld [tilespmem:s6+$0xFFFFFE80]  }
0x3b1: {  	v7 =	vld [tilespmem:s6+$0xFFFFFEC0];
	v0 =	vmul.f32 $5.000000070e-02, v0  }
0x3b2: {  	s8 =	sadd.s32 $0x80, s8;
	v1 =	vadd.f32 v2, v1;
	v2 =	vld [tilespmem:s6+$0xFFFFFF00]  }
0x3b3: {  	v8 =	vld [tilespmem:s6+$0xFFFFFF40];
	[tilespmem:s8+$0x0] =	vst v0  }
0x3b4: {  	v0 =	vadd.f32 v5, v1;
	v1 =	vld [tilespmem:s6+$0x10]  }
0x3b5: {  	v5 =	vld [tilespmem:s6+$0x50]  }
0x3b6: {  	v0 =	vadd.f32 v3, v0;
	v3 =	vld [tilespmem:s6+$0xFFFFFF80]  }
0x3b7: {  	v9 =	vld [tilespmem:s6+$0x90]  }
0x3b8: {  	v0 =	vadd.f32 v6, v0;
	v6 =	vld [tilespmem:s6+$0xFFFFFFC0]  }
0x3b9: {  	v10 =	vld [tilespmem:s6+$0xD0]  }
0x3ba: {  	v0 =	vadd.f32 v4, v0;
	v1 =	vadd.f32 v5, v1;
	v4 =	vld [tilespmem:s22+$0xFFFFFB30]  }
0x3bb: {  	v5 =	vld [tilespmem:s6+$0x110]  }
0x3bc: {  	v0 =	vadd.f32 v7, v0;
	v1 =	vadd.f32 v9, v1;
	v7 =	vld [tilespmem:s22+$0xFFFFFB70]  }
0x3bd: {  	v9 =	vld [tilespmem:s6+$0x150]  }
0x3be: {  	v0 =	vadd.f32 v2, v0;
	v1 =	vadd.f32 v10, v1;
	v2 =	vld [tilespmem:s22+$0xFFFFFBB0]  }
0x3bf: {  	v10 =	vld [tilespmem:s6+$0x190]  }
0x3c0: {  	v0 =	vadd.f32 v8, v0;
	v1 =	vadd.f32 v5, v1;
	v5 =	vld [tilespmem:s22+$0xFFFFFBF0]  }
0x3c1: {  	v8 =	vld [tilespmem:s6+$0x1D0];
	v4 =	vadd.f32 v7, v4  }
0x3c2: {  	v0 =	vadd.f32 v3, v0;
	v1 =	vadd.f32 v9, v1;
	v3 =	vld [tilespmem:s22+$0xFFFFFC30]  }
0x3c3: {  	v7 =	vld [tilespmem:s6+$0x210];
	v2 =	vadd.f32 v2, v4  }
0x3c4: {  	v0 =	vadd.f32 v6, v0;
	v1 =	vadd.f32 v10, v1;
	v4 =	vld [tilespmem:s22+$0xFFFFFC70]  }
0x3c5: {  	v6 =	vld [tilespmem:s6+$0x250];
	v2 =	vadd.f32 v5, v2  }
0x3c6: {  	v0 =	vmul.f32 $5.000000070e-02, v0;
	v1 =	vadd.f32 v8, v1;
	v5 =	vld [tilespmem:s22+$0xFFFFFCB0]  }
0x3c7: {  	v8 =	vld [tilespmem:s6+$0x290];
	v2 =	vadd.f32 v3, v2  }
0x3c8: {  	[tilespmem:s8+$0xFFFFFFC0] =	vst v0;
	v0 =	vadd.f32 v7, v1;
	v1 =	vld [tilespmem:s22+$0xFFFFFCF0]  }
0x3c9: {  	v3 =	vld [tilespmem:s6+$0x2D0];
	v2 =	vadd.f32 v4, v2  }
0x3ca: {  	v4 =	vld [tilespmem:s6+$0xFFFFFB10];
	v0 =	vadd.f32 v6, v0  }
0x3cb: {  	v6 =	vld [tilespmem:s6+$0x310];
	v2 =	vadd.f32 v5, v2  }
0x3cc: {  	v5 =	vld [tilespmem:s6+$0xFFFFFB50];
	v0 =	vadd.f32 v8, v0  }
0x3cd: {  	v7 =	vld [tilespmem:s6+$0x350];
	v1 =	vadd.f32 v1, v2  }
0x3ce: {  	v2 =	vld [tilespmem:s6+$0xFFFFFB90];
	v0 =	vadd.f32 v3, v0  }
0x3cf: {  	v3 =	vld [tilespmem:s6+$0x390]  }
0x3d0: {  	v8 =	vld [tilespmem:s6+$0xFFFFFBD0];
	v0 =	vadd.f32 v6, v0  }
0x3d1: {  	v4 =	vadd.f32 v5, v4;
	v5 =	vld [tilespmem:s6+$0x3D0]  }
0x3d2: {  	v6 =	vld [tilespmem:s6+$0xFFFFFC10];
	v0 =	vadd.f32 v7, v0  }
0x3d3: {  	v2 =	vadd.f32 v2, v4;
	v4 =	vld [tilespmem:s6+$0x410]  }
0x3d4: {  	v7 =	vld [tilespmem:s6+$0xFFFFFC50];
	v0 =	vadd.f32 v3, v0  }
0x3d5: {  	v2 =	vadd.f32 v8, v2;
	v3 =	vld [tilespmem:s6+$0x450]  }
0x3d6: {  	v8 =	vld [tilespmem:s6+$0xFFFFFC90];
	v0 =	vadd.f32 v5, v0  }
0x3d7: {  	v2 =	vadd.f32 v6, v2;
	v5 =	vld [tilespmem:s6+$0x490]  }
0x3d8: {  	v6 =	vld [tilespmem:s6+$0xFFFFFCD0];
	v0 =	vadd.f32 v4, v0  }
0x3d9: {  	v2 =	vadd.f32 v7, v2;
	v4 =	vld [tilespmem:s6+$0x4D0]  }
0x3da: {  	v7 =	vld [tilespmem:s6+$0xFFFFFD10];
	v0 =	vadd.f32 v3, v0  }
0x3db: {  	v2 =	vadd.f32 v8, v2;
	v3 =	vld [tilespmem:s6+$0xFFFFFD50]  }
0x3dc: {  	v8 =	vld [tilespmem:s6+$0xFFFFFD90];
	v0 =	vadd.f32 v5, v0  }
0x3dd: {  	v2 =	vadd.f32 v6, v2;
	v5 =	vld [tilespmem:s6+$0xFFFFFDD0]  }
0x3de: {  	v6 =	vld [tilespmem:s6+$0xFFFFFE10];
	v0 =	vadd.f32 v4, v0  }
0x3df: {  	v2 =	vadd.f32 v7, v2;
	v4 =	vld [tilespmem:s6+$0xFFFFFE50]  }
0x3e0: {  	v7 =	vld [tilespmem:s6+$0xFFFFFE90];
	v0 =	vmul.f32 $5.000000070e-02, v0  }
0x3e1: {  	v2 =	vadd.f32 v3, v2;
	v3 =	vld [tilespmem:s6+$0xFFFFFED0]  }
0x3e2: {  	v9 =	vld [tilespmem:s6+$0xFFFFFF10];
	[tilespmem:s8+$0x10] =	vst v0  }
0x3e3: {  	v0 =	vadd.f32 v8, v2;
	v2 =	vld [tilespmem:s6+$0x20]  }
0x3e4: {  	v8 =	vld [tilespmem:s6+$0x60]  }
0x3e5: {  	v0 =	vadd.f32 v5, v0;
	v5 =	vld [tilespmem:s6+$0xFFFFFF50]  }
0x3e6: {  	v10 =	vld [tilespmem:s6+$0xA0]  }
0x3e7: {  	v0 =	vadd.f32 v6, v0;
	v6 =	vld [tilespmem:s6+$0xFFFFFF90]  }
0x3e8: {  	v11 =	vld [tilespmem:s6+$0xE0]  }
0x3e9: {  	v0 =	vadd.f32 v4, v0;
	v4 =	vld [tilespmem:s6+$0xFFFFFFD0];
	v2 =	vadd.f32 v8, v2  }
0x3ea: {  	v8 =	vld [tilespmem:s6+$0x120]  }
0x3eb: {  	v0 =	vadd.f32 v7, v0;
	v2 =	vadd.f32 v10, v2;
	v7 =	vld [tilespmem:s22+$0xFFFFFD30]  }
0x3ec: {  	v10 =	vld [tilespmem:s6+$0x160]  }
0x3ed: {  	v0 =	vadd.f32 v3, v0;
	v2 =	vadd.f32 v11, v2;
	v3 =	vld [tilespmem:s22+$0xFFFFFD70]  }
0x3ee: {  	v11 =	vld [tilespmem:s6+$0x1A0]  }
0x3ef: {  	v0 =	vadd.f32 v9, v0;
	v2 =	vadd.f32 v8, v2;
	v8 =	vld [tilespmem:s22+$0xFFFFFDB0]  }
0x3f0: {  	v9 =	vld [tilespmem:s6+$0x1E0];
	v1 =	vadd.f32 v7, v1  }
0x3f1: {  	v0 =	vadd.f32 v5, v0;
	v2 =	vadd.f32 v10, v2;
	v5 =	vld [tilespmem:s22+$0xFFFFFDF0]  }
0x3f2: {  	v7 =	vld [tilespmem:s6+$0x220];
	v1 =	vadd.f32 v3, v1  }
0x3f3: {  	v0 =	vadd.f32 v6, v0;
	v2 =	vadd.f32 v11, v2;
	v3 =	vld [tilespmem:s22+$0xFFFFFE30]  }
0x3f4: {  	v6 =	vld [tilespmem:s6+$0x260];
	v1 =	vadd.f32 v8, v1  }
0x3f5: {  	v0 =	vadd.f32 v4, v0;
	v2 =	vadd.f32 v9, v2;
	v4 =	vld [tilespmem:s22+$0xFFFFFE70]  }
0x3f6: {  	v8 =	vld [tilespmem:s6+$0x2A0];
	v1 =	vadd.f32 v5, v1  }
0x3f7: {  	v0 =	vmul.f32 $5.000000070e-02, v0;
	v2 =	vadd.f32 v7, v2;
	v5 =	vld [tilespmem:s22+$0xFFFFFEB0]  }
0x3f8: {  	v7 =	vld [tilespmem:s6+$0x2E0];
	v1 =	vadd.f32 v3, v1  }
0x3f9: {  	[tilespmem:s8+$0xFFFFFFD0] =	vst v0;
	v0 =	vadd.f32 v6, v2;
	v2 =	vld [tilespmem:s22+$0xFFFFFEF0]  }
0x3fa: {  	v3 =	vld [tilespmem:s6+$0x320];
	v1 =	vadd.f32 v4, v1  }
0x3fb: {  	v4 =	vld [tilespmem:s6+$0xFFFFFB20];
	v0 =	vadd.f32 v8, v0  }
0x3fc: {  	v6 =	vld [tilespmem:s6+$0x360];
	v1 =	vadd.f32 v5, v1  }
0x3fd: {  	v5 =	vld [tilespmem:s6+$0xFFFFFB60];
	v0 =	vadd.f32 v7, v0  }
0x3fe: {  	v7 =	vld [tilespmem:s6+$0x3A0];
	v1 =	vadd.f32 v2, v1  }
0x3ff: {  	v2 =	vld [tilespmem:s6+$0xFFFFFBA0];
	v0 =	vadd.f32 v3, v0  }
0x400: {  	v3 =	vld [tilespmem:s6+$0x3E0]  }
0x401: {  	v8 =	vld [tilespmem:s6+$0xFFFFFBE0];
	v0 =	vadd.f32 v6, v0  }
0x402: {  	v4 =	vadd.f32 v5, v4;
	v5 =	vld [tilespmem:s6+$0x420]  }
0x403: {  	v6 =	vld [tilespmem:s6+$0xFFFFFC20];
	v0 =	vadd.f32 v7, v0  }
0x404: {  	v2 =	vadd.f32 v2, v4;
	v4 =	vld [tilespmem:s6+$0x460]  }
0x405: {  	v7 =	vld [tilespmem:s6+$0xFFFFFC60];
	v0 =	vadd.f32 v3, v0  }
0x406: {  	v2 =	vadd.f32 v8, v2;
	v3 =	vld [tilespmem:s6+$0x4A0]  }
0x407: {  	v8 =	vld [tilespmem:s6+$0xFFFFFCA0];
	v0 =	vadd.f32 v5, v0  }
0x408: {  	v2 =	vadd.f32 v6, v2;
	v5 =	vld [tilespmem:s6+$0x4E0]  }
0x409: {  	v6 =	vld [tilespmem:s6+$0xFFFFFCE0];
	v0 =	vadd.f32 v4, v0  }
0x40a: {  	v2 =	vadd.f32 v7, v2;
	v4 =	vld [tilespmem:s6+$0xFFFFFD20]  }
0x40b: {  	v7 =	vld [tilespmem:s6+$0xFFFFFD60];
	v0 =	vadd.f32 v3, v0  }
0x40c: {  	v2 =	vadd.f32 v8, v2;
	v3 =	vld [tilespmem:s6+$0xFFFFFDA0]  }
0x40d: {  	v8 =	vld [tilespmem:s6+$0xFFFFFDE0];
	v0 =	vadd.f32 v5, v0  }
0x40e: {  	v2 =	vadd.f32 v6, v2;
	v5 =	vld [tilespmem:s6+$0xFFFFFE20]  }
0x40f: {  	v6 =	vld [tilespmem:s6+$0xFFFFFE60];
	v0 =	vmul.f32 $5.000000070e-02, v0  }
0x410: {  	v2 =	vadd.f32 v4, v2;
	v4 =	vld [tilespmem:s6+$0xFFFFFEA0]  }
0x411: {  	v9 =	vld [tilespmem:s6+$0xFFFFFEE0];
	[tilespmem:s8+$0x20] =	vst v0  }
0x412: {  	v0 =	vadd.f32 v7, v2;
	v2 =	vld [tilespmem:s6+$0x30]  }
0x413: {  	v7 =	vld [tilespmem:s6+$0x70]  }
0x414: {  	v0 =	vadd.f32 v3, v0;
	v10 =	vld [tilespmem:s6+$0xFFFFFF20]  }
0x415: {  	v11 =	vld [tilespmem:s6+$0xB0]  }
0x416: {  	v0 =	vadd.f32 v8, v0;
	v8 =	vld [tilespmem:s6+$0xFFFFFF60]  }
0x417: {  	v12 =	vld [tilespmem:s6+$0xF0]  }
0x418: {  	v0 =	vadd.f32 v5, v0;
	v3 =	vld [tilespmem:s6+$0xFFFFFFA0];
	v5 =	vadd.f32 v7, v2  }
0x419: {  	v7 =	vld [tilespmem:s6+$0x130]  }
0x41a: {  	v0 =	vadd.f32 v6, v0;
	v2 =	vld [tilespmem:s6+$0xFFFFFFE0];
	v5 =	vadd.f32 v11, v5  }
0x41b: {  	v6 =	vld [tilespmem:s6+$0x170]  }
0x41c: {  	v0 =	vadd.f32 v4, v0;
	v4 =	vadd.f32 v12, v5;
	v11 =	vld [tilespmem:s22+$0xFFFFFF30]  }
0x41d: {  	v12 =	vld [tilespmem:s6+$0x1B0]  }
0x41e: {  	v0 =	vadd.f32 v9, v0;
	v4 =	vadd.f32 v7, v4;
	v13 =	vld [tilespmem:s22+$0xFFFFFF70]  }
.Ltmp3:
0x41f: {  	v5 =	vld [tilespmem:s6+$0x1F0];
	(pc) =	sbr.rel @p1 .LBB2_5-.Ltmp3, $4  }
0x420: {  	v7 =	vadd.f32 v10, v0;
	v4 =	vadd.f32 v6, v4;
	v0 =	vld [tilespmem:s22+$0xFFFFFFB0]  }
0x421: {  	v6 =	vld [tilespmem:s6+$0x230];
	v10 =	vadd.f32 v11, v1  }
0x422: {  	v9 =	vadd.f32 v8, v7;
	v8 =	vadd.f32 v12, v4;
	v1 =	vld [tilespmem:s22+$0xFFFFFFF0];
	s22 =	smov.u32 s6  }
0x423: {  	s6 =	sadd.s32 $0xA00, s6;
	v7 =	vld [tilespmem:s22+$0x270];
	v4 =	vadd.f32 v13, v10  }
0x424: {  	v3 =	vadd.f32 v3, v9;
	_ =	sdelay $0x1  }
0x425: {  	v2 =	vadd.f32 v2, v3;
	_ =	sdelay $0x1  }
0x426: {  	v2 =	vmul.f32 $5.000000070e-02, v2;
	_ =	sdelay $0x1  }
0x427: {  	[tilespmem:s8+$0xFFFFFFE0] =	vst v2  }
0x428: {  	v2 =	vld [tilespmem:s22+$0xFFFFFB30]  }
0x429: {  	v33 =	vld [tilespmem:s22+$0xFFFFFB70];
	_ =	sdelay $0x1  }
0x42a: {  	v34 =	vld [tilespmem:s22+$0xFFFFFBB0];
	_ =	sdelay $0x1  }
0x42b: {  	v10 =	vld [tilespmem:s22+$0xFFFFFBF0]  }
0x42c: {  	v2 =	vadd.f32 v33, v2  }
0x42d: {  	v35 =	vld [tilespmem:s22+$0xFFFFFC30]  }
0x42e: {  	v2 =	vadd.f32 v34, v2  }
0x42f: {  	v36 =	vld [tilespmem:s22+$0xFFFFFC70]  }
0x430: {  	v2 =	vadd.f32 v10, v2  }
0x431: {  	v37 =	vld [tilespmem:s22+$0xFFFFFCB0]  }
0x432: {  	v2 =	vadd.f32 v35, v2  }
0x433: {  	v38 =	vld [tilespmem:s22+$0xFFFFFCF0]  }
0x434: {  	v2 =	vadd.f32 v36, v2  }
0x435: {  	v39 =	vld [tilespmem:s22+$0xFFFFFD30]  }
0x436: {  	v2 =	vadd.f32 v37, v2  }
0x437: {  	v5 =	vadd.f32 v5, v8;
	v40 =	vld [tilespmem:s22+$0xFFFFFD70]  }
0x438: {  	v41 =	vld [tilespmem:s22+$0x2B0];
	v2 =	vadd.f32 v38, v2  }
0x439: {  	v5 =	vadd.f32 v6, v5;
	v42 =	vld [tilespmem:s22+$0xFFFFFDB0]  }
0x43a: {  	v43 =	vld [tilespmem:s22+$0x2F0];
	v2 =	vadd.f32 v39, v2  }
0x43b: {  	v5 =	vadd.f32 v7, v5;
	v44 =	vld [tilespmem:s22+$0xFFFFFDF0]  }
0x43c: {  	v45 =	vld [tilespmem:s22+$0x330];
	v2 =	vadd.f32 v40, v2  }
0x43d: {  	v3 =	vadd.f32 v41, v5;
	v46 =	vld [tilespmem:s22+$0xFFFFFE30]  }
0x43e: {  	v47 =	vld [tilespmem:s22+$0x370];
	v2 =	vadd.f32 v42, v2  }
0x43f: {  	v48 =	vld [tilespmem:s22+$0xFFFFFE70];
	v3 =	vadd.f32 v43, v3  }
0x440: {  	v49 =	vld [tilespmem:s22+$0x3B0];
	v2 =	vadd.f32 v44, v2  }
0x441: {  	v50 =	vld [tilespmem:s22+$0xFFFFFEB0];
	v3 =	vadd.f32 v45, v3  }
0x442: {  	v51 =	vld [tilespmem:s22+$0x3F0];
	v2 =	vadd.f32 v46, v2  }
0x443: {  	v52 =	vld [tilespmem:s22+$0xFFFFFEF0];
	v3 =	vadd.f32 v47, v3  }
0x444: {  	v53 =	vld [tilespmem:s22+$0x430];
	v2 =	vadd.f32 v48, v2  }
0x445: {  	v54 =	vld [tilespmem:s22+$0xFFFFFF30];
	v3 =	vadd.f32 v49, v3  }
0x446: {  	v55 =	vld [tilespmem:s22+$0x470];
	v2 =	vadd.f32 v50, v2  }
0x447: {  	v56 =	vld [tilespmem:s22+$0xFFFFFF70];
	v3 =	vadd.f32 v51, v3  }
0x448: {  	v57 =	vld [tilespmem:s22+$0x4B0];
	v2 =	vadd.f32 v52, v2  }
0x449: {  	v58 =	vld [tilespmem:s22+$0xFFFFFFB0];
	v3 =	vadd.f32 v53, v3  }
0x44a: {  	v59 =	vld [tilespmem:s22+$0x4F0];
	v2 =	vadd.f32 v54, v2  }
0x44b: {  	v60 =	vld [tilespmem:s22+$0xFFFFFFF0];
	v3 =	vadd.f32 v55, v3  }
0x44c: {  	v0 =	vadd.f32 v0, v4;
	v2 =	vadd.f32 v56, v2  }
0x44d: {  	v3 =	vadd.f32 v57, v3  }
0x44e: {  	v0 =	vadd.f32 v1, v0;
	v61 =	vadd.f32 v58, v2  }
0x44f: {  	v62 =	vadd.f32 v59, v3  }
0x450: {  	s6 =	sadd.s32 s20, s7;
	v0 =	vmul.f32 $5.000000070e-02, v0;
	v1 =	vadd.f32 v60, v61  }
0x451: {  	s6 =	sshll.u32 s6, $0x3;
	v2 =	vmul.f32 $5.000000070e-02, v62  }
0x452: {  	s6 =	sadd.s32 $0x100, s6;
	[tilespmem:s21+$0xFFFFFFF0] =	vst v0;
	v63 =	vmul.f32 $5.000000070e-02, v1  }
0x453: {  	s6 =	sand.u32 $0x1FFFFF00, s6;
	[tilespmem:s8+$0x30] =	vst v2  }
.Ltmp4:
0x454: {  	s6 =	sadd.s32 s2, s6;
	[tilespmem:s8+$0xFFFFFFF0] =	vst v63;
	(pc) =	sbr.rel @p0 .LBB2_8-.Ltmp4, $4  }
0x455: {  	[hbm4b:s6+s3] =	stream.linear.scatter [tilespmem:s16], [sflag:$0x3], $0x800, $0x38;
	[tilespmem:$0x14D00] =	vst v63  }
0x456: {  	_ =	swait.ge [sflag:s13], $0x800  }
0x457: {  	[sflag:s13] =	ssyncset.done $0x0  }
0x458: {  	[sflag:s13] =	ssyncadd.s32 $0xFFFFF800  }
0x459: {  	s6 =	sadd.s32 s20, s11  }
0x45a: {  	s6 =	smul.u32 $0x14, s6;
	_ =	sdelay $0x1  }
0x45b: {  	s6 =	sshrl.u32 s6, $0x3  }
0x45c: {  	s6 =	sadd.s32 s4, s6  }
0x45d: {  	[tilespmem:s23], [sflag:$0x3] =	stream.linear.gather [hbm4b:s6+s3], $0x280, $0x38;
	[tilespmem:$0x14D00] =	vst v63  }
0x45e: {  	_ =	swait.ge [sflag:s13], $0x280  }
0x45f: {  	[sflag:s13] =	ssyncset.done $0x0  }
0x460: {  	[sflag:s13] =	ssyncadd.s32 $0xFFFFFD80  }
0x461: {  	[tilespmem:s24], [sflag:$0x2] =	stream.indirect.gather [hbm4b:s5+s14], $0x40, s23, s14, $0xb8;
	[tilespmem:$0x14D00] =	vst v63  }
0x462: {  	_ = 	snop  }
0x463: {  	[tilespmem:s26], [sflag:$0x2] =	stream.indirect.gather [hbm4b:s5+s14], $0x40, s25, s14, $0xb8;
	[tilespmem:$0x14D00] =	vst v63  }
0x464: {  	_ = 	snop  }
0x465: {  	[tilespmem:s29], [sflag:$0x2] =	stream.indirect.gather [hbm4b:s5+s14], $0x40, s28, s14, $0xb8;
	[tilespmem:$0x14D00] =	vst v63  }
.Ltmp5:
0x466: {  	_ = 	snop;
	(pc) =	sbr.rel .LBB2_2-.Ltmp5, $4  }
0x467: {  	_ = 	snop  }
0x468: {  	[tilespmem:s31], [sflag:$0x2] =	stream.indirect.gather [hbm4b:s5+s14], $0x40, s30, s14, $0xb8;
	[tilespmem:$0x14D00] =	vst v63  }
0x469: {  	s19 =	sadd.s32 $0x1, s19  }
0x46a: {  	[tilespmem:s1], [sflag:$0x2] =	stream.indirect.gather [hbm4b:s5+s14], $0x40, s0, s14, $0xb8;
	[tilespmem:$0x14D00] =	vst v63  }
.LBB2_9:
0x46b: {  	_ =	sfence.sel $0x180000  }
0x46c: {  	[bflag:$0x0] =	sbarrier.arrive $0xFFFF  }
0x46d: {  	_ =	strace $0x90000047  }
0x46e: {  	s0 =	stileid.u32;
	[bflag:$0x2] =	sbarrier.arrive $0xFFFF  }
0x46f: {  	p0 =	sne.s32 s0, $0x0;
	s0 =	rddreg [dreg:$0x2]  }
0x470: {  	s0 =	sadd.s32 @!p0 $0x100000, s0  }
0x471: {  	[sflag:s0] =	ssyncadd.tile.s32 @!p0 $0x1;
	_ =	shalt  }
.Lfunc_end2:
_tile_overlayer_lowered:
.L_overlay_start_2:
0x472: {  	(tag) =	ssettag $0x2  }
0x473: {  	s0 =	rddreg [dreg:$0x0];
	s2 =	stileid.u32  }
0x474: {  	s1 =	rddreg [dreg:$0x1];
	p0 =	sne.s32 s2, $0x0  }
0x475: {  	s3 =	rddreg [dreg:$0x2];
	[bflag:$0x3] =	sbarrier.arrive $0xFFFF;
	s2 =	simm.s32 @!p0 $0x1C03  }
0x476: {  	[timem:s3], [sflag:s2] =	dma.local @!p0 [hbm:s0], s1  }
0x477: {  	s0 =	simm.s32 @!p0 $0x3  }
0x478: {  	_ =	swait.ge @!p0 [sflag:s0], s1  }
0x479: {  	s1 =	ssub.s32 @!p0 $0x0, s1;
	[sflag:s0] =	ssyncset.done @!p0 $0x0  }
0x47a: {  	[sflag:s0] =	ssyncadd.s32 @!p0 s1  }
0x47b: {  	[bflag:$0x3] =	sbarrier.arrive $0xFFFF  }
0x47c: {  	_ =	shalt  }

</sc_bundles>
